<compile_context>
chip_gen: v7x
topology: tpu7x:2x2x1
jax: 0.10.2.dev20260603
libtpu: 0.0.44.dev20260713+nightly
codegen_flags: <defaults>
</compile_context>

<pallas_src>
import functools

import jax
import jax.numpy as jnp
from jax import lax
from jax.experimental import pallas as pl
from jax.experimental.pallas import tpu as pltpu
from jax.experimental.pallas import tpu_sc as plsc

N = 10000
E = 160000
PAD_N = 10016
NC, NS = 2, 16
NW = NC * NS
E_PAD = 163840
EPT = E_PAD // NW
CH = 128
NCH = EPT // CH
ROWS_I = 632
ROWS_I_LAST = N - 15 * ROWS_I
ROWS_D = 632
ROWS_D_LAST = PAD_N - 15 * ROWS_D


def _sc_mesh():
    return plsc.VectorSubcoreMesh(core_axis_name="c", subcore_axis_name="s",
                                  num_cores=NC, num_subcores=NS)


def _acc_init(s, zero_hbm, acc_sh):
    @pl.when(s < NS - 1)
    def _():
        pltpu.sync_copy(zero_hbm.at[pl.ds(s * ROWS_I, ROWS_I)],
                        acc_sh.at[pl.ds(s * ROWS_I, ROWS_I)])

    @pl.when(s == NS - 1)
    def _():
        pltpu.sync_copy(zero_hbm.at[pl.ds(15 * ROWS_I, ROWS_I_LAST)],
                        acc_sh.at[pl.ds(15 * ROWS_I, ROWS_I_LAST)])


def _acc_dump(c, s, acc_sh, out_hbm):
    @pl.when(s < NS - 1)
    def _():
        pltpu.sync_copy(acc_sh.at[pl.ds(s * ROWS_D, ROWS_D)],
                        out_hbm.at[c].at[pl.ds(s * ROWS_D, ROWS_D)])

    @pl.when(s == NS - 1)
    def _():
        pltpu.sync_copy(acc_sh.at[pl.ds(15 * ROWS_D, ROWS_D_LAST)],
                        out_hbm.at[c].at[pl.ds(15 * ROWS_D, ROWS_D_LAST)])


def _make_agg(F, NB):

    @functools.partial(
        pl.kernel,
        out_type=jax.ShapeDtypeStruct((NC, PAD_N, F), jnp.float32),
        mesh=_sc_mesh(),
        scratch_types=(
            [pltpu.VMEM((NCH, CH), jnp.int32),
             pltpu.VMEM((NCH, CH), jnp.int32)]
            + [pltpu.VMEM((CH, F), jnp.float32)] * NB
            + [pltpu.VMEM_SHARED((PAD_N, F), jnp.float32)]
            + [pltpu.SemaphoreType.DMA] * NB
        ),
        compiler_params=pltpu.CompilerParams(use_tc_tiling_on_sc=False),
    )
    def agg(y_hbm, src_hbm, dst_hbm, zero_hbm, out_hbm,
            sidx_v, didx_v, *rest):
        rows = rest[:NB]
        acc_sh = rest[NB]
        sems = rest[NB + 1:]
        c = lax.axis_index("c")
        s = lax.axis_index("s")
        w = c * NS + s
        pltpu.sync_copy(src_hbm.at[pl.ds(w * NCH, NCH)], sidx_v)
        pltpu.sync_copy(dst_hbm.at[pl.ds(w * NCH, NCH)], didx_v)
        _acc_init(s, zero_hbm, acc_sh)
        plsc.subcore_barrier()

        for b in range(NB - 1):
            pltpu.async_copy(y_hbm.at[sidx_v.at[b]], rows[b], sems[b])

        def body(g, carry):
            for b in range(NB):
                i = g * NB + b
                pltpu.make_async_copy(y_hbm.at[sidx_v.at[i]],
                                      rows[b], sems[b]).wait()

                @pl.when(i + NB - 1 < NCH)
                def _():
                    nb = (b + NB - 1) % NB
                    pltpu.async_copy(y_hbm.at[sidx_v.at[i + NB - 1]],
                                     rows[nb], sems[nb])

                pltpu.sync_copy(rows[b], acc_sh.at[didx_v.at[i]], add=True)
            return carry

        lax.fori_loop(0, NCH // NB, body, 0)
        plsc.subcore_barrier()
        _acc_dump(c, s, acc_sh, out_hbm)

    return agg


def _make_deg():

    @functools.partial(
        pl.kernel,
        out_type=jax.ShapeDtypeStruct((NC, PAD_N, 16), jnp.float32),
        mesh=_sc_mesh(),
        scratch_types=[
            pltpu.VMEM((NCH, CH), jnp.int32),
            pltpu.VMEM((CH, 16), jnp.float32),
            pltpu.VMEM_SHARED((PAD_N, 16), jnp.float32),
        ],
        compiler_params=pltpu.CompilerParams(use_tc_tiling_on_sc=False),
    )
    def deg(dst_hbm, ones_hbm, zero_hbm, out_hbm, didx_v, ones_v, acc_sh):
        c = lax.axis_index("c")
        s = lax.axis_index("s")
        w = c * NS + s
        pltpu.sync_copy(ones_hbm, ones_v)
        pltpu.sync_copy(dst_hbm.at[pl.ds(w * NCH, NCH)], didx_v)
        _acc_init(s, zero_hbm, acc_sh)
        plsc.subcore_barrier()

        def body(i, carry):
            pltpu.sync_copy(ones_v, acc_sh.at[didx_v.at[i]], add=True)
            return carry

        lax.fori_loop(0, NCH, body, 0)
        plsc.subcore_barrier()
        _acc_dump(c, s, acc_sh, out_hbm)

    return deg


def _tc_stage_a1(latent, hs, Wl, Wt):
    R = 2000
    G = N // R

    def body(lat_ref, hs_ref, wl_ref, wt_ref, t_ref):
        t = jnp.dot(lat_ref[...], wl_ref[...], preferred_element_type=jnp.float32)
        t_ref[...] = t + jnp.dot(hs_ref[...], wt_ref[...],
                                 preferred_element_type=jnp.float32)

    return pl.pallas_call(
        body,
        grid=(G,),
        in_specs=[
            pl.BlockSpec((R, 256), lambda i: (i, 0)),
            pl.BlockSpec((R, 2), lambda i: (i, 0)),
            pl.BlockSpec((256, 128), lambda i: (0, 0)),
            pl.BlockSpec((2, 128), lambda i: (0, 0)),
        ],
        out_specs=pl.BlockSpec((R, 128), lambda i: (i, 0)),
        out_shape=jax.ShapeDtypeStruct((N, 128), jnp.float32),
    )(latent, hs, Wl, Wt)


def _tc_stage_a2(t1, degp):
    R = 2000
    G = N // R

    def body(t_ref, deg_ref, y_ref, dinv_ref):
        dp = deg_ref[...]
        deg = 1.0 + dp[0, :, 0:1] + dp[1, :, 0:1]
        dinv = lax.rsqrt(deg)
        y_ref[...] = t_ref[...] * dinv
        dinv_ref[...] = dinv

    return pl.pallas_call(
        body,
        grid=(G,),
        in_specs=[
            pl.BlockSpec((R, 128), lambda i: (i, 0)),
            pl.BlockSpec((NC, R, 16), lambda i: (0, i, 0)),
        ],
        out_specs=[
            pl.BlockSpec((R, 128), lambda i: (i, 0)),
            pl.BlockSpec((R, 1), lambda i: (i, 0)),
        ],
        out_shape=[
            jax.ShapeDtypeStruct((N, 128), jnp.float32),
            jax.ShapeDtypeStruct((N, 1), jnp.float32),
        ],
    )(t1, degp)


def _tc_stage_mid(acc, y, dinv, b, Wn, F, F2, F2_store):
    R = 2000
    G = N // R

    def body(acc_ref, y_ref, dinv_ref, b_ref, w_ref, out_ref):
        a = acc_ref[...]
        dinv = dinv_ref[...]
        h = (a[0] + a[1] + y_ref[...]) * dinv + b_ref[...]
        h = jnp.maximum(h, 0.0)
        yn = jnp.dot(h, w_ref[...], preferred_element_type=jnp.float32) * dinv
        if F2_store != F2:
            yn = jnp.pad(yn, ((0, 0), (0, F2_store - F2)))
        out_ref[...] = yn

    return pl.pallas_call(
        body,
        grid=(G,),
        in_specs=[
            pl.BlockSpec((NC, R, F), lambda i: (0, i, 0)),
            pl.BlockSpec((R, F), lambda i: (i, 0)),
            pl.BlockSpec((R, 1), lambda i: (i, 0)),
            pl.BlockSpec((1, F), lambda i: (0, 0)),
            pl.BlockSpec((F, F2), lambda i: (0, 0)),
        ],
        out_specs=pl.BlockSpec((R, F2_store), lambda i: (i, 0)),
        out_shape=jax.ShapeDtypeStruct((N, F2_store), jnp.float32),
    )(acc, y, dinv, b, Wn)


def _tc_stage_final(acc, y, dinv, b3, Wc, bc):
    R = 2000
    G = N // R

    def body(acc_ref, y_ref, dinv_ref, b_ref, w_ref, bc_ref, out_ref):
        a = acc_ref[...]
        dinv = dinv_ref[...]
        h = (a[0, :, 0:8] + a[1, :, 0:8] + y_ref[..., 0:8]) * dinv + b_ref[...]
        h = jnp.maximum(h, 0.0)
        out_ref[...] = (
            jnp.dot(h, w_ref[...], preferred_element_type=jnp.float32) + bc_ref[...]
        )

    return pl.pallas_call(
        body,
        grid=(G,),
        in_specs=[
            pl.BlockSpec((NC, R, 16), lambda i: (0, i, 0)),
            pl.BlockSpec((R, 16), lambda i: (i, 0)),
            pl.BlockSpec((R, 1), lambda i: (i, 0)),
            pl.BlockSpec((1, 8), lambda i: (0, 0)),
            pl.BlockSpec((8, 3), lambda i: (0, 0)),
            pl.BlockSpec((1, 3), lambda i: (0, 0)),
        ],
        out_specs=pl.BlockSpec((R, 3), lambda i: (i, 0)),
        out_shape=jax.ShapeDtypeStruct((N, 3), jnp.float32),
    )(acc, y, dinv, b3, Wc, bc)


def kernel(latent_features, history, is_subgoal, edge_data,
           W1, b1, W2, b2, W3, b3, Wc, bc):
    src = edge_data[0].astype(jnp.int32)
    dst = edge_data[1].astype(jnp.int32)
    j = jnp.arange(E_PAD - E, dtype=jnp.int32)
    pad_src = N + (j % 16)
    src_p = jnp.concatenate([src, pad_src]).reshape(E_PAD // CH, CH)
    dst_p = jnp.concatenate([dst, j % N]).reshape(E_PAD // CH, CH)
    dst_deg = jnp.concatenate([dst, pad_src]).reshape(E_PAD // CH, CH)
    src_p, dst_p, dst_deg = lax.optimization_barrier((src_p, dst_p, dst_deg))

    zeros128, zeros64, zeros16, ones16 = lax.optimization_barrier((
        jnp.zeros((N, 128), jnp.float32),
        jnp.zeros((N, 64), jnp.float32),
        jnp.zeros((N, 16), jnp.float32),
        jnp.ones((CH, 16), jnp.float32),
    ))

    degp = _make_deg()(dst_deg, ones16, zeros16)

    hs = jnp.stack([history, is_subgoal], axis=1)
    t1 = _tc_stage_a1(latent_features, hs, W1[:256], W1[256:258])
    y1, dinv = _tc_stage_a2(t1, degp)

    pad16 = ((0, PAD_N - N), (0, 0))
    y1p = jnp.pad(y1, pad16)
    acc1 = _make_agg(128, 2)(y1p, src_p, dst_p, zeros128)
    y2 = _tc_stage_mid(acc1, y1, dinv, b1.reshape(1, -1), W2, 128, 64, 64)
    y2p = jnp.pad(y2, pad16)
    acc2 = _make_agg(64, 4)(y2p, src_p, dst_p, zeros64)
    y3 = _tc_stage_mid(acc2, y2, dinv, b2.reshape(1, -1), W3, 64, 8, 16)
    y3p = jnp.pad(y3, pad16)
    acc3 = _make_agg(16, 4)(y3p, src_p, dst_p, zeros16)
    out = _tc_stage_final(acc3, y3, dinv, b3.reshape(1, -1), Wc, bc.reshape(1, -1))
    return out

# --- scband reference (transcript-rebuilt; emitter-appended) ---
"""Pipeline reference for scband-lspconditional-gnn-59236188947122 (READ-ONLY COPY).

The authoritative reference and input builder live on the scoring server;
editing this copy changes nothing except your own understanding.
"""

import jax, jax.numpy as jnp
import numpy as np

N_NODES = 10000
N_EDGES = 160000


def _gcn_conv(x, W, b, src, dst, n):
    # Faithful PyG GCNConv: linear transform, add self-loops, symmetric norm, scatter-add, bias
    h = x @ W
    loop = jnp.arange(n, dtype=src.dtype)
    s = jnp.concatenate([src, loop])
    d = jnp.concatenate([dst, loop])
    deg = jnp.zeros((n,), h.dtype).at[d].add(1.0)
    dinv = jnp.where(deg > 0, jax.lax.rsqrt(deg), 0.0)
    norm = dinv[s] * dinv[d]
    msg = h[s] * norm[:, None]
    out = jnp.zeros((n, h.shape[1]), h.dtype).at[d].add(msg)
    return out + b


def setup_inputs(seed: int = 0) -> dict:
    key = jax.random.key(seed)
    ks = jax.random.split(key, 16)
    inp = {}
    inp['latent_features'] = jax.random.normal(ks[0], (N_NODES, 256), dtype=jnp.float32)
    inp['history'] = jax.random.uniform(ks[1], (N_NODES,), dtype=jnp.float32)
    inp['is_subgoal'] = jax.random.uniform(ks[2], (N_NODES,), dtype=jnp.float32)
    inp['edge_data'] = jax.random.randint(ks[3], (2, N_EDGES), 0, N_NODES, dtype=jnp.int64 if jax.config.jax_enable_x64 else jnp.int32)
    # Learned parameters (GCNConv: lin weight + bias; classifier Linear)
    inp['W1'] = jax.random.normal(ks[4], (258, 128), dtype=jnp.float32) * (1.0 / np.sqrt(258))
    inp['b1'] = jnp.zeros((128,), jnp.float32)
    inp['W2'] = jax.random.normal(ks[5], (128, 64), dtype=jnp.float32) * (1.0 / np.sqrt(128))
    inp['b2'] = jnp.zeros((64,), jnp.float32)
    inp['W3'] = jax.random.normal(ks[6], (64, 8), dtype=jnp.float32) * (1.0 / np.sqrt(64))
    inp['b3'] = jnp.zeros((8,), jnp.float32)
    inp['Wc'] = jax.random.normal(ks[7], (8, 3), dtype=jnp.float32) * (1.0 / np.sqrt(8))
    inp['bc'] = jax.random.normal(ks[8], (3,), dtype=jnp.float32) * 0.1
    return inp


def reference(latent_features, history, is_subgoal, edge_data, W1, b1, W2, b2, W3, b3, Wc, bc):
    src = edge_data[0]
    dst = edge_data[1]
    h = jnp.concatenate((latent_features, history.reshape(-1, 1)), axis=1)
    h = jnp.concatenate((h, is_subgoal.reshape(-1, 1)), axis=1)
    h = _gcn_conv(h, W1, b1, src, dst, N_NODES)
    h = jax.nn.relu(h)
    h = _gcn_conv(h, W2, b2, src, dst, N_NODES)
    h = jax.nn.relu(h)
    h = _gcn_conv(h, W3, b3, src, dst, N_NODES)
    h = jax.nn.relu(h)
    h = h @ Wc + bc
    return h

if __name__ == "__main__":
    import jax
    _d = setup_inputs()
    print(jax.jit(kernel)(*tuple(_d.values())))

</pallas_src>

<mosaic_0001>
#map = affine_map<(d0, d1) -> (0, 0)>
#map1 = affine_map<(d0, d1) -> (0, 0, 0)>
module attributes {stable_mosaic.version = 14 : i64} {
  func.func @agg(%arg0: i32, %arg1: i32, %arg2: memref<10016x16xf32, #tpu.memory_space<hbm>>, %arg3: memref<1280x128xi32, #tpu.memory_space<hbm>>, %arg4: memref<1280x128xi32, #tpu.memory_space<hbm>>, %arg5: memref<10000x16xf32, #tpu.memory_space<hbm>>, %arg6: memref<2x10016x16xf32, #tpu.memory_space<hbm>>, %arg7: memref<40x128xi32, #tpu.memory_space<vmem>>, %arg8: memref<40x128xi32, #tpu.memory_space<vmem>>, %arg9: memref<128x16xf32, #tpu.memory_space<vmem>>, %arg10: memref<128x16xf32, #tpu.memory_space<vmem>>, %arg11: memref<128x16xf32, #tpu.memory_space<vmem>>, %arg12: memref<128x16xf32, #tpu.memory_space<vmem>>, %arg13: memref<10016x16xf32, #tpu.memory_space<vmem_shared>>, %arg14: memref<!tpu.dma_semaphore, #tpu.memory_space<semaphore_mem>>, %arg15: memref<!tpu.dma_semaphore, #tpu.memory_space<semaphore_mem>>, %arg16: memref<!tpu.dma_semaphore, #tpu.memory_space<semaphore_mem>>, %arg17: memref<!tpu.dma_semaphore, #tpu.memory_space<semaphore_mem>>) attributes {dimension_semantics = [#tpu.dimension_semantics<core_parallel>, #tpu.dimension_semantics<subcore_parallel>], iteration_bounds = array<i64: 2, 16>, scalar_prefetch = 0 : i64, scratch_operands = 11 : i64, tpu.core_type = #tpu.core_type<sc_vector_subcore>, window_params = [{transform_indices = #map}, {transform_indices = #map}, {transform_indices = #map}, {transform_indices = #map}, {transform_indices = #map1}]} {
    %mul3A = arith.constant 16 : i32
    %mul3A_0 = arith.muli %arg0, %mul3A : i32
    %add3A = arith.addi %mul3A_0, %arg1 : i32
    %mul3A_1 = arith.constant 40 : i32
    %mul3A_2 = arith.muli %add3A, %mul3A_1 : i32
    "tpu.region"() ({
      %run_scoped3A = tpu.sem_alloc : memref<!tpu.dma_semaphore, #tpu.memory_space<semaphore_mem>>
      %dma_start3A_47 = arith.constant 0 : i32
      %dma_start3A_48 = tpu.memref_slice %arg3[%mul3A_2, %dma_start3A_47] : memref<1280x128xi32, #tpu.memory_space<hbm>> -> memref<40x128xi32, #tpu.memory_space<hbm>>
      %dma_start3A_49 = arith.constant 0 : i32
      %dma_start3A_50 = tpu.memref_slice %arg3[%mul3A_2, %dma_start3A_49] : memref<1280x128xi32, #tpu.memory_space<hbm>> -> memref<40x128xi32, #tpu.memory_space<hbm>>
      tpu.enqueue_dma source(%dma_start3A_50 : memref<40x128xi32, #tpu.memory_space<hbm>>) target(%arg7 : memref<40x128xi32, #tpu.memory_space<vmem>>) target_semaphore(%run_scoped3A : memref<!tpu.dma_semaphore, #tpu.memory_space<semaphore_mem>>)
      %dma_wait3A = arith.constant 0 : i32
      %dma_wait3A_51 = tpu.memref_slice %arg3[%mul3A_2, %dma_wait3A] : memref<1280x128xi32, #tpu.memory_space<hbm>> -> memref<40x128xi32, #tpu.memory_space<hbm>>
      %dma_wait3A_52 = arith.constant 0 : i32
      %dma_wait3A_53 = tpu.memref_slice %arg3[%mul3A_2, %dma_wait3A_52] : memref<1280x128xi32, #tpu.memory_space<hbm>> -> memref<40x128xi32, #tpu.memory_space<hbm>>
      tpu.wait_dma2 semaphore(%run_scoped3A : memref<!tpu.dma_semaphore, #tpu.memory_space<semaphore_mem>>) src(%dma_wait3A_53 : memref<40x128xi32, #tpu.memory_space<hbm>>) dst(%arg7 : memref<40x128xi32, #tpu.memory_space<vmem>>)
      tpu.yield
    }) : () -> ()
    %mul3A_3 = arith.constant 40 : i32
    %mul3A_4 = arith.muli %add3A, %mul3A_3 : i32
    "tpu.region"() ({
      %run_scoped3A = tpu.sem_alloc : memref<!tpu.dma_semaphore, #tpu.memory_space<semaphore_mem>>
      %dma_start3A_47 = arith.constant 0 : i32
      %dma_start3A_48 = tpu.memref_slice %arg4[%mul3A_4, %dma_start3A_47] : memref<1280x128xi32, #tpu.memory_space<hbm>> -> memref<40x128xi32, #tpu.memory_space<hbm>>
      %dma_start3A_49 = arith.constant 0 : i32
      %dma_start3A_50 = tpu.memref_slice %arg4[%mul3A_4, %dma_start3A_49] : memref<1280x128xi32, #tpu.memory_space<hbm>> -> memref<40x128xi32, #tpu.memory_space<hbm>>
      tpu.enqueue_dma source(%dma_start3A_50 : memref<40x128xi32, #tpu.memory_space<hbm>>) target(%arg8 : memref<40x128xi32, #tpu.memory_space<vmem>>) target_semaphore(%run_scoped3A : memref<!tpu.dma_semaphore, #tpu.memory_space<semaphore_mem>>)
      %dma_wait3A = arith.constant 0 : i32
      %dma_wait3A_51 = tpu.memref_slice %arg4[%mul3A_4, %dma_wait3A] : memref<1280x128xi32, #tpu.memory_space<hbm>> -> memref<40x128xi32, #tpu.memory_space<hbm>>
      %dma_wait3A_52 = arith.constant 0 : i32
      %dma_wait3A_53 = tpu.memref_slice %arg4[%mul3A_4, %dma_wait3A_52] : memref<1280x128xi32, #tpu.memory_space<hbm>> -> memref<40x128xi32, #tpu.memory_space<hbm>>
      tpu.wait_dma2 semaphore(%run_scoped3A : memref<!tpu.dma_semaphore, #tpu.memory_space<semaphore_mem>>) src(%dma_wait3A_53 : memref<40x128xi32, #tpu.memory_space<hbm>>) dst(%arg8 : memref<40x128xi32, #tpu.memory_space<vmem>>)
      tpu.yield
    }) : () -> ()
    %lt3A = arith.constant 15 : i32
    %lt3A_5 = arith.cmpi slt, %arg1, %lt3A : i32
    %convert_element_type3A = arith.extui %lt3A_5 : i1 to i32
    %cond3A = arith.constant 0 : i32
    %cond3A_6 = arith.cmpi ne, %convert_element_type3A, %cond3A : i32
    scf.if %cond3A_6 {
      %mul3A_47 = arith.constant 632 : i32
      %mul3A_48 = arith.muli %arg1, %mul3A_47 : i32
      %mul3A_49 = arith.constant 632 : i32
      %mul3A_50 = arith.muli %arg1, %mul3A_49 : i32
      "tpu.region"() ({
        %run_scoped3A = tpu.sem_alloc : memref<!tpu.dma_semaphore, #tpu.memory_space<semaphore_mem>>
        %dma_start3A_51 = arith.constant 0 : i32
        %dma_start3A_52 = tpu.memref_slice %arg13[%mul3A_50, %dma_start3A_51] : memref<10016x16xf32, #tpu.memory_space<vmem_shared>> -> memref<632x16xf32, #tpu.memory_space<vmem_shared>>
        %dma_start3A_53 = arith.constant 0 : i32
        %dma_start3A_54 = tpu.memref_slice %arg5[%mul3A_48, %dma_start3A_53] : memref<10000x16xf32, #tpu.memory_space<hbm>> -> memref<632x16xf32, #tpu.memory_space<hbm>>
        tpu.enqueue_dma source(%dma_start3A_54 : memref<632x16xf32, #tpu.memory_space<hbm>>) target(%dma_start3A_52 : memref<632x16xf32, #tpu.memory_space<vmem_shared>>) target_semaphore(%run_scoped3A : memref<!tpu.dma_semaphore, #tpu.memory_space<semaphore_mem>>)
        %dma_wait3A = arith.constant 0 : i32
        %dma_wait3A_55 = tpu.memref_slice %arg13[%mul3A_50, %dma_wait3A] : memref<10016x16xf32, #tpu.memory_space<vmem_shared>> -> memref<632x16xf32, #tpu.memory_space<vmem_shared>>
        %dma_wait3A_56 = arith.constant 0 : i32
        %dma_wait3A_57 = tpu.memref_slice %arg5[%mul3A_48, %dma_wait3A_56] : memref<10000x16xf32, #tpu.memory_space<hbm>> -> memref<632x16xf32, #tpu.memory_space<hbm>>
        tpu.wait_dma2 semaphore(%run_scoped3A : memref<!tpu.dma_semaphore, #tpu.memory_space<semaphore_mem>>) src(%dma_wait3A_57 : memref<632x16xf32, #tpu.memory_space<hbm>>) dst(%dma_wait3A_55 : memref<632x16xf32, #tpu.memory_space<vmem_shared>>)
        tpu.yield
      }) : () -> ()
    } else {
    }
    %eq3A = arith.constant 15 : i32
    %eq3A_7 = arith.cmpi eq, %arg1, %eq3A : i32
    %convert_element_type3A_8 = arith.extui %eq3A_7 : i1 to i32
    %cond3A_9 = arith.constant 0 : i32
    %cond3A_10 = arith.cmpi ne, %convert_element_type3A_8, %cond3A_9 : i32
    scf.if %cond3A_10 {
      "tpu.region"() ({
        %run_scoped3A = tpu.sem_alloc : memref<!tpu.dma_semaphore, #tpu.memory_space<semaphore_mem>>
        %dma_start3A_47 = arith.constant 9480 : i32
        %dma_start3A_48 = arith.constant 0 : i32
        %dma_start3A_49 = tpu.memref_slice %arg13[%dma_start3A_47, %dma_start3A_48] : memref<10016x16xf32, #tpu.memory_space<vmem_shared>> -> memref<520x16xf32, #tpu.memory_space<vmem_shared>>
        %dma_start3A_50 = arith.constant 9480 : i32
        %dma_start3A_51 = arith.constant 0 : i32
        %dma_start3A_52 = tpu.memref_slice %arg5[%dma_start3A_50, %dma_start3A_51] : memref<10000x16xf32, #tpu.memory_space<hbm>> -> memref<520x16xf32, #tpu.memory_space<hbm>>
        tpu.enqueue_dma source(%dma_start3A_52 : memref<520x16xf32, #tpu.memory_space<hbm>>) target(%dma_start3A_49 : memref<520x16xf32, #tpu.memory_space<vmem_shared>>) target_semaphore(%run_scoped3A : memref<!tpu.dma_semaphore, #tpu.memory_space<semaphore_mem>>)
        %dma_wait3A = arith.constant 9480 : i32
        %dma_wait3A_53 = arith.constant 0 : i32
        %dma_wait3A_54 = tpu.memref_slice %arg13[%dma_wait3A, %dma_wait3A_53] : memref<10016x16xf32, #tpu.memory_space<vmem_shared>> -> memref<520x16xf32, #tpu.memory_space<vmem_shared>>
        %dma_wait3A_55 = arith.constant 9480 : i32
        %dma_wait3A_56 = arith.constant 0 : i32
        %dma_wait3A_57 = tpu.memref_slice %arg5[%dma_wait3A_55, %dma_wait3A_56] : memref<10000x16xf32, #tpu.memory_space<hbm>> -> memref<520x16xf32, #tpu.memory_space<hbm>>
        tpu.wait_dma2 semaphore(%run_scoped3A : memref<!tpu.dma_semaphore, #tpu.memory_space<semaphore_mem>>) src(%dma_wait3A_57 : memref<520x16xf32, #tpu.memory_space<hbm>>) dst(%dma_wait3A_54 : memref<520x16xf32, #tpu.memory_space<vmem_shared>>)
        tpu.yield
      }) : () -> ()
    } else {
    }
    %barrier3A = arith.constant 0 : index
    tpu.barrier barrier_id(%barrier3A)
    %dma_start3A = arith.constant 0 : i32
    %dma_start3A_11 = arith.constant 0 : i32
    %dma_start3A_12 = tpu.memref_slice %arg7[%dma_start3A, %dma_start3A_11] : memref<40x128xi32, #tpu.memory_space<vmem>> -> memref<1x128xi32, #tpu.memory_space<vmem>>
    %dma_start3A_13 = tpu.memref_squeeze %dma_start3A_12 : memref<1x128xi32, #tpu.memory_space<vmem>> -> memref<128xi32, #tpu.memory_space<vmem>>
    %dma_start3A_14 = arith.constant 0 : i32
    %dma_start3A_15 = arith.constant 0 : i32
    %dma_start3A_16 = tpu.memref_slice %arg2[%dma_start3A_14, %dma_start3A_15] : memref<10016x16xf32, #tpu.memory_space<hbm>> -> memref<10016x16xf32, #tpu.memory_space<hbm>>
    tpu.enqueue_indirect_dma source(%dma_start3A_16 : memref<10016x16xf32, #tpu.memory_space<hbm>>) target(%arg9 : memref<128x16xf32, #tpu.memory_space<vmem>>) offsets(%dma_start3A_13 : memref<128xi32, #tpu.memory_space<vmem>>) semaphore(%arg14 : memref<!tpu.dma_semaphore, #tpu.memory_space<semaphore_mem>>)
    %dma_start3A_17 = arith.constant 1 : i32
    %dma_start3A_18 = arith.constant 0 : i32
    %dma_start3A_19 = tpu.memref_slice %arg7[%dma_start3A_17, %dma_start3A_18] : memref<40x128xi32, #tpu.memory_space<vmem>> -> memref<1x128xi32, #tpu.memory_space<vmem>>
    %dma_start3A_20 = tpu.memref_squeeze %dma_start3A_19 : memref<1x128xi32, #tpu.memory_space<vmem>> -> memref<128xi32, #tpu.memory_space<vmem>>
    %dma_start3A_21 = arith.constant 0 : i32
    %dma_start3A_22 = arith.constant 0 : i32
    %dma_start3A_23 = tpu.memref_slice %arg2[%dma_start3A_21, %dma_start3A_22] : memref<10016x16xf32, #tpu.memory_space<hbm>> -> memref<10016x16xf32, #tpu.memory_space<hbm>>
    tpu.enqueue_indirect_dma source(%dma_start3A_23 : memref<10016x16xf32, #tpu.memory_space<hbm>>) target(%arg10 : memref<128x16xf32, #tpu.memory_space<vmem>>) offsets(%dma_start3A_20 : memref<128xi32, #tpu.memory_space<vmem>>) semaphore(%arg15 : memref<!tpu.dma_semaphore, #tpu.memory_space<semaphore_mem>>)
    %dma_start3A_24 = arith.constant 2 : i32
    %dma_start3A_25 = arith.constant 0 : i32
    %dma_start3A_26 = tpu.memref_slice %arg7[%dma_start3A_24, %dma_start3A_25] : memref<40x128xi32, #tpu.memory_space<vmem>> -> memref<1x128xi32, #tpu.memory_space<vmem>>
    %dma_start3A_27 = tpu.memref_squeeze %dma_start3A_26 : memref<1x128xi32, #tpu.memory_space<vmem>> -> memref<128xi32, #tpu.memory_space<vmem>>
    %dma_start3A_28 = arith.constant 0 : i32
    %dma_start3A_29 = arith.constant 0 : i32
    %dma_start3A_30 = tpu.memref_slice %arg2[%dma_start3A_28, %dma_start3A_29] : memref<10016x16xf32, #tpu.memory_space<hbm>> -> memref<10016x16xf32, #tpu.memory_space<hbm>>
    tpu.enqueue_indirect_dma source(%dma_start3A_30 : memref<10016x16xf32, #tpu.memory_space<hbm>>) target(%arg11 : memref<128x16xf32, #tpu.memory_space<vmem>>) offsets(%dma_start3A_27 : memref<128xi32, #tpu.memory_space<vmem>>) semaphore(%arg16 : memref<!tpu.dma_semaphore, #tpu.memory_space<semaphore_mem>>)
    %scan3A = arith.constant 0 : i32
    %scan3A_31 = arith.constant 0 : i32
    %scan3A_32 = arith.constant 10 : i32
    %scan3A_33 = arith.addi %scan3A_31, %scan3A_32 : i32
    %scan3A_34 = arith.constant 1 : i32
    scf.for %scan3A_47 = %scan3A_31 to %scan3A_33 step %scan3A_34  : i32 {
      %mul3A_48 = arith.constant 4 : i32
      %mul3A_49 = arith.muli %scan3A_47, %mul3A_48 : i32
      %add3A_50 = arith.constant 0 : i32
      %add3A_51 = arith.addi %mul3A_49, %add3A_50 : i32
      %dma_wait3A = arith.constant 0 : i32
      %dma_wait3A_52 = tpu.memref_slice %arg7[%add3A_51, %dma_wait3A] : memref<40x128xi32, #tpu.memory_space<vmem>> -> memref<1x128xi32, #tpu.memory_space<vmem>>
      %dma_wait3A_53 = tpu.memref_squeeze %dma_wait3A_52 : memref<1x128xi32, #tpu.memory_space<vmem>> -> memref<128xi32, #tpu.memory_space<vmem>>
      %dma_wait3A_54 = arith.constant 0 : i32
      %dma_wait3A_55 = arith.constant 0 : i32
      %dma_wait3A_56 = tpu.memref_slice %arg2[%dma_wait3A_54, %dma_wait3A_55] : memref<10016x16xf32, #tpu.memory_space<hbm>> -> memref<10016x16xf32, #tpu.memory_space<hbm>>
      tpu.wait_indirect_dma semaphore(%arg14 : memref<!tpu.dma_semaphore, #tpu.memory_space<semaphore_mem>>) src(%dma_wait3A_56 : memref<10016x16xf32, #tpu.memory_space<hbm>>) dst(%arg9 : memref<128x16xf32, #tpu.memory_space<vmem>>)
      %add3A_57 = arith.constant 4 : i32
      %add3A_58 = arith.addi %add3A_51, %add3A_57 : i32
      %sub3A = arith.constant 1 : i32
      %sub3A_59 = arith.subi %add3A_58, %sub3A : i32
      %lt3A_60 = arith.constant 40 : i32
      %lt3A_61 = arith.cmpi slt, %sub3A_59, %lt3A_60 : i32
      %convert_element_type3A_62 = arith.extui %lt3A_61 : i1 to i32
      %cond3A_63 = arith.constant 0 : i32
      %cond3A_64 = arith.cmpi ne, %convert_element_type3A_62, %cond3A_63 : i32
      scf.if %cond3A_64 {
        %add3A_122 = arith.constant 4 : i32
        %add3A_123 = arith.addi %add3A_51, %add3A_122 : i32
        %sub3A_124 = arith.constant 1 : i32
        %sub3A_125 = arith.subi %add3A_123, %sub3A_124 : i32
        %dma_start3A_126 = arith.constant 0 : i32
        %dma_start3A_127 = tpu.memref_slice %arg7[%sub3A_125, %dma_start3A_126] : memref<40x128xi32, #tpu.memory_space<vmem>> -> memref<1x128xi32, #tpu.memory_space<vmem>>
        %dma_start3A_128 = tpu.memref_squeeze %dma_start3A_127 : memref<1x128xi32, #tpu.memory_space<vmem>> -> memref<128xi32, #tpu.memory_space<vmem>>
        %dma_start3A_129 = arith.constant 0 : i32
        %dma_start3A_130 = arith.constant 0 : i32
        %dma_start3A_131 = tpu.memref_slice %arg2[%dma_start3A_129, %dma_start3A_130] : memref<10016x16xf32, #tpu.memory_space<hbm>> -> memref<10016x16xf32, #tpu.memory_space<hbm>>
        tpu.enqueue_indirect_dma source(%dma_start3A_131 : memref<10016x16xf32, #tpu.memory_space<hbm>>) target(%arg12 : memref<128x16xf32, #tpu.memory_space<vmem>>) offsets(%dma_start3A_128 : memref<128xi32, #tpu.memory_space<vmem>>) semaphore(%arg17 : memref<!tpu.dma_semaphore, #tpu.memory_space<semaphore_mem>>)
      } else {
      }
      "tpu.region"() ({
        %run_scoped3A = tpu.sem_alloc : memref<!tpu.dma_semaphore, #tpu.memory_space<semaphore_mem>>
        %dma_start3A_122 = arith.constant 0 : i32
        %dma_start3A_123 = tpu.memref_slice %arg8[%add3A_51, %dma_start3A_122] : memref<40x128xi32, #tpu.memory_space<vmem>> -> memref<1x128xi32, #tpu.memory_space<vmem>>
        %dma_start3A_124 = tpu.memref_squeeze %dma_start3A_123 : memref<1x128xi32, #tpu.memory_space<vmem>> -> memref<128xi32, #tpu.memory_space<vmem>>
        %dma_start3A_125 = arith.constant 0 : i32
        %dma_start3A_126 = arith.constant 0 : i32
        %dma_start3A_127 = tpu.memref_slice %arg13[%dma_start3A_125, %dma_start3A_126] : memref<10016x16xf32, #tpu.memory_space<vmem_shared>> -> memref<10016x16xf32, #tpu.memory_space<vmem_shared>>
        tpu.enqueue_indirect_dma source(%arg9 : memref<128x16xf32, #tpu.memory_space<vmem>>) target(%dma_start3A_127 : memref<10016x16xf32, #tpu.memory_space<vmem_shared>>) offsets(%dma_start3A_124 : memref<128xi32, #tpu.memory_space<vmem>>) semaphore(%run_scoped3A : memref<!tpu.dma_semaphore, #tpu.memory_space<semaphore_mem>>) {add = true}
        %dma_wait3A_128 = arith.constant 0 : i32
        %dma_wait3A_129 = tpu.memref_slice %arg8[%add3A_51, %dma_wait3A_128] : memref<40x128xi32, #tpu.memory_space<vmem>> -> memref<1x128xi32, #tpu.memory_space<vmem>>
        %dma_wait3A_130 = tpu.memref_squeeze %dma_wait3A_129 : memref<1x128xi32, #tpu.memory_space<vmem>> -> memref<128xi32, #tpu.memory_space<vmem>>
        %dma_wait3A_131 = arith.constant 0 : i32
        %dma_wait3A_132 = arith.constant 0 : i32
        %dma_wait3A_133 = tpu.memref_slice %arg13[%dma_wait3A_131, %dma_wait3A_132] : memref<10016x16xf32, #tpu.memory_space<vmem_shared>> -> memref<10016x16xf32, #tpu.memory_space<vmem_shared>>
        tpu.wait_indirect_dma semaphore(%run_scoped3A : memref<!tpu.dma_semaphore, #tpu.memory_space<semaphore_mem>>) src(%arg9 : memref<128x16xf32, #tpu.memory_space<vmem>>) dst(%dma_wait3A_133 : memref<10016x16xf32, #tpu.memory_space<vmem_shared>>)
        tpu.yield
      }) : () -> ()
      %mul3A_65 = arith.constant 4 : i32
      %mul3A_66 = arith.muli %scan3A_47, %mul3A_65 : i32
      %add3A_67 = arith.constant 1 : i32
      %add3A_68 = arith.addi %mul3A_66, %add3A_67 : i32
      %dma_wait3A_69 = arith.constant 0 : i32
      %dma_wait3A_70 = tpu.memref_slice %arg7[%add3A_68, %dma_wait3A_69] : memref<40x128xi32, #tpu.memory_space<vmem>> -> memref<1x128xi32, #tpu.memory_space<vmem>>
      %dma_wait3A_71 = tpu.memref_squeeze %dma_wait3A_70 : memref<1x128xi32, #tpu.memory_space<vmem>> -> memref<128xi32, #tpu.memory_space<vmem>>
      %dma_wait3A_72 = arith.constant 0 : i32
      %dma_wait3A_73 = arith.constant 0 : i32
      %dma_wait3A_74 = tpu.memref_slice %arg2[%dma_wait3A_72, %dma_wait3A_73] : memref<10016x16xf32, #tpu.memory_space<hbm>> -> memref<10016x16xf32, #tpu.memory_space<hbm>>
      tpu.wait_indirect_dma semaphore(%arg15 : memref<!tpu.dma_semaphore, #tpu.memory_space<semaphore_mem>>) src(%dma_wait3A_74 : memref<10016x16xf32, #tpu.memory_space<hbm>>) dst(%arg10 : memref<128x16xf32, #tpu.memory_space<vmem>>)
      %add3A_75 = arith.constant 4 : i32
      %add3A_76 = arith.addi %add3A_68, %add3A_75 : i32
      %sub3A_77 = arith.constant 1 : i32
      %sub3A_78 = arith.subi %add3A_76, %sub3A_77 : i32
      %lt3A_79 = arith.constant 40 : i32
      %lt3A_80 = arith.cmpi slt, %sub3A_78, %lt3A_79 : i32
      %convert_element_type3A_81 = arith.extui %lt3A_80 : i1 to i32
      %cond3A_82 = arith.constant 0 : i32
      %cond3A_83 = arith.cmpi ne, %convert_element_type3A_81, %cond3A_82 : i32
      scf.if %cond3A_83 {
        %add3A_122 = arith.constant 4 : i32
        %add3A_123 = arith.addi %add3A_68, %add3A_122 : i32
        %sub3A_124 = arith.constant 1 : i32
        %sub3A_125 = arith.subi %add3A_123, %sub3A_124 : i32
        %dma_start3A_126 = arith.constant 0 : i32
        %dma_start3A_127 = tpu.memref_slice %arg7[%sub3A_125, %dma_start3A_126] : memref<40x128xi32, #tpu.memory_space<vmem>> -> memref<1x128xi32, #tpu.memory_space<vmem>>
        %dma_start3A_128 = tpu.memref_squeeze %dma_start3A_127 : memref<1x128xi32, #tpu.memory_space<vmem>> -> memref<128xi32, #tpu.memory_space<vmem>>
        %dma_start3A_129 = arith.constant 0 : i32
        %dma_start3A_130 = arith.constant 0 : i32
        %dma_start3A_131 = tpu.memref_slice %arg2[%dma_start3A_129, %dma_start3A_130] : memref<10016x16xf32, #tpu.memory_space<hbm>> -> memref<10016x16xf32, #tpu.memory_space<hbm>>
        tpu.enqueue_indirect_dma source(%dma_start3A_131 : memref<10016x16xf32, #tpu.memory_space<hbm>>) target(%arg9 : memref<128x16xf32, #tpu.memory_space<vmem>>) offsets(%dma_start3A_128 : memref<128xi32, #tpu.memory_space<vmem>>) semaphore(%arg14 : memref<!tpu.dma_semaphore, #tpu.memory_space<semaphore_mem>>)
      } else {
      }
      "tpu.region"() ({
        %run_scoped3A = tpu.sem_alloc : memref<!tpu.dma_semaphore, #tpu.memory_space<semaphore_mem>>
        %dma_start3A_122 = arith.constant 0 : i32
        %dma_start3A_123 = tpu.memref_slice %arg8[%add3A_68, %dma_start3A_122] : memref<40x128xi32, #tpu.memory_space<vmem>> -> memref<1x128xi32, #tpu.memory_space<vmem>>
        %dma_start3A_124 = tpu.memref_squeeze %dma_start3A_123 : memref<1x128xi32, #tpu.memory_space<vmem>> -> memref<128xi32, #tpu.memory_space<vmem>>
        %dma_start3A_125 = arith.constant 0 : i32
        %dma_start3A_126 = arith.constant 0 : i32
        %dma_start3A_127 = tpu.memref_slice %arg13[%dma_start3A_125, %dma_start3A_126] : memref<10016x16xf32, #tpu.memory_space<vmem_shared>> -> memref<10016x16xf32, #tpu.memory_space<vmem_shared>>
        tpu.enqueue_indirect_dma source(%arg10 : memref<128x16xf32, #tpu.memory_space<vmem>>) target(%dma_start3A_127 : memref<10016x16xf32, #tpu.memory_space<vmem_shared>>) offsets(%dma_start3A_124 : memref<128xi32, #tpu.memory_space<vmem>>) semaphore(%run_scoped3A : memref<!tpu.dma_semaphore, #tpu.memory_space<semaphore_mem>>) {add = true}
        %dma_wait3A_128 = arith.constant 0 : i32
        %dma_wait3A_129 = tpu.memref_slice %arg8[%add3A_68, %dma_wait3A_128] : memref<40x128xi32, #tpu.memory_space<vmem>> -> memref<1x128xi32, #tpu.memory_space<vmem>>
        %dma_wait3A_130 = tpu.memref_squeeze %dma_wait3A_129 : memref<1x128xi32, #tpu.memory_space<vmem>> -> memref<128xi32, #tpu.memory_space<vmem>>
        %dma_wait3A_131 = arith.constant 0 : i32
        %dma_wait3A_132 = arith.constant 0 : i32
        %dma_wait3A_133 = tpu.memref_slice %arg13[%dma_wait3A_131, %dma_wait3A_132] : memref<10016x16xf32, #tpu.memory_space<vmem_shared>> -> memref<10016x16xf32, #tpu.memory_space<vmem_shared>>
        tpu.wait_indirect_dma semaphore(%run_scoped3A : memref<!tpu.dma_semaphore, #tpu.memory_space<semaphore_mem>>) src(%arg10 : memref<128x16xf32, #tpu.memory_space<vmem>>) dst(%dma_wait3A_133 : memref<10016x16xf32, #tpu.memory_space<vmem_shared>>)
        tpu.yield
      }) : () -> ()
      %mul3A_84 = arith.constant 4 : i32
      %mul3A_85 = arith.muli %scan3A_47, %mul3A_84 : i32
      %add3A_86 = arith.constant 2 : i32
      %add3A_87 = arith.addi %mul3A_85, %add3A_86 : i32
      %dma_wait3A_88 = arith.constant 0 : i32
      %dma_wait3A_89 = tpu.memref_slice %arg7[%add3A_87, %dma_wait3A_88] : memref<40x128xi32, #tpu.memory_space<vmem>> -> memref<1x128xi32, #tpu.memory_space<vmem>>
      %dma_wait3A_90 = tpu.memref_squeeze %dma_wait3A_89 : memref<1x128xi32, #tpu.memory_space<vmem>> -> memref<128xi32, #tpu.memory_space<vmem>>
      %dma_wait3A_91 = arith.constant 0 : i32
      %dma_wait3A_92 = arith.constant 0 : i32
      %dma_wait3A_93 = tpu.memref_slice %arg2[%dma_wait3A_91, %dma_wait3A_92] : memref<10016x16xf32, #tpu.memory_space<hbm>> -> memref<10016x16xf32, #tpu.memory_space<hbm>>
      tpu.wait_indirect_dma semaphore(%arg16 : memref<!tpu.dma_semaphore, #tpu.memory_space<semaphore_mem>>) src(%dma_wait3A_93 : memref<10016x16xf32, #tpu.memory_space<hbm>>) dst(%arg11 : memref<128x16xf32, #tpu.memory_space<vmem>>)
      %add3A_94 = arith.constant 4 : i32
      %add3A_95 = arith.addi %add3A_87, %add3A_94 : i32
      %sub3A_96 = arith.constant 1 : i32
      %sub3A_97 = arith.subi %add3A_95, %sub3A_96 : i32
      %lt3A_98 = arith.constant 40 : i32
      %lt3A_99 = arith.cmpi slt, %sub3A_97, %lt3A_98 : i32
      %convert_element_type3A_100 = arith.extui %lt3A_99 : i1 to i32
      %cond3A_101 = arith.constant 0 : i32
      %cond3A_102 = arith.cmpi ne, %convert_element_type3A_100, %cond3A_101 : i32
      scf.if %cond3A_102 {
        %add3A_122 = arith.constant 4 : i32
        %add3A_123 = arith.addi %add3A_87, %add3A_122 : i32
        %sub3A_124 = arith.constant 1 : i32
        %sub3A_125 = arith.subi %add3A_123, %sub3A_124 : i32
        %dma_start3A_126 = arith.constant 0 : i32
        %dma_start3A_127 = tpu.memref_slice %arg7[%sub3A_125, %dma_start3A_126] : memref<40x128xi32, #tpu.memory_space<vmem>> -> memref<1x128xi32, #tpu.memory_space<vmem>>
        %dma_start3A_128 = tpu.memref_squeeze %dma_start3A_127 : memref<1x128xi32, #tpu.memory_space<vmem>> -> memref<128xi32, #tpu.memory_space<vmem>>
        %dma_start3A_129 = arith.constant 0 : i32
        %dma_start3A_130 = arith.constant 0 : i32
        %dma_start3A_131 = tpu.memref_slice %arg2[%dma_start3A_129, %dma_start3A_130] : memref<10016x16xf32, #tpu.memory_space<hbm>> -> memref<10016x16xf32, #tpu.memory_space<hbm>>
        tpu.enqueue_indirect_dma source(%dma_start3A_131 : memref<10016x16xf32, #tpu.memory_space<hbm>>) target(%arg10 : memref<128x16xf32, #tpu.memory_space<vmem>>) offsets(%dma_start3A_128 : memref<128xi32, #tpu.memory_space<vmem>>) semaphore(%arg15 : memref<!tpu.dma_semaphore, #tpu.memory_space<semaphore_mem>>)
      } else {
      }
      "tpu.region"() ({
        %run_scoped3A = tpu.sem_alloc : memref<!tpu.dma_semaphore, #tpu.memory_space<semaphore_mem>>
        %dma_start3A_122 = arith.constant 0 : i32
        %dma_start3A_123 = tpu.memref_slice %arg8[%add3A_87, %dma_start3A_122] : memref<40x128xi32, #tpu.memory_space<vmem>> -> memref<1x128xi32, #tpu.memory_space<vmem>>
        %dma_start3A_124 = tpu.memref_squeeze %dma_start3A_123 : memref<1x128xi32, #tpu.memory_space<vmem>> -> memref<128xi32, #tpu.memory_space<vmem>>
        %dma_start3A_125 = arith.constant 0 : i32
        %dma_start3A_126 = arith.constant 0 : i32
        %dma_start3A_127 = tpu.memref_slice %arg13[%dma_start3A_125, %dma_start3A_126] : memref<10016x16xf32, #tpu.memory_space<vmem_shared>> -> memref<10016x16xf32, #tpu.memory_space<vmem_shared>>
        tpu.enqueue_indirect_dma source(%arg11 : memref<128x16xf32, #tpu.memory_space<vmem>>) target(%dma_start3A_127 : memref<10016x16xf32, #tpu.memory_space<vmem_shared>>) offsets(%dma_start3A_124 : memref<128xi32, #tpu.memory_space<vmem>>) semaphore(%run_scoped3A : memref<!tpu.dma_semaphore, #tpu.memory_space<semaphore_mem>>) {add = true}
        %dma_wait3A_128 = arith.constant 0 : i32
        %dma_wait3A_129 = tpu.memref_slice %arg8[%add3A_87, %dma_wait3A_128] : memref<40x128xi32, #tpu.memory_space<vmem>> -> memref<1x128xi32, #tpu.memory_space<vmem>>
        %dma_wait3A_130 = tpu.memref_squeeze %dma_wait3A_129 : memref<1x128xi32, #tpu.memory_space<vmem>> -> memref<128xi32, #tpu.memory_space<vmem>>
        %dma_wait3A_131 = arith.constant 0 : i32
        %dma_wait3A_132 = arith.constant 0 : i32
        %dma_wait3A_133 = tpu.memref_slice %arg13[%dma_wait3A_131, %dma_wait3A_132] : memref<10016x16xf32, #tpu.memory_space<vmem_shared>> -> memref<10016x16xf32, #tpu.memory_space<vmem_shared>>
        tpu.wait_indirect_dma semaphore(%run_scoped3A : memref<!tpu.dma_semaphore, #tpu.memory_space<semaphore_mem>>) src(%arg11 : memref<128x16xf32, #tpu.memory_space<vmem>>) dst(%dma_wait3A_133 : memref<10016x16xf32, #tpu.memory_space<vmem_shared>>)
        tpu.yield
      }) : () -> ()
      %mul3A_103 = arith.constant 4 : i32
      %mul3A_104 = arith.muli %scan3A_47, %mul3A_103 : i32
      %add3A_105 = arith.constant 3 : i32
      %add3A_106 = arith.addi %mul3A_104, %add3A_105 : i32
      %dma_wait3A_107 = arith.constant 0 : i32
      %dma_wait3A_108 = tpu.memref_slice %arg7[%add3A_106, %dma_wait3A_107] : memref<40x128xi32, #tpu.memory_space<vmem>> -> memref<1x128xi32, #tpu.memory_space<vmem>>
      %dma_wait3A_109 = tpu.memref_squeeze %dma_wait3A_108 : memref<1x128xi32, #tpu.memory_space<vmem>> -> memref<128xi32, #tpu.memory_space<vmem>>
      %dma_wait3A_110 = arith.constant 0 : i32
      %dma_wait3A_111 = arith.constant 0 : i32
      %dma_wait3A_112 = tpu.memref_slice %arg2[%dma_wait3A_110, %dma_wait3A_111] : memref<10016x16xf32, #tpu.memory_space<hbm>> -> memref<10016x16xf32, #tpu.memory_space<hbm>>
      tpu.wait_indirect_dma semaphore(%arg17 : memref<!tpu.dma_semaphore, #tpu.memory_space<semaphore_mem>>) src(%dma_wait3A_112 : memref<10016x16xf32, #tpu.memory_space<hbm>>) dst(%arg12 : memref<128x16xf32, #tpu.memory_space<vmem>>)
      %add3A_113 = arith.constant 4 : i32
      %add3A_114 = arith.addi %add3A_106, %add3A_113 : i32
      %sub3A_115 = arith.constant 1 : i32
      %sub3A_116 = arith.subi %add3A_114, %sub3A_115 : i32
      %lt3A_117 = arith.constant 40 : i32
      %lt3A_118 = arith.cmpi slt, %sub3A_116, %lt3A_117 : i32
      %convert_element_type3A_119 = arith.extui %lt3A_118 : i1 to i32
      %cond3A_120 = arith.constant 0 : i32
      %cond3A_121 = arith.cmpi ne, %convert_element_type3A_119, %cond3A_120 : i32
      scf.if %cond3A_121 {
        %add3A_122 = arith.constant 4 : i32
        %add3A_123 = arith.addi %add3A_106, %add3A_122 : i32
        %sub3A_124 = arith.constant 1 : i32
        %sub3A_125 = arith.subi %add3A_123, %sub3A_124 : i32
        %dma_start3A_126 = arith.constant 0 : i32
        %dma_start3A_127 = tpu.memref_slice %arg7[%sub3A_125, %dma_start3A_126] : memref<40x128xi32, #tpu.memory_space<vmem>> -> memref<1x128xi32, #tpu.memory_space<vmem>>
        %dma_start3A_128 = tpu.memref_squeeze %dma_start3A_127 : memref<1x128xi32, #tpu.memory_space<vmem>> -> memref<128xi32, #tpu.memory_space<vmem>>
        %dma_start3A_129 = arith.constant 0 : i32
        %dma_start3A_130 = arith.constant 0 : i32
        %dma_start3A_131 = tpu.memref_slice %arg2[%dma_start3A_129, %dma_start3A_130] : memref<10016x16xf32, #tpu.memory_space<hbm>> -> memref<10016x16xf32, #tpu.memory_space<hbm>>
        tpu.enqueue_indirect_dma source(%dma_start3A_131 : memref<10016x16xf32, #tpu.memory_space<hbm>>) target(%arg11 : memref<128x16xf32, #tpu.memory_space<vmem>>) offsets(%dma_start3A_128 : memref<128xi32, #tpu.memory_space<vmem>>) semaphore(%arg16 : memref<!tpu.dma_semaphore, #tpu.memory_space<semaphore_mem>>)
      } else {
      }
      "tpu.region"() ({
        %run_scoped3A = tpu.sem_alloc : memref<!tpu.dma_semaphore, #tpu.memory_space<semaphore_mem>>
        %dma_start3A_122 = arith.constant 0 : i32
        %dma_start3A_123 = tpu.memref_slice %arg8[%add3A_106, %dma_start3A_122] : memref<40x128xi32, #tpu.memory_space<vmem>> -> memref<1x128xi32, #tpu.memory_space<vmem>>
        %dma_start3A_124 = tpu.memref_squeeze %dma_start3A_123 : memref<1x128xi32, #tpu.memory_space<vmem>> -> memref<128xi32, #tpu.memory_space<vmem>>
        %dma_start3A_125 = arith.constant 0 : i32
        %dma_start3A_126 = arith.constant 0 : i32
        %dma_start3A_127 = tpu.memref_slice %arg13[%dma_start3A_125, %dma_start3A_126] : memref<10016x16xf32, #tpu.memory_space<vmem_shared>> -> memref<10016x16xf32, #tpu.memory_space<vmem_shared>>
        tpu.enqueue_indirect_dma source(%arg12 : memref<128x16xf32, #tpu.memory_space<vmem>>) target(%dma_start3A_127 : memref<10016x16xf32, #tpu.memory_space<vmem_shared>>) offsets(%dma_start3A_124 : memref<128xi32, #tpu.memory_space<vmem>>) semaphore(%run_scoped3A : memref<!tpu.dma_semaphore, #tpu.memory_space<semaphore_mem>>) {add = true}
        %dma_wait3A_128 = arith.constant 0 : i32
        %dma_wait3A_129 = tpu.memref_slice %arg8[%add3A_106, %dma_wait3A_128] : memref<40x128xi32, #tpu.memory_space<vmem>> -> memref<1x128xi32, #tpu.memory_space<vmem>>
        %dma_wait3A_130 = tpu.memref_squeeze %dma_wait3A_129 : memref<1x128xi32, #tpu.memory_space<vmem>> -> memref<128xi32, #tpu.memory_space<vmem>>
        %dma_wait3A_131 = arith.constant 0 : i32
        %dma_wait3A_132 = arith.constant 0 : i32
        %dma_wait3A_133 = tpu.memref_slice %arg13[%dma_wait3A_131, %dma_wait3A_132] : memref<10016x16xf32, #tpu.memory_space<vmem_shared>> -> memref<10016x16xf32, #tpu.memory_space<vmem_shared>>
        tpu.wait_indirect_dma semaphore(%run_scoped3A : memref<!tpu.dma_semaphore, #tpu.memory_space<semaphore_mem>>) src(%arg12 : memref<128x16xf32, #tpu.memory_space<vmem>>) dst(%dma_wait3A_133 : memref<10016x16xf32, #tpu.memory_space<vmem_shared>>)
        tpu.yield
      }) : () -> ()
    }
    %scan3A_35 = arith.constant 10 : i32
    %barrier3A_36 = arith.constant 0 : index
    tpu.barrier barrier_id(%barrier3A_36)
    %lt3A_37 = arith.constant 15 : i32
    %lt3A_38 = arith.cmpi slt, %arg1, %lt3A_37 : i32
    %convert_element_type3A_39 = arith.extui %lt3A_38 : i1 to i32
    %cond3A_40 = arith.constant 0 : i32
    %cond3A_41 = arith.cmpi ne, %convert_element_type3A_39, %cond3A_40 : i32
    scf.if %cond3A_41 {
      %mul3A_47 = arith.constant 632 : i32
      %mul3A_48 = arith.muli %arg1, %mul3A_47 : i32
      %mul3A_49 = arith.constant 632 : i32
      %mul3A_50 = arith.muli %arg1, %mul3A_49 : i32
      "tpu.region"() ({
        %run_scoped3A = tpu.sem_alloc : memref<!tpu.dma_semaphore, #tpu.memory_space<semaphore_mem>>
        %dma_start3A_51 = arith.constant 0 : i32
        %dma_start3A_52 = arith.constant 0 : i32
        %dma_start3A_53 = tpu.memref_slice %arg6[%arg0, %dma_start3A_51, %dma_start3A_52] : memref<2x10016x16xf32, #tpu.memory_space<hbm>> -> memref<1x10016x16xf32, #tpu.memory_space<hbm>>
        %dma_start3A_54 = tpu.memref_squeeze %dma_start3A_53 : memref<1x10016x16xf32, #tpu.memory_space<hbm>> -> memref<10016x16xf32, #tpu.memory_space<hbm>>
        %dma_start3A_55 = arith.constant 0 : i32
        %dma_start3A_56 = tpu.memref_slice %dma_start3A_54[%mul3A_50, %dma_start3A_55] : memref<10016x16xf32, #tpu.memory_space<hbm>> -> memref<632x16xf32, #tpu.memory_space<hbm>>
        %dma_start3A_57 = arith.constant 0 : i32
        %dma_start3A_58 = tpu.memref_slice %arg13[%mul3A_48, %dma_start3A_57] : memref<10016x16xf32, #tpu.memory_space<vmem_shared>> -> memref<632x16xf32, #tpu.memory_space<vmem_shared>>
        tpu.enqueue_dma source(%dma_start3A_58 : memref<632x16xf32, #tpu.memory_space<vmem_shared>>) target(%dma_start3A_56 : memref<632x16xf32, #tpu.memory_space<hbm>>) target_semaphore(%run_scoped3A : memref<!tpu.dma_semaphore, #tpu.memory_space<semaphore_mem>>)
        %dma_wait3A = arith.constant 0 : i32
        %dma_wait3A_59 = arith.constant 0 : i32
        %dma_wait3A_60 = tpu.memref_slice %arg6[%arg0, %dma_wait3A, %dma_wait3A_59] : memref<2x10016x16xf32, #tpu.memory_space<hbm>> -> memref<1x10016x16xf32, #tpu.memory_space<hbm>>
        %dma_wait3A_61 = tpu.memref_squeeze %dma_wait3A_60 : memref<1x10016x16xf32, #tpu.memory_space<hbm>> -> memref<10016x16xf32, #tpu.memory_space<hbm>>
        %dma_wait3A_62 = arith.constant 0 : i32
        %dma_wait3A_63 = tpu.memref_slice %dma_wait3A_61[%mul3A_50, %dma_wait3A_62] : memref<10016x16xf32, #tpu.memory_space<hbm>> -> memref<632x16xf32, #tpu.memory_space<hbm>>
        %dma_wait3A_64 = arith.constant 0 : i32
        %dma_wait3A_65 = tpu.memref_slice %arg13[%mul3A_48, %dma_wait3A_64] : memref<10016x16xf32, #tpu.memory_space<vmem_shared>> -> memref<632x16xf32, #tpu.memory_space<vmem_shared>>
        tpu.wait_dma2 semaphore(%run_scoped3A : memref<!tpu.dma_semaphore, #tpu.memory_space<semaphore_mem>>) src(%dma_wait3A_65 : memref<632x16xf32, #tpu.memory_space<vmem_shared>>) dst(%dma_wait3A_63 : memref<632x16xf32, #tpu.memory_space<hbm>>)
        tpu.yield
      }) : () -> ()
    } else {
    }
    %eq3A_42 = arith.constant 15 : i32
    %eq3A_43 = arith.cmpi eq, %arg1, %eq3A_42 : i32
    %convert_element_type3A_44 = arith.extui %eq3A_43 : i1 to i32
    %cond3A_45 = arith.constant 0 : i32
    %cond3A_46 = arith.cmpi ne, %convert_element_type3A_44, %cond3A_45 : i32
    scf.if %cond3A_46 {
      "tpu.region"() ({
        %run_scoped3A = tpu.sem_alloc : memref<!tpu.dma_semaphore, #tpu.memory_space<semaphore_mem>>
        %dma_start3A_47 = arith.constant 0 : i32
        %dma_start3A_48 = arith.constant 0 : i32
        %dma_start3A_49 = tpu.memref_slice %arg6[%arg0, %dma_start3A_47, %dma_start3A_48] : memref<2x10016x16xf32, #tpu.memory_space<hbm>> -> memref<1x10016x16xf32, #tpu.memory_space<hbm>>
        %dma_start3A_50 = tpu.memref_squeeze %dma_start3A_49 : memref<1x10016x16xf32, #tpu.memory_space<hbm>> -> memref<10016x16xf32, #tpu.memory_space<hbm>>
        %dma_start3A_51 = arith.constant 9480 : i32
        %dma_start3A_52 = arith.constant 0 : i32
        %dma_start3A_53 = tpu.memref_slice %dma_start3A_50[%dma_start3A_51, %dma_start3A_52] : memref<10016x16xf32, #tpu.memory_space<hbm>> -> memref<536x16xf32, #tpu.memory_space<hbm>>
        %dma_start3A_54 = arith.constant 9480 : i32
        %dma_start3A_55 = arith.constant 0 : i32
        %dma_start3A_56 = tpu.memref_slice %arg13[%dma_start3A_54, %dma_start3A_55] : memref<10016x16xf32, #tpu.memory_space<vmem_shared>> -> memref<536x16xf32, #tpu.memory_space<vmem_shared>>
        tpu.enqueue_dma source(%dma_start3A_56 : memref<536x16xf32, #tpu.memory_space<vmem_shared>>) target(%dma_start3A_53 : memref<536x16xf32, #tpu.memory_space<hbm>>) target_semaphore(%run_scoped3A : memref<!tpu.dma_semaphore, #tpu.memory_space<semaphore_mem>>)
        %dma_wait3A = arith.constant 0 : i32
        %dma_wait3A_57 = arith.constant 0 : i32
        %dma_wait3A_58 = tpu.memref_slice %arg6[%arg0, %dma_wait3A, %dma_wait3A_57] : memref<2x10016x16xf32, #tpu.memory_space<hbm>> -> memref<1x10016x16xf32, #tpu.memory_space<hbm>>
        %dma_wait3A_59 = tpu.memref_squeeze %dma_wait3A_58 : memref<1x10016x16xf32, #tpu.memory_space<hbm>> -> memref<10016x16xf32, #tpu.memory_space<hbm>>
        %dma_wait3A_60 = arith.constant 9480 : i32
        %dma_wait3A_61 = arith.constant 0 : i32
        %dma_wait3A_62 = tpu.memref_slice %dma_wait3A_59[%dma_wait3A_60, %dma_wait3A_61] : memref<10016x16xf32, #tpu.memory_space<hbm>> -> memref<536x16xf32, #tpu.memory_space<hbm>>
        %dma_wait3A_63 = arith.constant 9480 : i32
        %dma_wait3A_64 = arith.constant 0 : i32
        %dma_wait3A_65 = tpu.memref_slice %arg13[%dma_wait3A_63, %dma_wait3A_64] : memref<10016x16xf32, #tpu.memory_space<vmem_shared>> -> memref<536x16xf32, #tpu.memory_space<vmem_shared>>
        tpu.wait_dma2 semaphore(%run_scoped3A : memref<!tpu.dma_semaphore, #tpu.memory_space<semaphore_mem>>) src(%dma_wait3A_65 : memref<536x16xf32, #tpu.memory_space<vmem_shared>>) dst(%dma_wait3A_62 : memref<536x16xf32, #tpu.memory_space<hbm>>)
        tpu.yield
      }) : () -> ()
    } else {
    }
    return
  }
}

#map = affine_map<(d0, d1) -> (0, 0)>
#map1 = affine_map<(d0, d1) -> (0, 0, 0)>
module attributes {stable_mosaic.version = 14 : i64} {
  func.func @deg(%arg0: i32, %arg1: i32, %arg2: memref<1280x128xi32, #tpu.memory_space<hbm>>, %arg3: memref<128x16xf32, #tpu.memory_space<hbm>>, %arg4: memref<10000x16xf32, #tpu.memory_space<hbm>>, %arg5: memref<2x10016x16xf32, #tpu.memory_space<hbm>>, %arg6: memref<40x128xi32, #tpu.memory_space<vmem>>, %arg7: memref<128x16xf32, #tpu.memory_space<vmem>>, %arg8: memref<10016x16xf32, #tpu.memory_space<vmem_shared>>) attributes {dimension_semantics = [#tpu.dimension_semantics<core_parallel>, #tpu.dimension_semantics<subcore_parallel>], iteration_bounds = array<i64: 2, 16>, scalar_prefetch = 0 : i64, scratch_operands = 3 : i64, tpu.core_type = #tpu.core_type<sc_vector_subcore>, window_params = [{transform_indices = #map}, {transform_indices = #map}, {transform_indices = #map}, {transform_indices = #map1}]} {
    %mul3A = arith.constant 16 : i32
    %mul3A_0 = arith.muli %arg0, %mul3A : i32
    %add3A = arith.addi %mul3A_0, %arg1 : i32
    "tpu.region"() ({
      %run_scoped3A = tpu.sem_alloc : memref<!tpu.dma_semaphore, #tpu.memory_space<semaphore_mem>>
      tpu.enqueue_dma source(%arg3 : memref<128x16xf32, #tpu.memory_space<hbm>>) target(%arg7 : memref<128x16xf32, #tpu.memory_space<vmem>>) target_semaphore(%run_scoped3A : memref<!tpu.dma_semaphore, #tpu.memory_space<semaphore_mem>>)
      tpu.wait_dma2 semaphore(%run_scoped3A : memref<!tpu.dma_semaphore, #tpu.memory_space<semaphore_mem>>) src(%arg3 : memref<128x16xf32, #tpu.memory_space<hbm>>) dst(%arg7 : memref<128x16xf32, #tpu.memory_space<vmem>>)
      tpu.yield
    }) : () -> ()
    %mul3A_1 = arith.constant 40 : i32
    %mul3A_2 = arith.muli %add3A, %mul3A_1 : i32
    "tpu.region"() ({
      %run_scoped3A = tpu.sem_alloc : memref<!tpu.dma_semaphore, #tpu.memory_space<semaphore_mem>>
      %dma_start3A = arith.constant 0 : i32
      %dma_start3A_25 = tpu.memref_slice %arg2[%mul3A_2, %dma_start3A] : memref<1280x128xi32, #tpu.memory_space<hbm>> -> memref<40x128xi32, #tpu.memory_space<hbm>>
      %dma_start3A_26 = arith.constant 0 : i32
      %dma_start3A_27 = tpu.memref_slice %arg2[%mul3A_2, %dma_start3A_26] : memref<1280x128xi32, #tpu.memory_space<hbm>> -> memref<40x128xi32, #tpu.memory_space<hbm>>
      tpu.enqueue_dma source(%dma_start3A_27 : memref<40x128xi32, #tpu.memory_space<hbm>>) target(%arg6 : memref<40x128xi32, #tpu.memory_space<vmem>>) target_semaphore(%run_scoped3A : memref<!tpu.dma_semaphore, #tpu.memory_space<semaphore_mem>>)
      %dma_wait3A = arith.constant 0 : i32
      %dma_wait3A_28 = tpu.memref_slice %arg2[%mul3A_2, %dma_wait3A] : memref<1280x128xi32, #tpu.memory_space<hbm>> -> memref<40x128xi32, #tpu.memory_space<hbm>>
      %dma_wait3A_29 = arith.constant 0 : i32
      %dma_wait3A_30 = tpu.memref_slice %arg2[%mul3A_2, %dma_wait3A_29] : memref<1280x128xi32, #tpu.memory_space<hbm>> -> memref<40x128xi32, #tpu.memory_space<hbm>>
      tpu.wait_dma2 semaphore(%run_scoped3A : memref<!tpu.dma_semaphore, #tpu.memory_space<semaphore_mem>>) src(%dma_wait3A_30 : memref<40x128xi32, #tpu.memory_space<hbm>>) dst(%arg6 : memref<40x128xi32, #tpu.memory_space<vmem>>)
      tpu.yield
    }) : () -> ()
    %lt3A = arith.constant 15 : i32
    %lt3A_3 = arith.cmpi slt, %arg1, %lt3A : i32
    %convert_element_type3A = arith.extui %lt3A_3 : i1 to i32
    %cond3A = arith.constant 0 : i32
    %cond3A_4 = arith.cmpi ne, %convert_element_type3A, %cond3A : i32
    scf.if %cond3A_4 {
      %mul3A_25 = arith.constant 632 : i32
      %mul3A_26 = arith.muli %arg1, %mul3A_25 : i32
      %mul3A_27 = arith.constant 632 : i32
      %mul3A_28 = arith.muli %arg1, %mul3A_27 : i32
      "tpu.region"() ({
        %run_scoped3A = tpu.sem_alloc : memref<!tpu.dma_semaphore, #tpu.memory_space<semaphore_mem>>
        %dma_start3A = arith.constant 0 : i32
        %dma_start3A_29 = tpu.memref_slice %arg8[%mul3A_28, %dma_start3A] : memref<10016x16xf32, #tpu.memory_space<vmem_shared>> -> memref<632x16xf32, #tpu.memory_space<vmem_shared>>
        %dma_start3A_30 = arith.constant 0 : i32
        %dma_start3A_31 = tpu.memref_slice %arg4[%mul3A_26, %dma_start3A_30] : memref<10000x16xf32, #tpu.memory_space<hbm>> -> memref<632x16xf32, #tpu.memory_space<hbm>>
        tpu.enqueue_dma source(%dma_start3A_31 : memref<632x16xf32, #tpu.memory_space<hbm>>) target(%dma_start3A_29 : memref<632x16xf32, #tpu.memory_space<vmem_shared>>) target_semaphore(%run_scoped3A : memref<!tpu.dma_semaphore, #tpu.memory_space<semaphore_mem>>)
        %dma_wait3A = arith.constant 0 : i32
        %dma_wait3A_32 = tpu.memref_slice %arg8[%mul3A_28, %dma_wait3A] : memref<10016x16xf32, #tpu.memory_space<vmem_shared>> -> memref<632x16xf32, #tpu.memory_space<vmem_shared>>
        %dma_wait3A_33 = arith.constant 0 : i32
        %dma_wait3A_34 = tpu.memref_slice %arg4[%mul3A_26, %dma_wait3A_33] : memref<10000x16xf32, #tpu.memory_space<hbm>> -> memref<632x16xf32, #tpu.memory_space<hbm>>
        tpu.wait_dma2 semaphore(%run_scoped3A : memref<!tpu.dma_semaphore, #tpu.memory_space<semaphore_mem>>) src(%dma_wait3A_34 : memref<632x16xf32, #tpu.memory_space<hbm>>) dst(%dma_wait3A_32 : memref<632x16xf32, #tpu.memory_space<vmem_shared>>)
        tpu.yield
      }) : () -> ()
    } else {
    }
    %eq3A = arith.constant 15 : i32
    %eq3A_5 = arith.cmpi eq, %arg1, %eq3A : i32
    %convert_element_type3A_6 = arith.extui %eq3A_5 : i1 to i32
    %cond3A_7 = arith.constant 0 : i32
    %cond3A_8 = arith.cmpi ne, %convert_element_type3A_6, %cond3A_7 : i32
    scf.if %cond3A_8 {
      "tpu.region"() ({
        %run_scoped3A = tpu.sem_alloc : memref<!tpu.dma_semaphore, #tpu.memory_space<semaphore_mem>>
        %dma_start3A = arith.constant 9480 : i32
        %dma_start3A_25 = arith.constant 0 : i32
        %dma_start3A_26 = tpu.memref_slice %arg8[%dma_start3A, %dma_start3A_25] : memref<10016x16xf32, #tpu.memory_space<vmem_shared>> -> memref<520x16xf32, #tpu.memory_space<vmem_shared>>
        %dma_start3A_27 = arith.constant 9480 : i32
        %dma_start3A_28 = arith.constant 0 : i32
        %dma_start3A_29 = tpu.memref_slice %arg4[%dma_start3A_27, %dma_start3A_28] : memref<10000x16xf32, #tpu.memory_space<hbm>> -> memref<520x16xf32, #tpu.memory_space<hbm>>
        tpu.enqueue_dma source(%dma_start3A_29 : memref<520x16xf32, #tpu.memory_space<hbm>>) target(%dma_start3A_26 : memref<520x16xf32, #tpu.memory_space<vmem_shared>>) target_semaphore(%run_scoped3A : memref<!tpu.dma_semaphore, #tpu.memory_space<semaphore_mem>>)
        %dma_wait3A = arith.constant 9480 : i32
        %dma_wait3A_30 = arith.constant 0 : i32
        %dma_wait3A_31 = tpu.memref_slice %arg8[%dma_wait3A, %dma_wait3A_30] : memref<10016x16xf32, #tpu.memory_space<vmem_shared>> -> memref<520x16xf32, #tpu.memory_space<vmem_shared>>
        %dma_wait3A_32 = arith.constant 9480 : i32
        %dma_wait3A_33 = arith.constant 0 : i32
        %dma_wait3A_34 = tpu.memref_slice %arg4[%dma_wait3A_32, %dma_wait3A_33] : memref<10000x16xf32, #tpu.memory_space<hbm>> -> memref<520x16xf32, #tpu.memory_space<hbm>>
        tpu.wait_dma2 semaphore(%run_scoped3A : memref<!tpu.dma_semaphore, #tpu.memory_space<semaphore_mem>>) src(%dma_wait3A_34 : memref<520x16xf32, #tpu.memory_space<hbm>>) dst(%dma_wait3A_31 : memref<520x16xf32, #tpu.memory_space<vmem_shared>>)
        tpu.yield
      }) : () -> ()
    } else {
    }
    %barrier3A = arith.constant 0 : index
    tpu.barrier barrier_id(%barrier3A)
    %scan3A = arith.constant 0 : i32
    %scan3A_9 = arith.constant 0 : i32
    %scan3A_10 = arith.constant 40 : i32
    %scan3A_11 = arith.addi %scan3A_9, %scan3A_10 : i32
    %scan3A_12 = arith.constant 1 : i32
    scf.for %scan3A_25 = %scan3A_9 to %scan3A_11 step %scan3A_12  : i32 {
      "tpu.region"() ({
        %run_scoped3A = tpu.sem_alloc : memref<!tpu.dma_semaphore, #tpu.memory_space<semaphore_mem>>
        %dma_start3A = arith.constant 0 : i32
        %dma_start3A_26 = tpu.memref_slice %arg6[%scan3A_25, %dma_start3A] : memref<40x128xi32, #tpu.memory_space<vmem>> -> memref<1x128xi32, #tpu.memory_space<vmem>>
        %dma_start3A_27 = tpu.memref_squeeze %dma_start3A_26 : memref<1x128xi32, #tpu.memory_space<vmem>> -> memref<128xi32, #tpu.memory_space<vmem>>
        %dma_start3A_28 = arith.constant 0 : i32
        %dma_start3A_29 = arith.constant 0 : i32
        %dma_start3A_30 = tpu.memref_slice %arg8[%dma_start3A_28, %dma_start3A_29] : memref<10016x16xf32, #tpu.memory_space<vmem_shared>> -> memref<10016x16xf32, #tpu.memory_space<vmem_shared>>
        tpu.enqueue_indirect_dma source(%arg7 : memref<128x16xf32, #tpu.memory_space<vmem>>) target(%dma_start3A_30 : memref<10016x16xf32, #tpu.memory_space<vmem_shared>>) offsets(%dma_start3A_27 : memref<128xi32, #tpu.memory_space<vmem>>) semaphore(%run_scoped3A : memref<!tpu.dma_semaphore, #tpu.memory_space<semaphore_mem>>) {add = true}
        %dma_wait3A = arith.constant 0 : i32
        %dma_wait3A_31 = tpu.memref_slice %arg6[%scan3A_25, %dma_wait3A] : memref<40x128xi32, #tpu.memory_space<vmem>> -> memref<1x128xi32, #tpu.memory_space<vmem>>
        %dma_wait3A_32 = tpu.memref_squeeze %dma_wait3A_31 : memref<1x128xi32, #tpu.memory_space<vmem>> -> memref<128xi32, #tpu.memory_space<vmem>>
        %dma_wait3A_33 = arith.constant 0 : i32
        %dma_wait3A_34 = arith.constant 0 : i32
        %dma_wait3A_35 = tpu.memref_slice %arg8[%dma_wait3A_33, %dma_wait3A_34] : memref<10016x16xf32, #tpu.memory_space<vmem_shared>> -> memref<10016x16xf32, #tpu.memory_space<vmem_shared>>
        tpu.wait_indirect_dma semaphore(%run_scoped3A : memref<!tpu.dma_semaphore, #tpu.memory_space<semaphore_mem>>) src(%arg7 : memref<128x16xf32, #tpu.memory_space<vmem>>) dst(%dma_wait3A_35 : memref<10016x16xf32, #tpu.memory_space<vmem_shared>>)
        tpu.yield
      }) : () -> ()
    }
    %scan3A_13 = arith.constant 40 : i32
    %barrier3A_14 = arith.constant 0 : index
    tpu.barrier barrier_id(%barrier3A_14)
    %lt3A_15 = arith.constant 15 : i32
    %lt3A_16 = arith.cmpi slt, %arg1, %lt3A_15 : i32
    %convert_element_type3A_17 = arith.extui %lt3A_16 : i1 to i32
    %cond3A_18 = arith.constant 0 : i32
    %cond3A_19 = arith.cmpi ne, %convert_element_type3A_17, %cond3A_18 : i32
    scf.if %cond3A_19 {
      %mul3A_25 = arith.constant 632 : i32
      %mul3A_26 = arith.muli %arg1, %mul3A_25 : i32
      %mul3A_27 = arith.constant 632 : i32
      %mul3A_28 = arith.muli %arg1, %mul3A_27 : i32
      "tpu.region"() ({
        %run_scoped3A = tpu.sem_alloc : memref<!tpu.dma_semaphore, #tpu.memory_space<semaphore_mem>>
        %dma_start3A = arith.constant 0 : i32
        %dma_start3A_29 = arith.constant 0 : i32
        %dma_start3A_30 = tpu.memref_slice %arg5[%arg0, %dma_start3A, %dma_start3A_29] : memref<2x10016x16xf32, #tpu.memory_space<hbm>> -> memref<1x10016x16xf32, #tpu.memory_space<hbm>>
        %dma_start3A_31 = tpu.memref_squeeze %dma_start3A_30 : memref<1x10016x16xf32, #tpu.memory_space<hbm>> -> memref<10016x16xf32, #tpu.memory_space<hbm>>
        %dma_start3A_32 = arith.constant 0 : i32
        %dma_start3A_33 = tpu.memref_slice %dma_start3A_31[%mul3A_28, %dma_start3A_32] : memref<10016x16xf32, #tpu.memory_space<hbm>> -> memref<632x16xf32, #tpu.memory_space<hbm>>
        %dma_start3A_34 = arith.constant 0 : i32
        %dma_start3A_35 = tpu.memref_slice %arg8[%mul3A_26, %dma_start3A_34] : memref<10016x16xf32, #tpu.memory_space<vmem_shared>> -> memref<632x16xf32, #tpu.memory_space<vmem_shared>>
        tpu.enqueue_dma source(%dma_start3A_35 : memref<632x16xf32, #tpu.memory_space<vmem_shared>>) target(%dma_start3A_33 : memref<632x16xf32, #tpu.memory_space<hbm>>) target_semaphore(%run_scoped3A : memref<!tpu.dma_semaphore, #tpu.memory_space<semaphore_mem>>)
        %dma_wait3A = arith.constant 0 : i32
        %dma_wait3A_36 = arith.constant 0 : i32
        %dma_wait3A_37 = tpu.memref_slice %arg5[%arg0, %dma_wait3A, %dma_wait3A_36] : memref<2x10016x16xf32, #tpu.memory_space<hbm>> -> memref<1x10016x16xf32, #tpu.memory_space<hbm>>
        %dma_wait3A_38 = tpu.memref_squeeze %dma_wait3A_37 : memref<1x10016x16xf32, #tpu.memory_space<hbm>> -> memref<10016x16xf32, #tpu.memory_space<hbm>>
        %dma_wait3A_39 = arith.constant 0 : i32
        %dma_wait3A_40 = tpu.memref_slice %dma_wait3A_38[%mul3A_28, %dma_wait3A_39] : memref<10016x16xf32, #tpu.memory_space<hbm>> -> memref<632x16xf32, #tpu.memory_space<hbm>>
        %dma_wait3A_41 = arith.constant 0 : i32
        %dma_wait3A_42 = tpu.memref_slice %arg8[%mul3A_26, %dma_wait3A_41] : memref<10016x16xf32, #tpu.memory_space<vmem_shared>> -> memref<632x16xf32, #tpu.memory_space<vmem_shared>>
        tpu.wait_dma2 semaphore(%run_scoped3A : memref<!tpu.dma_semaphore, #tpu.memory_space<semaphore_mem>>) src(%dma_wait3A_42 : memref<632x16xf32, #tpu.memory_space<vmem_shared>>) dst(%dma_wait3A_40 : memref<632x16xf32, #tpu.memory_space<hbm>>)
        tpu.yield
      }) : () -> ()
    } else {
    }
    %eq3A_20 = arith.constant 15 : i32
    %eq3A_21 = arith.cmpi eq, %arg1, %eq3A_20 : i32
    %convert_element_type3A_22 = arith.extui %eq3A_21 : i1 to i32
    %cond3A_23 = arith.constant 0 : i32
    %cond3A_24 = arith.cmpi ne, %convert_element_type3A_22, %cond3A_23 : i32
    scf.if %cond3A_24 {
      "tpu.region"() ({
        %run_scoped3A = tpu.sem_alloc : memref<!tpu.dma_semaphore, #tpu.memory_space<semaphore_mem>>
        %dma_start3A = arith.constant 0 : i32
        %dma_start3A_25 = arith.constant 0 : i32
        %dma_start3A_26 = tpu.memref_slice %arg5[%arg0, %dma_start3A, %dma_start3A_25] : memref<2x10016x16xf32, #tpu.memory_space<hbm>> -> memref<1x10016x16xf32, #tpu.memory_space<hbm>>
        %dma_start3A_27 = tpu.memref_squeeze %dma_start3A_26 : memref<1x10016x16xf32, #tpu.memory_space<hbm>> -> memref<10016x16xf32, #tpu.memory_space<hbm>>
        %dma_start3A_28 = arith.constant 9480 : i32
        %dma_start3A_29 = arith.constant 0 : i32
        %dma_start3A_30 = tpu.memref_slice %dma_start3A_27[%dma_start3A_28, %dma_start3A_29] : memref<10016x16xf32, #tpu.memory_space<hbm>> -> memref<536x16xf32, #tpu.memory_space<hbm>>
        %dma_start3A_31 = arith.constant 9480 : i32
        %dma_start3A_32 = arith.constant 0 : i32
        %dma_start3A_33 = tpu.memref_slice %arg8[%dma_start3A_31, %dma_start3A_32] : memref<10016x16xf32, #tpu.memory_space<vmem_shared>> -> memref<536x16xf32, #tpu.memory_space<vmem_shared>>
        tpu.enqueue_dma source(%dma_start3A_33 : memref<536x16xf32, #tpu.memory_space<vmem_shared>>) target(%dma_start3A_30 : memref<536x16xf32, #tpu.memory_space<hbm>>) target_semaphore(%run_scoped3A : memref<!tpu.dma_semaphore, #tpu.memory_space<semaphore_mem>>)
        %dma_wait3A = arith.constant 0 : i32
        %dma_wait3A_34 = arith.constant 0 : i32
        %dma_wait3A_35 = tpu.memref_slice %arg5[%arg0, %dma_wait3A, %dma_wait3A_34] : memref<2x10016x16xf32, #tpu.memory_space<hbm>> -> memref<1x10016x16xf32, #tpu.memory_space<hbm>>
        %dma_wait3A_36 = tpu.memref_squeeze %dma_wait3A_35 : memref<1x10016x16xf32, #tpu.memory_space<hbm>> -> memref<10016x16xf32, #tpu.memory_space<hbm>>
        %dma_wait3A_37 = arith.constant 9480 : i32
        %dma_wait3A_38 = arith.constant 0 : i32
        %dma_wait3A_39 = tpu.memref_slice %dma_wait3A_36[%dma_wait3A_37, %dma_wait3A_38] : memref<10016x16xf32, #tpu.memory_space<hbm>> -> memref<536x16xf32, #tpu.memory_space<hbm>>
        %dma_wait3A_40 = arith.constant 9480 : i32
        %dma_wait3A_41 = arith.constant 0 : i32
        %dma_wait3A_42 = tpu.memref_slice %arg8[%dma_wait3A_40, %dma_wait3A_41] : memref<10016x16xf32, #tpu.memory_space<vmem_shared>> -> memref<536x16xf32, #tpu.memory_space<vmem_shared>>
        tpu.wait_dma2 semaphore(%run_scoped3A : memref<!tpu.dma_semaphore, #tpu.memory_space<semaphore_mem>>) src(%dma_wait3A_42 : memref<536x16xf32, #tpu.memory_space<vmem_shared>>) dst(%dma_wait3A_39 : memref<536x16xf32, #tpu.memory_space<hbm>>)
        tpu.yield
      }) : () -> ()
    } else {
    }
    return
  }
}

#map = affine_map<(d0, d1) -> (0, 0)>
#map1 = affine_map<(d0, d1) -> (0, 0, 0)>
module attributes {stable_mosaic.version = 14 : i64} {
  func.func @agg(%arg0: i32, %arg1: i32, %arg2: memref<10016x64xf32, #tpu.memory_space<hbm>>, %arg3: memref<1280x128xi32, #tpu.memory_space<hbm>>, %arg4: memref<1280x128xi32, #tpu.memory_space<hbm>>, %arg5: memref<10000x64xf32, #tpu.memory_space<hbm>>, %arg6: memref<2x10016x64xf32, #tpu.memory_space<hbm>>, %arg7: memref<40x128xi32, #tpu.memory_space<vmem>>, %arg8: memref<40x128xi32, #tpu.memory_space<vmem>>, %arg9: memref<128x64xf32, #tpu.memory_space<vmem>>, %arg10: memref<128x64xf32, #tpu.memory_space<vmem>>, %arg11: memref<128x64xf32, #tpu.memory_space<vmem>>, %arg12: memref<128x64xf32, #tpu.memory_space<vmem>>, %arg13: memref<10016x64xf32, #tpu.memory_space<vmem_shared>>, %arg14: memref<!tpu.dma_semaphore, #tpu.memory_space<semaphore_mem>>, %arg15: memref<!tpu.dma_semaphore, #tpu.memory_space<semaphore_mem>>, %arg16: memref<!tpu.dma_semaphore, #tpu.memory_space<semaphore_mem>>, %arg17: memref<!tpu.dma_semaphore, #tpu.memory_space<semaphore_mem>>) attributes {dimension_semantics = [#tpu.dimension_semantics<core_parallel>, #tpu.dimension_semantics<subcore_parallel>], iteration_bounds = array<i64: 2, 16>, scalar_prefetch = 0 : i64, scratch_operands = 11 : i64, tpu.core_type = #tpu.core_type<sc_vector_subcore>, window_params = [{transform_indices = #map}, {transform_indices = #map}, {transform_indices = #map}, {transform_indices = #map}, {transform_indices = #map1}]} {
    %mul3A = arith.constant 16 : i32
    %mul3A_0 = arith.muli %arg0, %mul3A : i32
    %add3A = arith.addi %mul3A_0, %arg1 : i32
    %mul3A_1 = arith.constant 40 : i32
    %mul3A_2 = arith.muli %add3A, %mul3A_1 : i32
    "tpu.region"() ({
      %run_scoped3A = tpu.sem_alloc : memref<!tpu.dma_semaphore, #tpu.memory_space<semaphore_mem>>
      %dma_start3A_47 = arith.constant 0 : i32
      %dma_start3A_48 = tpu.memref_slice %arg3[%mul3A_2, %dma_start3A_47] : memref<1280x128xi32, #tpu.memory_space<hbm>> -> memref<40x128xi32, #tpu.memory_space<hbm>>
      %dma_start3A_49 = arith.constant 0 : i32
      %dma_start3A_50 = tpu.memref_slice %arg3[%mul3A_2, %dma_start3A_49] : memref<1280x128xi32, #tpu.memory_space<hbm>> -> memref<40x128xi32, #tpu.memory_space<hbm>>
      tpu.enqueue_dma source(%dma_start3A_50 : memref<40x128xi32, #tpu.memory_space<hbm>>) target(%arg7 : memref<40x128xi32, #tpu.memory_space<vmem>>) target_semaphore(%run_scoped3A : memref<!tpu.dma_semaphore, #tpu.memory_space<semaphore_mem>>)
      %dma_wait3A = arith.constant 0 : i32
      %dma_wait3A_51 = tpu.memref_slice %arg3[%mul3A_2, %dma_wait3A] : memref<1280x128xi32, #tpu.memory_space<hbm>> -> memref<40x128xi32, #tpu.memory_space<hbm>>
      %dma_wait3A_52 = arith.constant 0 : i32
      %dma_wait3A_53 = tpu.memref_slice %arg3[%mul3A_2, %dma_wait3A_52] : memref<1280x128xi32, #tpu.memory_space<hbm>> -> memref<40x128xi32, #tpu.memory_space<hbm>>
      tpu.wait_dma2 semaphore(%run_scoped3A : memref<!tpu.dma_semaphore, #tpu.memory_space<semaphore_mem>>) src(%dma_wait3A_53 : memref<40x128xi32, #tpu.memory_space<hbm>>) dst(%arg7 : memref<40x128xi32, #tpu.memory_space<vmem>>)
      tpu.yield
    }) : () -> ()
    %mul3A_3 = arith.constant 40 : i32
    %mul3A_4 = arith.muli %add3A, %mul3A_3 : i32
    "tpu.region"() ({
      %run_scoped3A = tpu.sem_alloc : memref<!tpu.dma_semaphore, #tpu.memory_space<semaphore_mem>>
      %dma_start3A_47 = arith.constant 0 : i32
      %dma_start3A_48 = tpu.memref_slice %arg4[%mul3A_4, %dma_start3A_47] : memref<1280x128xi32, #tpu.memory_space<hbm>> -> memref<40x128xi32, #tpu.memory_space<hbm>>
      %dma_start3A_49 = arith.constant 0 : i32
      %dma_start3A_50 = tpu.memref_slice %arg4[%mul3A_4, %dma_start3A_49] : memref<1280x128xi32, #tpu.memory_space<hbm>> -> memref<40x128xi32, #tpu.memory_space<hbm>>
      tpu.enqueue_dma source(%dma_start3A_50 : memref<40x128xi32, #tpu.memory_space<hbm>>) target(%arg8 : memref<40x128xi32, #tpu.memory_space<vmem>>) target_semaphore(%run_scoped3A : memref<!tpu.dma_semaphore, #tpu.memory_space<semaphore_mem>>)
      %dma_wait3A = arith.constant 0 : i32
      %dma_wait3A_51 = tpu.memref_slice %arg4[%mul3A_4, %dma_wait3A] : memref<1280x128xi32, #tpu.memory_space<hbm>> -> memref<40x128xi32, #tpu.memory_space<hbm>>
      %dma_wait3A_52 = arith.constant 0 : i32
      %dma_wait3A_53 = tpu.memref_slice %arg4[%mul3A_4, %dma_wait3A_52] : memref<1280x128xi32, #tpu.memory_space<hbm>> -> memref<40x128xi32, #tpu.memory_space<hbm>>
      tpu.wait_dma2 semaphore(%run_scoped3A : memref<!tpu.dma_semaphore, #tpu.memory_space<semaphore_mem>>) src(%dma_wait3A_53 : memref<40x128xi32, #tpu.memory_space<hbm>>) dst(%arg8 : memref<40x128xi32, #tpu.memory_space<vmem>>)
      tpu.yield
    }) : () -> ()
    %lt3A = arith.constant 15 : i32
    %lt3A_5 = arith.cmpi slt, %arg1, %lt3A : i32
    %convert_element_type3A = arith.extui %lt3A_5 : i1 to i32
    %cond3A = arith.constant 0 : i32
    %cond3A_6 = arith.cmpi ne, %convert_element_type3A, %cond3A : i32
    scf.if %cond3A_6 {
      %mul3A_47 = arith.constant 632 : i32
      %mul3A_48 = arith.muli %arg1, %mul3A_47 : i32
      %mul3A_49 = arith.constant 632 : i32
      %mul3A_50 = arith.muli %arg1, %mul3A_49 : i32
      "tpu.region"() ({
        %run_scoped3A = tpu.sem_alloc : memref<!tpu.dma_semaphore, #tpu.memory_space<semaphore_mem>>
        %dma_start3A_51 = arith.constant 0 : i32
        %dma_start3A_52 = tpu.memref_slice %arg13[%mul3A_50, %dma_start3A_51] : memref<10016x64xf32, #tpu.memory_space<vmem_shared>> -> memref<632x64xf32, #tpu.memory_space<vmem_shared>>
        %dma_start3A_53 = arith.constant 0 : i32
        %dma_start3A_54 = tpu.memref_slice %arg5[%mul3A_48, %dma_start3A_53] : memref<10000x64xf32, #tpu.memory_space<hbm>> -> memref<632x64xf32, #tpu.memory_space<hbm>>
        tpu.enqueue_dma source(%dma_start3A_54 : memref<632x64xf32, #tpu.memory_space<hbm>>) target(%dma_start3A_52 : memref<632x64xf32, #tpu.memory_space<vmem_shared>>) target_semaphore(%run_scoped3A : memref<!tpu.dma_semaphore, #tpu.memory_space<semaphore_mem>>)
        %dma_wait3A = arith.constant 0 : i32
        %dma_wait3A_55 = tpu.memref_slice %arg13[%mul3A_50, %dma_wait3A] : memref<10016x64xf32, #tpu.memory_space<vmem_shared>> -> memref<632x64xf32, #tpu.memory_space<vmem_shared>>
        %dma_wait3A_56 = arith.constant 0 : i32
        %dma_wait3A_57 = tpu.memref_slice %arg5[%mul3A_48, %dma_wait3A_56] : memref<10000x64xf32, #tpu.memory_space<hbm>> -> memref<632x64xf32, #tpu.memory_space<hbm>>
        tpu.wait_dma2 semaphore(%run_scoped3A : memref<!tpu.dma_semaphore, #tpu.memory_space<semaphore_mem>>) src(%dma_wait3A_57 : memref<632x64xf32, #tpu.memory_space<hbm>>) dst(%dma_wait3A_55 : memref<632x64xf32, #tpu.memory_space<vmem_shared>>)
        tpu.yield
      }) : () -> ()
    } else {
    }
    %eq3A = arith.constant 15 : i32
    %eq3A_7 = arith.cmpi eq, %arg1, %eq3A : i32
    %convert_element_type3A_8 = arith.extui %eq3A_7 : i1 to i32
    %cond3A_9 = arith.constant 0 : i32
    %cond3A_10 = arith.cmpi ne, %convert_element_type3A_8, %cond3A_9 : i32
    scf.if %cond3A_10 {
      "tpu.region"() ({
        %run_scoped3A = tpu.sem_alloc : memref<!tpu.dma_semaphore, #tpu.memory_space<semaphore_mem>>
        %dma_start3A_47 = arith.constant 9480 : i32
        %dma_start3A_48 = arith.constant 0 : i32
        %dma_start3A_49 = tpu.memref_slice %arg13[%dma_start3A_47, %dma_start3A_48] : memref<10016x64xf32, #tpu.memory_space<vmem_shared>> -> memref<520x64xf32, #tpu.memory_space<vmem_shared>>
        %dma_start3A_50 = arith.constant 9480 : i32
        %dma_start3A_51 = arith.constant 0 : i32
        %dma_start3A_52 = tpu.memref_slice %arg5[%dma_start3A_50, %dma_start3A_51] : memref<10000x64xf32, #tpu.memory_space<hbm>> -> memref<520x64xf32, #tpu.memory_space<hbm>>
        tpu.enqueue_dma source(%dma_start3A_52 : memref<520x64xf32, #tpu.memory_space<hbm>>) target(%dma_start3A_49 : memref<520x64xf32, #tpu.memory_space<vmem_shared>>) target_semaphore(%run_scoped3A : memref<!tpu.dma_semaphore, #tpu.memory_space<semaphore_mem>>)
        %dma_wait3A = arith.constant 9480 : i32
        %dma_wait3A_53 = arith.constant 0 : i32
        %dma_wait3A_54 = tpu.memref_slice %arg13[%dma_wait3A, %dma_wait3A_53] : memref<10016x64xf32, #tpu.memory_space<vmem_shared>> -> memref<520x64xf32, #tpu.memory_space<vmem_shared>>
        %dma_wait3A_55 = arith.constant 9480 : i32
        %dma_wait3A_56 = arith.constant 0 : i32
        %dma_wait3A_57 = tpu.memref_slice %arg5[%dma_wait3A_55, %dma_wait3A_56] : memref<10000x64xf32, #tpu.memory_space<hbm>> -> memref<520x64xf32, #tpu.memory_space<hbm>>
        tpu.wait_dma2 semaphore(%run_scoped3A : memref<!tpu.dma_semaphore, #tpu.memory_space<semaphore_mem>>) src(%dma_wait3A_57 : memref<520x64xf32, #tpu.memory_space<hbm>>) dst(%dma_wait3A_54 : memref<520x64xf32, #tpu.memory_space<vmem_shared>>)
        tpu.yield
      }) : () -> ()
    } else {
    }
    %barrier3A = arith.constant 0 : index
    tpu.barrier barrier_id(%barrier3A)
    %dma_start3A = arith.constant 0 : i32
    %dma_start3A_11 = arith.constant 0 : i32
    %dma_start3A_12 = tpu.memref_slice %arg7[%dma_start3A, %dma_start3A_11] : memref<40x128xi32, #tpu.memory_space<vmem>> -> memref<1x128xi32, #tpu.memory_space<vmem>>
    %dma_start3A_13 = tpu.memref_squeeze %dma_start3A_12 : memref<1x128xi32, #tpu.memory_space<vmem>> -> memref<128xi32, #tpu.memory_space<vmem>>
    %dma_start3A_14 = arith.constant 0 : i32
    %dma_start3A_15 = arith.constant 0 : i32
    %dma_start3A_16 = tpu.memref_slice %arg2[%dma_start3A_14, %dma_start3A_15] : memref<10016x64xf32, #tpu.memory_space<hbm>> -> memref<10016x64xf32, #tpu.memory_space<hbm>>
    tpu.enqueue_indirect_dma source(%dma_start3A_16 : memref<10016x64xf32, #tpu.memory_space<hbm>>) target(%arg9 : memref<128x64xf32, #tpu.memory_space<vmem>>) offsets(%dma_start3A_13 : memref<128xi32, #tpu.memory_space<vmem>>) semaphore(%arg14 : memref<!tpu.dma_semaphore, #tpu.memory_space<semaphore_mem>>)
    %dma_start3A_17 = arith.constant 1 : i32
    %dma_start3A_18 = arith.constant 0 : i32
    %dma_start3A_19 = tpu.memref_slice %arg7[%dma_start3A_17, %dma_start3A_18] : memref<40x128xi32, #tpu.memory_space<vmem>> -> memref<1x128xi32, #tpu.memory_space<vmem>>
    %dma_start3A_20 = tpu.memref_squeeze %dma_start3A_19 : memref<1x128xi32, #tpu.memory_space<vmem>> -> memref<128xi32, #tpu.memory_space<vmem>>
    %dma_start3A_21 = arith.constant 0 : i32
    %dma_start3A_22 = arith.constant 0 : i32
    %dma_start3A_23 = tpu.memref_slice %arg2[%dma_start3A_21, %dma_start3A_22] : memref<10016x64xf32, #tpu.memory_space<hbm>> -> memref<10016x64xf32, #tpu.memory_space<hbm>>
    tpu.enqueue_indirect_dma source(%dma_start3A_23 : memref<10016x64xf32, #tpu.memory_space<hbm>>) target(%arg10 : memref<128x64xf32, #tpu.memory_space<vmem>>) offsets(%dma_start3A_20 : memref<128xi32, #tpu.memory_space<vmem>>) semaphore(%arg15 : memref<!tpu.dma_semaphore, #tpu.memory_space<semaphore_mem>>)
    %dma_start3A_24 = arith.constant 2 : i32
    %dma_start3A_25 = arith.constant 0 : i32
    %dma_start3A_26 = tpu.memref_slice %arg7[%dma_start3A_24, %dma_start3A_25] : memref<40x128xi32, #tpu.memory_space<vmem>> -> memref<1x128xi32, #tpu.memory_space<vmem>>
    %dma_start3A_27 = tpu.memref_squeeze %dma_start3A_26 : memref<1x128xi32, #tpu.memory_space<vmem>> -> memref<128xi32, #tpu.memory_space<vmem>>
    %dma_start3A_28 = arith.constant 0 : i32
    %dma_start3A_29 = arith.constant 0 : i32
    %dma_start3A_30 = tpu.memref_slice %arg2[%dma_start3A_28, %dma_start3A_29] : memref<10016x64xf32, #tpu.memory_space<hbm>> -> memref<10016x64xf32, #tpu.memory_space<hbm>>
    tpu.enqueue_indirect_dma source(%dma_start3A_30 : memref<10016x64xf32, #tpu.memory_space<hbm>>) target(%arg11 : memref<128x64xf32, #tpu.memory_space<vmem>>) offsets(%dma_start3A_27 : memref<128xi32, #tpu.memory_space<vmem>>) semaphore(%arg16 : memref<!tpu.dma_semaphore, #tpu.memory_space<semaphore_mem>>)
    %scan3A = arith.constant 0 : i32
    %scan3A_31 = arith.constant 0 : i32
    %scan3A_32 = arith.constant 10 : i32
    %scan3A_33 = arith.addi %scan3A_31, %scan3A_32 : i32
    %scan3A_34 = arith.constant 1 : i32
    scf.for %scan3A_47 = %scan3A_31 to %scan3A_33 step %scan3A_34  : i32 {
      %mul3A_48 = arith.constant 4 : i32
      %mul3A_49 = arith.muli %scan3A_47, %mul3A_48 : i32
      %add3A_50 = arith.constant 0 : i32
      %add3A_51 = arith.addi %mul3A_49, %add3A_50 : i32
      %dma_wait3A = arith.constant 0 : i32
      %dma_wait3A_52 = tpu.memref_slice %arg7[%add3A_51, %dma_wait3A] : memref<40x128xi32, #tpu.memory_space<vmem>> -> memref<1x128xi32, #tpu.memory_space<vmem>>
      %dma_wait3A_53 = tpu.memref_squeeze %dma_wait3A_52 : memref<1x128xi32, #tpu.memory_space<vmem>> -> memref<128xi32, #tpu.memory_space<vmem>>
      %dma_wait3A_54 = arith.constant 0 : i32
      %dma_wait3A_55 = arith.constant 0 : i32
      %dma_wait3A_56 = tpu.memref_slice %arg2[%dma_wait3A_54, %dma_wait3A_55] : memref<10016x64xf32, #tpu.memory_space<hbm>> -> memref<10016x64xf32, #tpu.memory_space<hbm>>
      tpu.wait_indirect_dma semaphore(%arg14 : memref<!tpu.dma_semaphore, #tpu.memory_space<semaphore_mem>>) src(%dma_wait3A_56 : memref<10016x64xf32, #tpu.memory_space<hbm>>) dst(%arg9 : memref<128x64xf32, #tpu.memory_space<vmem>>)
      %add3A_57 = arith.constant 4 : i32
      %add3A_58 = arith.addi %add3A_51, %add3A_57 : i32
      %sub3A = arith.constant 1 : i32
      %sub3A_59 = arith.subi %add3A_58, %sub3A : i32
      %lt3A_60 = arith.constant 40 : i32
      %lt3A_61 = arith.cmpi slt, %sub3A_59, %lt3A_60 : i32
      %convert_element_type3A_62 = arith.extui %lt3A_61 : i1 to i32
      %cond3A_63 = arith.constant 0 : i32
      %cond3A_64 = arith.cmpi ne, %convert_element_type3A_62, %cond3A_63 : i32
      scf.if %cond3A_64 {
        %add3A_122 = arith.constant 4 : i32
        %add3A_123 = arith.addi %add3A_51, %add3A_122 : i32
        %sub3A_124 = arith.constant 1 : i32
        %sub3A_125 = arith.subi %add3A_123, %sub3A_124 : i32
        %dma_start3A_126 = arith.constant 0 : i32
        %dma_start3A_127 = tpu.memref_slice %arg7[%sub3A_125, %dma_start3A_126] : memref<40x128xi32, #tpu.memory_space<vmem>> -> memref<1x128xi32, #tpu.memory_space<vmem>>
        %dma_start3A_128 = tpu.memref_squeeze %dma_start3A_127 : memref<1x128xi32, #tpu.memory_space<vmem>> -> memref<128xi32, #tpu.memory_space<vmem>>
        %dma_start3A_129 = arith.constant 0 : i32
        %dma_start3A_130 = arith.constant 0 : i32
        %dma_start3A_131 = tpu.memref_slice %arg2[%dma_start3A_129, %dma_start3A_130] : memref<10016x64xf32, #tpu.memory_space<hbm>> -> memref<10016x64xf32, #tpu.memory_space<hbm>>
        tpu.enqueue_indirect_dma source(%dma_start3A_131 : memref<10016x64xf32, #tpu.memory_space<hbm>>) target(%arg12 : memref<128x64xf32, #tpu.memory_space<vmem>>) offsets(%dma_start3A_128 : memref<128xi32, #tpu.memory_space<vmem>>) semaphore(%arg17 : memref<!tpu.dma_semaphore, #tpu.memory_space<semaphore_mem>>)
      } else {
      }
      "tpu.region"() ({
        %run_scoped3A = tpu.sem_alloc : memref<!tpu.dma_semaphore, #tpu.memory_space<semaphore_mem>>
        %dma_start3A_122 = arith.constant 0 : i32
        %dma_start3A_123 = tpu.memref_slice %arg8[%add3A_51, %dma_start3A_122] : memref<40x128xi32, #tpu.memory_space<vmem>> -> memref<1x128xi32, #tpu.memory_space<vmem>>
        %dma_start3A_124 = tpu.memref_squeeze %dma_start3A_123 : memref<1x128xi32, #tpu.memory_space<vmem>> -> memref<128xi32, #tpu.memory_space<vmem>>
        %dma_start3A_125 = arith.constant 0 : i32
        %dma_start3A_126 = arith.constant 0 : i32
        %dma_start3A_127 = tpu.memref_slice %arg13[%dma_start3A_125, %dma_start3A_126] : memref<10016x64xf32, #tpu.memory_space<vmem_shared>> -> memref<10016x64xf32, #tpu.memory_space<vmem_shared>>
        tpu.enqueue_indirect_dma source(%arg9 : memref<128x64xf32, #tpu.memory_space<vmem>>) target(%dma_start3A_127 : memref<10016x64xf32, #tpu.memory_space<vmem_shared>>) offsets(%dma_start3A_124 : memref<128xi32, #tpu.memory_space<vmem>>) semaphore(%run_scoped3A : memref<!tpu.dma_semaphore, #tpu.memory_space<semaphore_mem>>) {add = true}
        %dma_wait3A_128 = arith.constant 0 : i32
        %dma_wait3A_129 = tpu.memref_slice %arg8[%add3A_51, %dma_wait3A_128] : memref<40x128xi32, #tpu.memory_space<vmem>> -> memref<1x128xi32, #tpu.memory_space<vmem>>
        %dma_wait3A_130 = tpu.memref_squeeze %dma_wait3A_129 : memref<1x128xi32, #tpu.memory_space<vmem>> -> memref<128xi32, #tpu.memory_space<vmem>>
        %dma_wait3A_131 = arith.constant 0 : i32
        %dma_wait3A_132 = arith.constant 0 : i32
        %dma_wait3A_133 = tpu.memref_slice %arg13[%dma_wait3A_131, %dma_wait3A_132] : memref<10016x64xf32, #tpu.memory_space<vmem_shared>> -> memref<10016x64xf32, #tpu.memory_space<vmem_shared>>
        tpu.wait_indirect_dma semaphore(%run_scoped3A : memref<!tpu.dma_semaphore, #tpu.memory_space<semaphore_mem>>) src(%arg9 : memref<128x64xf32, #tpu.memory_space<vmem>>) dst(%dma_wait3A_133 : memref<10016x64xf32, #tpu.memory_space<vmem_shared>>)
        tpu.yield
      }) : () -> ()
      %mul3A_65 = arith.constant 4 : i32
      %mul3A_66 = arith.muli %scan3A_47, %mul3A_65 : i32
      %add3A_67 = arith.constant 1 : i32
      %add3A_68 = arith.addi %mul3A_66, %add3A_67 : i32
      %dma_wait3A_69 = arith.constant 0 : i32
      %dma_wait3A_70 = tpu.memref_slice %arg7[%add3A_68, %dma_wait3A_69] : memref<40x128xi32, #tpu.memory_space<vmem>> -> memref<1x128xi32, #tpu.memory_space<vmem>>
      %dma_wait3A_71 = tpu.memref_squeeze %dma_wait3A_70 : memref<1x128xi32, #tpu.memory_space<vmem>> -> memref<128xi32, #tpu.memory_space<vmem>>
      %dma_wait3A_72 = arith.constant 0 : i32
      %dma_wait3A_73 = arith.constant 0 : i32
      %dma_wait3A_74 = tpu.memref_slice %arg2[%dma_wait3A_72, %dma_wait3A_73] : memref<10016x64xf32, #tpu.memory_space<hbm>> -> memref<10016x64xf32, #tpu.memory_space<hbm>>
      tpu.wait_indirect_dma semaphore(%arg15 : memref<!tpu.dma_semaphore, #tpu.memory_space<semaphore_mem>>) src(%dma_wait3A_74 : memref<10016x64xf32, #tpu.memory_space<hbm>>) dst(%arg10 : memref<128x64xf32, #tpu.memory_space<vmem>>)
      %add3A_75 = arith.constant 4 : i32
      %add3A_76 = arith.addi %add3A_68, %add3A_75 : i32
      %sub3A_77 = arith.constant 1 : i32
      %sub3A_78 = arith.subi %add3A_76, %sub3A_77 : i32
      %lt3A_79 = arith.constant 40 : i32
      %lt3A_80 = arith.cmpi slt, %sub3A_78, %lt3A_79 : i32
      %convert_element_type3A_81 = arith.extui %lt3A_80 : i1 to i32
      %cond3A_82 = arith.constant 0 : i32
      %cond3A_83 = arith.cmpi ne, %convert_element_type3A_81, %cond3A_82 : i32
      scf.if %cond3A_83 {
        %add3A_122 = arith.constant 4 : i32
        %add3A_123 = arith.addi %add3A_68, %add3A_122 : i32
        %sub3A_124 = arith.constant 1 : i32
        %sub3A_125 = arith.subi %add3A_123, %sub3A_124 : i32
        %dma_start3A_126 = arith.constant 0 : i32
        %dma_start3A_127 = tpu.memref_slice %arg7[%sub3A_125, %dma_start3A_126] : memref<40x128xi32, #tpu.memory_space<vmem>> -> memref<1x128xi32, #tpu.memory_space<vmem>>
        %dma_start3A_128 = tpu.memref_squeeze %dma_start3A_127 : memref<1x128xi32, #tpu.memory_space<vmem>> -> memref<128xi32, #tpu.memory_space<vmem>>
        %dma_start3A_129 = arith.constant 0 : i32
        %dma_start3A_130 = arith.constant 0 : i32
        %dma_start3A_131 = tpu.memref_slice %arg2[%dma_start3A_129, %dma_start3A_130] : memref<10016x64xf32, #tpu.memory_space<hbm>> -> memref<10016x64xf32, #tpu.memory_space<hbm>>
        tpu.enqueue_indirect_dma source(%dma_start3A_131 : memref<10016x64xf32, #tpu.memory_space<hbm>>) target(%arg9 : memref<128x64xf32, #tpu.memory_space<vmem>>) offsets(%dma_start3A_128 : memref<128xi32, #tpu.memory_space<vmem>>) semaphore(%arg14 : memref<!tpu.dma_semaphore, #tpu.memory_space<semaphore_mem>>)
      } else {
      }
      "tpu.region"() ({
        %run_scoped3A = tpu.sem_alloc : memref<!tpu.dma_semaphore, #tpu.memory_space<semaphore_mem>>
        %dma_start3A_122 = arith.constant 0 : i32
        %dma_start3A_123 = tpu.memref_slice %arg8[%add3A_68, %dma_start3A_122] : memref<40x128xi32, #tpu.memory_space<vmem>> -> memref<1x128xi32, #tpu.memory_space<vmem>>
        %dma_start3A_124 = tpu.memref_squeeze %dma_start3A_123 : memref<1x128xi32, #tpu.memory_space<vmem>> -> memref<128xi32, #tpu.memory_space<vmem>>
        %dma_start3A_125 = arith.constant 0 : i32
        %dma_start3A_126 = arith.constant 0 : i32
        %dma_start3A_127 = tpu.memref_slice %arg13[%dma_start3A_125, %dma_start3A_126] : memref<10016x64xf32, #tpu.memory_space<vmem_shared>> -> memref<10016x64xf32, #tpu.memory_space<vmem_shared>>
        tpu.enqueue_indirect_dma source(%arg10 : memref<128x64xf32, #tpu.memory_space<vmem>>) target(%dma_start3A_127 : memref<10016x64xf32, #tpu.memory_space<vmem_shared>>) offsets(%dma_start3A_124 : memref<128xi32, #tpu.memory_space<vmem>>) semaphore(%run_scoped3A : memref<!tpu.dma_semaphore, #tpu.memory_space<semaphore_mem>>) {add = true}
        %dma_wait3A_128 = arith.constant 0 : i32
        %dma_wait3A_129 = tpu.memref_slice %arg8[%add3A_68, %dma_wait3A_128] : memref<40x128xi32, #tpu.memory_space<vmem>> -> memref<1x128xi32, #tpu.memory_space<vmem>>
        %dma_wait3A_130 = tpu.memref_squeeze %dma_wait3A_129 : memref<1x128xi32, #tpu.memory_space<vmem>> -> memref<128xi32, #tpu.memory_space<vmem>>
        %dma_wait3A_131 = arith.constant 0 : i32
        %dma_wait3A_132 = arith.constant 0 : i32
        %dma_wait3A_133 = tpu.memref_slice %arg13[%dma_wait3A_131, %dma_wait3A_132] : memref<10016x64xf32, #tpu.memory_space<vmem_shared>> -> memref<10016x64xf32, #tpu.memory_space<vmem_shared>>
        tpu.wait_indirect_dma semaphore(%run_scoped3A : memref<!tpu.dma_semaphore, #tpu.memory_space<semaphore_mem>>) src(%arg10 : memref<128x64xf32, #tpu.memory_space<vmem>>) dst(%dma_wait3A_133 : memref<10016x64xf32, #tpu.memory_space<vmem_shared>>)
        tpu.yield
      }) : () -> ()
      %mul3A_84 = arith.constant 4 : i32
      %mul3A_85 = arith.muli %scan3A_47, %mul3A_84 : i32
      %add3A_86 = arith.constant 2 : i32
      %add3A_87 = arith.addi %mul3A_85, %add3A_86 : i32
      %dma_wait3A_88 = arith.constant 0 : i32
      %dma_wait3A_89 = tpu.memref_slice %arg7[%add3A_87, %dma_wait3A_88] : memref<40x128xi32, #tpu.memory_space<vmem>> -> memref<1x128xi32, #tpu.memory_space<vmem>>
      %dma_wait3A_90 = tpu.memref_squeeze %dma_wait3A_89 : memref<1x128xi32, #tpu.memory_space<vmem>> -> memref<128xi32, #tpu.memory_space<vmem>>
      %dma_wait3A_91 = arith.constant 0 : i32
      %dma_wait3A_92 = arith.constant 0 : i32
      %dma_wait3A_93 = tpu.memref_slice %arg2[%dma_wait3A_91, %dma_wait3A_92] : memref<10016x64xf32, #tpu.memory_space<hbm>> -> memref<10016x64xf32, #tpu.memory_space<hbm>>
      tpu.wait_indirect_dma semaphore(%arg16 : memref<!tpu.dma_semaphore, #tpu.memory_space<semaphore_mem>>) src(%dma_wait3A_93 : memref<10016x64xf32, #tpu.memory_space<hbm>>) dst(%arg11 : memref<128x64xf32, #tpu.memory_space<vmem>>)
      %add3A_94 = arith.constant 4 : i32
      %add3A_95 = arith.addi %add3A_87, %add3A_94 : i32
      %sub3A_96 = arith.constant 1 : i32
      %sub3A_97 = arith.subi %add3A_95, %sub3A_96 : i32
      %lt3A_98 = arith.constant 40 : i32
      %lt3A_99 = arith.cmpi slt, %sub3A_97, %lt3A_98 : i32
      %convert_element_type3A_100 = arith.extui %lt3A_99 : i1 to i32
      %cond3A_101 = arith.constant 0 : i32
      %cond3A_102 = arith.cmpi ne, %convert_element_type3A_100, %cond3A_101 : i32
      scf.if %cond3A_102 {
        %add3A_122 = arith.constant 4 : i32
        %add3A_123 = arith.addi %add3A_87, %add3A_122 : i32
        %sub3A_124 = arith.constant 1 : i32
        %sub3A_125 = arith.subi %add3A_123, %sub3A_124 : i32
        %dma_start3A_126 = arith.constant 0 : i32
        %dma_start3A_127 = tpu.memref_slice %arg7[%sub3A_125, %dma_start3A_126] : memref<40x128xi32, #tpu.memory_space<vmem>> -> memref<1x128xi32, #tpu.memory_space<vmem>>
        %dma_start3A_128 = tpu.memref_squeeze %dma_start3A_127 : memref<1x128xi32, #tpu.memory_space<vmem>> -> memref<128xi32, #tpu.memory_space<vmem>>
        %dma_start3A_129 = arith.constant 0 : i32
        %dma_start3A_130 = arith.constant 0 : i32
        %dma_start3A_131 = tpu.memref_slice %arg2[%dma_start3A_129, %dma_start3A_130] : memref<10016x64xf32, #tpu.memory_space<hbm>> -> memref<10016x64xf32, #tpu.memory_space<hbm>>
        tpu.enqueue_indirect_dma source(%dma_start3A_131 : memref<10016x64xf32, #tpu.memory_space<hbm>>) target(%arg10 : memref<128x64xf32, #tpu.memory_space<vmem>>) offsets(%dma_start3A_128 : memref<128xi32, #tpu.memory_space<vmem>>) semaphore(%arg15 : memref<!tpu.dma_semaphore, #tpu.memory_space<semaphore_mem>>)
      } else {
      }
      "tpu.region"() ({
        %run_scoped3A = tpu.sem_alloc : memref<!tpu.dma_semaphore, #tpu.memory_space<semaphore_mem>>
        %dma_start3A_122 = arith.constant 0 : i32
        %dma_start3A_123 = tpu.memref_slice %arg8[%add3A_87, %dma_start3A_122] : memref<40x128xi32, #tpu.memory_space<vmem>> -> memref<1x128xi32, #tpu.memory_space<vmem>>
        %dma_start3A_124 = tpu.memref_squeeze %dma_start3A_123 : memref<1x128xi32, #tpu.memory_space<vmem>> -> memref<128xi32, #tpu.memory_space<vmem>>
        %dma_start3A_125 = arith.constant 0 : i32
        %dma_start3A_126 = arith.constant 0 : i32
        %dma_start3A_127 = tpu.memref_slice %arg13[%dma_start3A_125, %dma_start3A_126] : memref<10016x64xf32, #tpu.memory_space<vmem_shared>> -> memref<10016x64xf32, #tpu.memory_space<vmem_shared>>
        tpu.enqueue_indirect_dma source(%arg11 : memref<128x64xf32, #tpu.memory_space<vmem>>) target(%dma_start3A_127 : memref<10016x64xf32, #tpu.memory_space<vmem_shared>>) offsets(%dma_start3A_124 : memref<128xi32, #tpu.memory_space<vmem>>) semaphore(%run_scoped3A : memref<!tpu.dma_semaphore, #tpu.memory_space<semaphore_mem>>) {add = true}
        %dma_wait3A_128 = arith.constant 0 : i32
        %dma_wait3A_129 = tpu.memref_slice %arg8[%add3A_87, %dma_wait3A_128] : memref<40x128xi32, #tpu.memory_space<vmem>> -> memref<1x128xi32, #tpu.memory_space<vmem>>
        %dma_wait3A_130 = tpu.memref_squeeze %dma_wait3A_129 : memref<1x128xi32, #tpu.memory_space<vmem>> -> memref<128xi32, #tpu.memory_space<vmem>>
        %dma_wait3A_131 = arith.constant 0 : i32
        %dma_wait3A_132 = arith.constant 0 : i32
        %dma_wait3A_133 = tpu.memref_slice %arg13[%dma_wait3A_131, %dma_wait3A_132] : memref<10016x64xf32, #tpu.memory_space<vmem_shared>> -> memref<10016x64xf32, #tpu.memory_space<vmem_shared>>
        tpu.wait_indirect_dma semaphore(%run_scoped3A : memref<!tpu.dma_semaphore, #tpu.memory_space<semaphore_mem>>) src(%arg11 : memref<128x64xf32, #tpu.memory_space<vmem>>) dst(%dma_wait3A_133 : memref<10016x64xf32, #tpu.memory_space<vmem_shared>>)
        tpu.yield
      }) : () -> ()
      %mul3A_103 = arith.constant 4 : i32
      %mul3A_104 = arith.muli %scan3A_47, %mul3A_103 : i32
      %add3A_105 = arith.constant 3 : i32
      %add3A_106 = arith.addi %mul3A_104, %add3A_105 : i32
      %dma_wait3A_107 = arith.constant 0 : i32
      %dma_wait3A_108 = tpu.memref_slice %arg7[%add3A_106, %dma_wait3A_107] : memref<40x128xi32, #tpu.memory_space<vmem>> -> memref<1x128xi32, #tpu.memory_space<vmem>>
      %dma_wait3A_109 = tpu.memref_squeeze %dma_wait3A_108 : memref<1x128xi32, #tpu.memory_space<vmem>> -> memref<128xi32, #tpu.memory_space<vmem>>
      %dma_wait3A_110 = arith.constant 0 : i32
      %dma_wait3A_111 = arith.constant 0 : i32
      %dma_wait3A_112 = tpu.memref_slice %arg2[%dma_wait3A_110, %dma_wait3A_111] : memref<10016x64xf32, #tpu.memory_space<hbm>> -> memref<10016x64xf32, #tpu.memory_space<hbm>>
      tpu.wait_indirect_dma semaphore(%arg17 : memref<!tpu.dma_semaphore, #tpu.memory_space<semaphore_mem>>) src(%dma_wait3A_112 : memref<10016x64xf32, #tpu.memory_space<hbm>>) dst(%arg12 : memref<128x64xf32, #tpu.memory_space<vmem>>)
      %add3A_113 = arith.constant 4 : i32
      %add3A_114 = arith.addi %add3A_106, %add3A_113 : i32
      %sub3A_115 = arith.constant 1 : i32
      %sub3A_116 = arith.subi %add3A_114, %sub3A_115 : i32
      %lt3A_117 = arith.constant 40 : i32
      %lt3A_118 = arith.cmpi slt, %sub3A_116, %lt3A_117 : i32
      %convert_element_type3A_119 = arith.extui %lt3A_118 : i1 to i32
      %cond3A_120 = arith.constant 0 : i32
      %cond3A_121 = arith.cmpi ne, %convert_element_type3A_119, %cond3A_120 : i32
      scf.if %cond3A_121 {
        %add3A_122 = arith.constant 4 : i32
        %add3A_123 = arith.addi %add3A_106, %add3A_122 : i32
        %sub3A_124 = arith.constant 1 : i32
        %sub3A_125 = arith.subi %add3A_123, %sub3A_124 : i32
        %dma_start3A_126 = arith.constant 0 : i32
        %dma_start3A_127 = tpu.memref_slice %arg7[%sub3A_125, %dma_start3A_126] : memref<40x128xi32, #tpu.memory_space<vmem>> -> memref<1x128xi32, #tpu.memory_space<vmem>>
        %dma_start3A_128 = tpu.memref_squeeze %dma_start3A_127 : memref<1x128xi32, #tpu.memory_space<vmem>> -> memref<128xi32, #tpu.memory_space<vmem>>
        %dma_start3A_129 = arith.constant 0 : i32
        %dma_start3A_130 = arith.constant 0 : i32
        %dma_start3A_131 = tpu.memref_slice %arg2[%dma_start3A_129, %dma_start3A_130] : memref<10016x64xf32, #tpu.memory_space<hbm>> -> memref<10016x64xf32, #tpu.memory_space<hbm>>
        tpu.enqueue_indirect_dma source(%dma_start3A_131 : memref<10016x64xf32, #tpu.memory_space<hbm>>) target(%arg11 : memref<128x64xf32, #tpu.memory_space<vmem>>) offsets(%dma_start3A_128 : memref<128xi32, #tpu.memory_space<vmem>>) semaphore(%arg16 : memref<!tpu.dma_semaphore, #tpu.memory_space<semaphore_mem>>)
      } else {
      }
      "tpu.region"() ({
        %run_scoped3A = tpu.sem_alloc : memref<!tpu.dma_semaphore, #tpu.memory_space<semaphore_mem>>
        %dma_start3A_122 = arith.constant 0 : i32
        %dma_start3A_123 = tpu.memref_slice %arg8[%add3A_106, %dma_start3A_122] : memref<40x128xi32, #tpu.memory_space<vmem>> -> memref<1x128xi32, #tpu.memory_space<vmem>>
        %dma_start3A_124 = tpu.memref_squeeze %dma_start3A_123 : memref<1x128xi32, #tpu.memory_space<vmem>> -> memref<128xi32, #tpu.memory_space<vmem>>
        %dma_start3A_125 = arith.constant 0 : i32
        %dma_start3A_126 = arith.constant 0 : i32
        %dma_start3A_127 = tpu.memref_slice %arg13[%dma_start3A_125, %dma_start3A_126] : memref<10016x64xf32, #tpu.memory_space<vmem_shared>> -> memref<10016x64xf32, #tpu.memory_space<vmem_shared>>
        tpu.enqueue_indirect_dma source(%arg12 : memref<128x64xf32, #tpu.memory_space<vmem>>) target(%dma_start3A_127 : memref<10016x64xf32, #tpu.memory_space<vmem_shared>>) offsets(%dma_start3A_124 : memref<128xi32, #tpu.memory_space<vmem>>) semaphore(%run_scoped3A : memref<!tpu.dma_semaphore, #tpu.memory_space<semaphore_mem>>) {add = true}
        %dma_wait3A_128 = arith.constant 0 : i32
        %dma_wait3A_129 = tpu.memref_slice %arg8[%add3A_106, %dma_wait3A_128] : memref<40x128xi32, #tpu.memory_space<vmem>> -> memref<1x128xi32, #tpu.memory_space<vmem>>
        %dma_wait3A_130 = tpu.memref_squeeze %dma_wait3A_129 : memref<1x128xi32, #tpu.memory_space<vmem>> -> memref<128xi32, #tpu.memory_space<vmem>>
        %dma_wait3A_131 = arith.constant 0 : i32
        %dma_wait3A_132 = arith.constant 0 : i32
        %dma_wait3A_133 = tpu.memref_slice %arg13[%dma_wait3A_131, %dma_wait3A_132] : memref<10016x64xf32, #tpu.memory_space<vmem_shared>> -> memref<10016x64xf32, #tpu.memory_space<vmem_shared>>
        tpu.wait_indirect_dma semaphore(%run_scoped3A : memref<!tpu.dma_semaphore, #tpu.memory_space<semaphore_mem>>) src(%arg12 : memref<128x64xf32, #tpu.memory_space<vmem>>) dst(%dma_wait3A_133 : memref<10016x64xf32, #tpu.memory_space<vmem_shared>>)
        tpu.yield
      }) : () -> ()
    }
    %scan3A_35 = arith.constant 10 : i32
    %barrier3A_36 = arith.constant 0 : index
    tpu.barrier barrier_id(%barrier3A_36)
    %lt3A_37 = arith.constant 15 : i32
    %lt3A_38 = arith.cmpi slt, %arg1, %lt3A_37 : i32
    %convert_element_type3A_39 = arith.extui %lt3A_38 : i1 to i32
    %cond3A_40 = arith.constant 0 : i32
    %cond3A_41 = arith.cmpi ne, %convert_element_type3A_39, %cond3A_40 : i32
    scf.if %cond3A_41 {
      %mul3A_47 = arith.constant 632 : i32
      %mul3A_48 = arith.muli %arg1, %mul3A_47 : i32
      %mul3A_49 = arith.constant 632 : i32
      %mul3A_50 = arith.muli %arg1, %mul3A_49 : i32
      "tpu.region"() ({
        %run_scoped3A = tpu.sem_alloc : memref<!tpu.dma_semaphore, #tpu.memory_space<semaphore_mem>>
        %dma_start3A_51 = arith.constant 0 : i32
        %dma_start3A_52 = arith.constant 0 : i32
        %dma_start3A_53 = tpu.memref_slice %arg6[%arg0, %dma_start3A_51, %dma_start3A_52] : memref<2x10016x64xf32, #tpu.memory_space<hbm>> -> memref<1x10016x64xf32, #tpu.memory_space<hbm>>
        %dma_start3A_54 = tpu.memref_squeeze %dma_start3A_53 : memref<1x10016x64xf32, #tpu.memory_space<hbm>> -> memref<10016x64xf32, #tpu.memory_space<hbm>>
        %dma_start3A_55 = arith.constant 0 : i32
        %dma_start3A_56 = tpu.memref_slice %dma_start3A_54[%mul3A_50, %dma_start3A_55] : memref<10016x64xf32, #tpu.memory_space<hbm>> -> memref<632x64xf32, #tpu.memory_space<hbm>>
        %dma_start3A_57 = arith.constant 0 : i32
        %dma_start3A_58 = tpu.memref_slice %arg13[%mul3A_48, %dma_start3A_57] : memref<10016x64xf32, #tpu.memory_space<vmem_shared>> -> memref<632x64xf32, #tpu.memory_space<vmem_shared>>
        tpu.enqueue_dma source(%dma_start3A_58 : memref<632x64xf32, #tpu.memory_space<vmem_shared>>) target(%dma_start3A_56 : memref<632x64xf32, #tpu.memory_space<hbm>>) target_semaphore(%run_scoped3A : memref<!tpu.dma_semaphore, #tpu.memory_space<semaphore_mem>>)
        %dma_wait3A = arith.constant 0 : i32
        %dma_wait3A_59 = arith.constant 0 : i32
        %dma_wait3A_60 = tpu.memref_slice %arg6[%arg0, %dma_wait3A, %dma_wait3A_59] : memref<2x10016x64xf32, #tpu.memory_space<hbm>> -> memref<1x10016x64xf32, #tpu.memory_space<hbm>>
        %dma_wait3A_61 = tpu.memref_squeeze %dma_wait3A_60 : memref<1x10016x64xf32, #tpu.memory_space<hbm>> -> memref<10016x64xf32, #tpu.memory_space<hbm>>
        %dma_wait3A_62 = arith.constant 0 : i32
        %dma_wait3A_63 = tpu.memref_slice %dma_wait3A_61[%mul3A_50, %dma_wait3A_62] : memref<10016x64xf32, #tpu.memory_space<hbm>> -> memref<632x64xf32, #tpu.memory_space<hbm>>
        %dma_wait3A_64 = arith.constant 0 : i32
        %dma_wait3A_65 = tpu.memref_slice %arg13[%mul3A_48, %dma_wait3A_64] : memref<10016x64xf32, #tpu.memory_space<vmem_shared>> -> memref<632x64xf32, #tpu.memory_space<vmem_shared>>
        tpu.wait_dma2 semaphore(%run_scoped3A : memref<!tpu.dma_semaphore, #tpu.memory_space<semaphore_mem>>) src(%dma_wait3A_65 : memref<632x64xf32, #tpu.memory_space<vmem_shared>>) dst(%dma_wait3A_63 : memref<632x64xf32, #tpu.memory_space<hbm>>)
        tpu.yield
      }) : () -> ()
    } else {
    }
    %eq3A_42 = arith.constant 15 : i32
    %eq3A_43 = arith.cmpi eq, %arg1, %eq3A_42 : i32
    %convert_element_type3A_44 = arith.extui %eq3A_43 : i1 to i32
    %cond3A_45 = arith.constant 0 : i32
    %cond3A_46 = arith.cmpi ne, %convert_element_type3A_44, %cond3A_45 : i32
    scf.if %cond3A_46 {
      "tpu.region"() ({
        %run_scoped3A = tpu.sem_alloc : memref<!tpu.dma_semaphore, #tpu.memory_space<semaphore_mem>>
        %dma_start3A_47 = arith.constant 0 : i32
        %dma_start3A_48 = arith.constant 0 : i32
        %dma_start3A_49 = tpu.memref_slice %arg6[%arg0, %dma_start3A_47, %dma_start3A_48] : memref<2x10016x64xf32, #tpu.memory_space<hbm>> -> memref<1x10016x64xf32, #tpu.memory_space<hbm>>
        %dma_start3A_50 = tpu.memref_squeeze %dma_start3A_49 : memref<1x10016x64xf32, #tpu.memory_space<hbm>> -> memref<10016x64xf32, #tpu.memory_space<hbm>>
        %dma_start3A_51 = arith.constant 9480 : i32
        %dma_start3A_52 = arith.constant 0 : i32
        %dma_start3A_53 = tpu.memref_slice %dma_start3A_50[%dma_start3A_51, %dma_start3A_52] : memref<10016x64xf32, #tpu.memory_space<hbm>> -> memref<536x64xf32, #tpu.memory_space<hbm>>
        %dma_start3A_54 = arith.constant 9480 : i32
        %dma_start3A_55 = arith.constant 0 : i32
        %dma_start3A_56 = tpu.memref_slice %arg13[%dma_start3A_54, %dma_start3A_55] : memref<10016x64xf32, #tpu.memory_space<vmem_shared>> -> memref<536x64xf32, #tpu.memory_space<vmem_shared>>
        tpu.enqueue_dma source(%dma_start3A_56 : memref<536x64xf32, #tpu.memory_space<vmem_shared>>) target(%dma_start3A_53 : memref<536x64xf32, #tpu.memory_space<hbm>>) target_semaphore(%run_scoped3A : memref<!tpu.dma_semaphore, #tpu.memory_space<semaphore_mem>>)
        %dma_wait3A = arith.constant 0 : i32
        %dma_wait3A_57 = arith.constant 0 : i32
        %dma_wait3A_58 = tpu.memref_slice %arg6[%arg0, %dma_wait3A, %dma_wait3A_57] : memref<2x10016x64xf32, #tpu.memory_space<hbm>> -> memref<1x10016x64xf32, #tpu.memory_space<hbm>>
        %dma_wait3A_59 = tpu.memref_squeeze %dma_wait3A_58 : memref<1x10016x64xf32, #tpu.memory_space<hbm>> -> memref<10016x64xf32, #tpu.memory_space<hbm>>
        %dma_wait3A_60 = arith.constant 9480 : i32
        %dma_wait3A_61 = arith.constant 0 : i32
        %dma_wait3A_62 = tpu.memref_slice %dma_wait3A_59[%dma_wait3A_60, %dma_wait3A_61] : memref<10016x64xf32, #tpu.memory_space<hbm>> -> memref<536x64xf32, #tpu.memory_space<hbm>>
        %dma_wait3A_63 = arith.constant 9480 : i32
        %dma_wait3A_64 = arith.constant 0 : i32
        %dma_wait3A_65 = tpu.memref_slice %arg13[%dma_wait3A_63, %dma_wait3A_64] : memref<10016x64xf32, #tpu.memory_space<vmem_shared>> -> memref<536x64xf32, #tpu.memory_space<vmem_shared>>
        tpu.wait_dma2 semaphore(%run_scoped3A : memref<!tpu.dma_semaphore, #tpu.memory_space<semaphore_mem>>) src(%dma_wait3A_65 : memref<536x64xf32, #tpu.memory_space<vmem_shared>>) dst(%dma_wait3A_62 : memref<536x64xf32, #tpu.memory_space<hbm>>)
        tpu.yield
      }) : () -> ()
    } else {
    }
    return
  }
}

#map = affine_map<(d0, d1) -> (0, 0)>
#map1 = affine_map<(d0, d1) -> (0, 0, 0)>
module attributes {stable_mosaic.version = 14 : i64} {
  func.func @agg(%arg0: i32, %arg1: i32, %arg2: memref<10016x128xf32, #tpu.memory_space<hbm>>, %arg3: memref<1280x128xi32, #tpu.memory_space<hbm>>, %arg4: memref<1280x128xi32, #tpu.memory_space<hbm>>, %arg5: memref<10000x128xf32, #tpu.memory_space<hbm>>, %arg6: memref<2x10016x128xf32, #tpu.memory_space<hbm>>, %arg7: memref<40x128xi32, #tpu.memory_space<vmem>>, %arg8: memref<40x128xi32, #tpu.memory_space<vmem>>, %arg9: memref<128x128xf32, #tpu.memory_space<vmem>>, %arg10: memref<128x128xf32, #tpu.memory_space<vmem>>, %arg11: memref<10016x128xf32, #tpu.memory_space<vmem_shared>>, %arg12: memref<!tpu.dma_semaphore, #tpu.memory_space<semaphore_mem>>, %arg13: memref<!tpu.dma_semaphore, #tpu.memory_space<semaphore_mem>>) attributes {dimension_semantics = [#tpu.dimension_semantics<core_parallel>, #tpu.dimension_semantics<subcore_parallel>], iteration_bounds = array<i64: 2, 16>, scalar_prefetch = 0 : i64, scratch_operands = 7 : i64, tpu.core_type = #tpu.core_type<sc_vector_subcore>, window_params = [{transform_indices = #map}, {transform_indices = #map}, {transform_indices = #map}, {transform_indices = #map}, {transform_indices = #map1}]} {
    %mul3A = arith.constant 16 : i32
    %mul3A_0 = arith.muli %arg0, %mul3A : i32
    %add3A = arith.addi %mul3A_0, %arg1 : i32
    %mul3A_1 = arith.constant 40 : i32
    %mul3A_2 = arith.muli %add3A, %mul3A_1 : i32
    "tpu.region"() ({
      %run_scoped3A = tpu.sem_alloc : memref<!tpu.dma_semaphore, #tpu.memory_space<semaphore_mem>>
      %dma_start3A_33 = arith.constant 0 : i32
      %dma_start3A_34 = tpu.memref_slice %arg3[%mul3A_2, %dma_start3A_33] : memref<1280x128xi32, #tpu.memory_space<hbm>> -> memref<40x128xi32, #tpu.memory_space<hbm>>
      %dma_start3A_35 = arith.constant 0 : i32
      %dma_start3A_36 = tpu.memref_slice %arg3[%mul3A_2, %dma_start3A_35] : memref<1280x128xi32, #tpu.memory_space<hbm>> -> memref<40x128xi32, #tpu.memory_space<hbm>>
      tpu.enqueue_dma source(%dma_start3A_36 : memref<40x128xi32, #tpu.memory_space<hbm>>) target(%arg7 : memref<40x128xi32, #tpu.memory_space<vmem>>) target_semaphore(%run_scoped3A : memref<!tpu.dma_semaphore, #tpu.memory_space<semaphore_mem>>)
      %dma_wait3A = arith.constant 0 : i32
      %dma_wait3A_37 = tpu.memref_slice %arg3[%mul3A_2, %dma_wait3A] : memref<1280x128xi32, #tpu.memory_space<hbm>> -> memref<40x128xi32, #tpu.memory_space<hbm>>
      %dma_wait3A_38 = arith.constant 0 : i32
      %dma_wait3A_39 = tpu.memref_slice %arg3[%mul3A_2, %dma_wait3A_38] : memref<1280x128xi32, #tpu.memory_space<hbm>> -> memref<40x128xi32, #tpu.memory_space<hbm>>
      tpu.wait_dma2 semaphore(%run_scoped3A : memref<!tpu.dma_semaphore, #tpu.memory_space<semaphore_mem>>) src(%dma_wait3A_39 : memref<40x128xi32, #tpu.memory_space<hbm>>) dst(%arg7 : memref<40x128xi32, #tpu.memory_space<vmem>>)
      tpu.yield
    }) : () -> ()
    %mul3A_3 = arith.constant 40 : i32
    %mul3A_4 = arith.muli %add3A, %mul3A_3 : i32
    "tpu.region"() ({
      %run_scoped3A = tpu.sem_alloc : memref<!tpu.dma_semaphore, #tpu.memory_space<semaphore_mem>>
      %dma_start3A_33 = arith.constant 0 : i32
      %dma_start3A_34 = tpu.memref_slice %arg4[%mul3A_4, %dma_start3A_33] : memref<1280x128xi32, #tpu.memory_space<hbm>> -> memref<40x128xi32, #tpu.memory_space<hbm>>
      %dma_start3A_35 = arith.constant 0 : i32
      %dma_start3A_36 = tpu.memref_slice %arg4[%mul3A_4, %dma_start3A_35] : memref<1280x128xi32, #tpu.memory_space<hbm>> -> memref<40x128xi32, #tpu.memory_space<hbm>>
      tpu.enqueue_dma source(%dma_start3A_36 : memref<40x128xi32, #tpu.memory_space<hbm>>) target(%arg8 : memref<40x128xi32, #tpu.memory_space<vmem>>) target_semaphore(%run_scoped3A : memref<!tpu.dma_semaphore, #tpu.memory_space<semaphore_mem>>)
      %dma_wait3A = arith.constant 0 : i32
      %dma_wait3A_37 = tpu.memref_slice %arg4[%mul3A_4, %dma_wait3A] : memref<1280x128xi32, #tpu.memory_space<hbm>> -> memref<40x128xi32, #tpu.memory_space<hbm>>
      %dma_wait3A_38 = arith.constant 0 : i32
      %dma_wait3A_39 = tpu.memref_slice %arg4[%mul3A_4, %dma_wait3A_38] : memref<1280x128xi32, #tpu.memory_space<hbm>> -> memref<40x128xi32, #tpu.memory_space<hbm>>
      tpu.wait_dma2 semaphore(%run_scoped3A : memref<!tpu.dma_semaphore, #tpu.memory_space<semaphore_mem>>) src(%dma_wait3A_39 : memref<40x128xi32, #tpu.memory_space<hbm>>) dst(%arg8 : memref<40x128xi32, #tpu.memory_space<vmem>>)
      tpu.yield
    }) : () -> ()
    %lt3A = arith.constant 15 : i32
    %lt3A_5 = arith.cmpi slt, %arg1, %lt3A : i32
    %convert_element_type3A = arith.extui %lt3A_5 : i1 to i32
    %cond3A = arith.constant 0 : i32
    %cond3A_6 = arith.cmpi ne, %convert_element_type3A, %cond3A : i32
    scf.if %cond3A_6 {
      %mul3A_33 = arith.constant 632 : i32
      %mul3A_34 = arith.muli %arg1, %mul3A_33 : i32
      %mul3A_35 = arith.constant 632 : i32
      %mul3A_36 = arith.muli %arg1, %mul3A_35 : i32
      "tpu.region"() ({
        %run_scoped3A = tpu.sem_alloc : memref<!tpu.dma_semaphore, #tpu.memory_space<semaphore_mem>>
        %dma_start3A_37 = arith.constant 0 : i32
        %dma_start3A_38 = tpu.memref_slice %arg11[%mul3A_36, %dma_start3A_37] : memref<10016x128xf32, #tpu.memory_space<vmem_shared>> -> memref<632x128xf32, #tpu.memory_space<vmem_shared>>
        %dma_start3A_39 = arith.constant 0 : i32
        %dma_start3A_40 = tpu.memref_slice %arg5[%mul3A_34, %dma_start3A_39] : memref<10000x128xf32, #tpu.memory_space<hbm>> -> memref<632x128xf32, #tpu.memory_space<hbm>>
        tpu.enqueue_dma source(%dma_start3A_40 : memref<632x128xf32, #tpu.memory_space<hbm>>) target(%dma_start3A_38 : memref<632x128xf32, #tpu.memory_space<vmem_shared>>) target_semaphore(%run_scoped3A : memref<!tpu.dma_semaphore, #tpu.memory_space<semaphore_mem>>)
        %dma_wait3A = arith.constant 0 : i32
        %dma_wait3A_41 = tpu.memref_slice %arg11[%mul3A_36, %dma_wait3A] : memref<10016x128xf32, #tpu.memory_space<vmem_shared>> -> memref<632x128xf32, #tpu.memory_space<vmem_shared>>
        %dma_wait3A_42 = arith.constant 0 : i32
        %dma_wait3A_43 = tpu.memref_slice %arg5[%mul3A_34, %dma_wait3A_42] : memref<10000x128xf32, #tpu.memory_space<hbm>> -> memref<632x128xf32, #tpu.memory_space<hbm>>
        tpu.wait_dma2 semaphore(%run_scoped3A : memref<!tpu.dma_semaphore, #tpu.memory_space<semaphore_mem>>) src(%dma_wait3A_43 : memref<632x128xf32, #tpu.memory_space<hbm>>) dst(%dma_wait3A_41 : memref<632x128xf32, #tpu.memory_space<vmem_shared>>)
        tpu.yield
      }) : () -> ()
    } else {
    }
    %eq3A = arith.constant 15 : i32
    %eq3A_7 = arith.cmpi eq, %arg1, %eq3A : i32
    %convert_element_type3A_8 = arith.extui %eq3A_7 : i1 to i32
    %cond3A_9 = arith.constant 0 : i32
    %cond3A_10 = arith.cmpi ne, %convert_element_type3A_8, %cond3A_9 : i32
    scf.if %cond3A_10 {
      "tpu.region"() ({
        %run_scoped3A = tpu.sem_alloc : memref<!tpu.dma_semaphore, #tpu.memory_space<semaphore_mem>>
        %dma_start3A_33 = arith.constant 9480 : i32
        %dma_start3A_34 = arith.constant 0 : i32
        %dma_start3A_35 = tpu.memref_slice %arg11[%dma_start3A_33, %dma_start3A_34] : memref<10016x128xf32, #tpu.memory_space<vmem_shared>> -> memref<520x128xf32, #tpu.memory_space<vmem_shared>>
        %dma_start3A_36 = arith.constant 9480 : i32
        %dma_start3A_37 = arith.constant 0 : i32
        %dma_start3A_38 = tpu.memref_slice %arg5[%dma_start3A_36, %dma_start3A_37] : memref<10000x128xf32, #tpu.memory_space<hbm>> -> memref<520x128xf32, #tpu.memory_space<hbm>>
        tpu.enqueue_dma source(%dma_start3A_38 : memref<520x128xf32, #tpu.memory_space<hbm>>) target(%dma_start3A_35 : memref<520x128xf32, #tpu.memory_space<vmem_shared>>) target_semaphore(%run_scoped3A : memref<!tpu.dma_semaphore, #tpu.memory_space<semaphore_mem>>)
        %dma_wait3A = arith.constant 9480 : i32
        %dma_wait3A_39 = arith.constant 0 : i32
        %dma_wait3A_40 = tpu.memref_slice %arg11[%dma_wait3A, %dma_wait3A_39] : memref<10016x128xf32, #tpu.memory_space<vmem_shared>> -> memref<520x128xf32, #tpu.memory_space<vmem_shared>>
        %dma_wait3A_41 = arith.constant 9480 : i32
        %dma_wait3A_42 = arith.constant 0 : i32
        %dma_wait3A_43 = tpu.memref_slice %arg5[%dma_wait3A_41, %dma_wait3A_42] : memref<10000x128xf32, #tpu.memory_space<hbm>> -> memref<520x128xf32, #tpu.memory_space<hbm>>
        tpu.wait_dma2 semaphore(%run_scoped3A : memref<!tpu.dma_semaphore, #tpu.memory_space<semaphore_mem>>) src(%dma_wait3A_43 : memref<520x128xf32, #tpu.memory_space<hbm>>) dst(%dma_wait3A_40 : memref<520x128xf32, #tpu.memory_space<vmem_shared>>)
        tpu.yield
      }) : () -> ()
    } else {
    }
    %barrier3A = arith.constant 0 : index
    tpu.barrier barrier_id(%barrier3A)
    %dma_start3A = arith.constant 0 : i32
    %dma_start3A_11 = arith.constant 0 : i32
    %dma_start3A_12 = tpu.memref_slice %arg7[%dma_start3A, %dma_start3A_11] : memref<40x128xi32, #tpu.memory_space<vmem>> -> memref<1x128xi32, #tpu.memory_space<vmem>>
    %dma_start3A_13 = tpu.memref_squeeze %dma_start3A_12 : memref<1x128xi32, #tpu.memory_space<vmem>> -> memref<128xi32, #tpu.memory_space<vmem>>
    %dma_start3A_14 = arith.constant 0 : i32
    %dma_start3A_15 = arith.constant 0 : i32
    %dma_start3A_16 = tpu.memref_slice %arg2[%dma_start3A_14, %dma_start3A_15] : memref<10016x128xf32, #tpu.memory_space<hbm>> -> memref<10016x128xf32, #tpu.memory_space<hbm>>
    tpu.enqueue_indirect_dma source(%dma_start3A_16 : memref<10016x128xf32, #tpu.memory_space<hbm>>) target(%arg9 : memref<128x128xf32, #tpu.memory_space<vmem>>) offsets(%dma_start3A_13 : memref<128xi32, #tpu.memory_space<vmem>>) semaphore(%arg12 : memref<!tpu.dma_semaphore, #tpu.memory_space<semaphore_mem>>)
    %scan3A = arith.constant 0 : i32
    %scan3A_17 = arith.constant 0 : i32
    %scan3A_18 = arith.constant 20 : i32
    %scan3A_19 = arith.addi %scan3A_17, %scan3A_18 : i32
    %scan3A_20 = arith.constant 1 : i32
    scf.for %scan3A_33 = %scan3A_17 to %scan3A_19 step %scan3A_20  : i32 {
      %mul3A_34 = arith.constant 2 : i32
      %mul3A_35 = arith.muli %scan3A_33, %mul3A_34 : i32
      %add3A_36 = arith.constant 0 : i32
      %add3A_37 = arith.addi %mul3A_35, %add3A_36 : i32
      %dma_wait3A = arith.constant 0 : i32
      %dma_wait3A_38 = tpu.memref_slice %arg7[%add3A_37, %dma_wait3A] : memref<40x128xi32, #tpu.memory_space<vmem>> -> memref<1x128xi32, #tpu.memory_space<vmem>>
      %dma_wait3A_39 = tpu.memref_squeeze %dma_wait3A_38 : memref<1x128xi32, #tpu.memory_space<vmem>> -> memref<128xi32, #tpu.memory_space<vmem>>
      %dma_wait3A_40 = arith.constant 0 : i32
      %dma_wait3A_41 = arith.constant 0 : i32
      %dma_wait3A_42 = tpu.memref_slice %arg2[%dma_wait3A_40, %dma_wait3A_41] : memref<10016x128xf32, #tpu.memory_space<hbm>> -> memref<10016x128xf32, #tpu.memory_space<hbm>>
      tpu.wait_indirect_dma semaphore(%arg12 : memref<!tpu.dma_semaphore, #tpu.memory_space<semaphore_mem>>) src(%dma_wait3A_42 : memref<10016x128xf32, #tpu.memory_space<hbm>>) dst(%arg9 : memref<128x128xf32, #tpu.memory_space<vmem>>)
      %add3A_43 = arith.constant 2 : i32
      %add3A_44 = arith.addi %add3A_37, %add3A_43 : i32
      %sub3A = arith.constant 1 : i32
      %sub3A_45 = arith.subi %add3A_44, %sub3A : i32
      %lt3A_46 = arith.constant 40 : i32
      %lt3A_47 = arith.cmpi slt, %sub3A_45, %lt3A_46 : i32
      %convert_element_type3A_48 = arith.extui %lt3A_47 : i1 to i32
      %cond3A_49 = arith.constant 0 : i32
      %cond3A_50 = arith.cmpi ne, %convert_element_type3A_48, %cond3A_49 : i32
      scf.if %cond3A_50 {
        %add3A_70 = arith.constant 2 : i32
        %add3A_71 = arith.addi %add3A_37, %add3A_70 : i32
        %sub3A_72 = arith.constant 1 : i32
        %sub3A_73 = arith.subi %add3A_71, %sub3A_72 : i32
        %dma_start3A_74 = arith.constant 0 : i32
        %dma_start3A_75 = tpu.memref_slice %arg7[%sub3A_73, %dma_start3A_74] : memref<40x128xi32, #tpu.memory_space<vmem>> -> memref<1x128xi32, #tpu.memory_space<vmem>>
        %dma_start3A_76 = tpu.memref_squeeze %dma_start3A_75 : memref<1x128xi32, #tpu.memory_space<vmem>> -> memref<128xi32, #tpu.memory_space<vmem>>
        %dma_start3A_77 = arith.constant 0 : i32
        %dma_start3A_78 = arith.constant 0 : i32
        %dma_start3A_79 = tpu.memref_slice %arg2[%dma_start3A_77, %dma_start3A_78] : memref<10016x128xf32, #tpu.memory_space<hbm>> -> memref<10016x128xf32, #tpu.memory_space<hbm>>
        tpu.enqueue_indirect_dma source(%dma_start3A_79 : memref<10016x128xf32, #tpu.memory_space<hbm>>) target(%arg10 : memref<128x128xf32, #tpu.memory_space<vmem>>) offsets(%dma_start3A_76 : memref<128xi32, #tpu.memory_space<vmem>>) semaphore(%arg13 : memref<!tpu.dma_semaphore, #tpu.memory_space<semaphore_mem>>)
      } else {
      }
      "tpu.region"() ({
        %run_scoped3A = tpu.sem_alloc : memref<!tpu.dma_semaphore, #tpu.memory_space<semaphore_mem>>
        %dma_start3A_70 = arith.constant 0 : i32
        %dma_start3A_71 = tpu.memref_slice %arg8[%add3A_37, %dma_start3A_70] : memref<40x128xi32, #tpu.memory_space<vmem>> -> memref<1x128xi32, #tpu.memory_space<vmem>>
        %dma_start3A_72 = tpu.memref_squeeze %dma_start3A_71 : memref<1x128xi32, #tpu.memory_space<vmem>> -> memref<128xi32, #tpu.memory_space<vmem>>
        %dma_start3A_73 = arith.constant 0 : i32
        %dma_start3A_74 = arith.constant 0 : i32
        %dma_start3A_75 = tpu.memref_slice %arg11[%dma_start3A_73, %dma_start3A_74] : memref<10016x128xf32, #tpu.memory_space<vmem_shared>> -> memref<10016x128xf32, #tpu.memory_space<vmem_shared>>
        tpu.enqueue_indirect_dma source(%arg9 : memref<128x128xf32, #tpu.memory_space<vmem>>) target(%dma_start3A_75 : memref<10016x128xf32, #tpu.memory_space<vmem_shared>>) offsets(%dma_start3A_72 : memref<128xi32, #tpu.memory_space<vmem>>) semaphore(%run_scoped3A : memref<!tpu.dma_semaphore, #tpu.memory_space<semaphore_mem>>) {add = true}
        %dma_wait3A_76 = arith.constant 0 : i32
        %dma_wait3A_77 = tpu.memref_slice %arg8[%add3A_37, %dma_wait3A_76] : memref<40x128xi32, #tpu.memory_space<vmem>> -> memref<1x128xi32, #tpu.memory_space<vmem>>
        %dma_wait3A_78 = tpu.memref_squeeze %dma_wait3A_77 : memref<1x128xi32, #tpu.memory_space<vmem>> -> memref<128xi32, #tpu.memory_space<vmem>>
        %dma_wait3A_79 = arith.constant 0 : i32
        %dma_wait3A_80 = arith.constant 0 : i32
        %dma_wait3A_81 = tpu.memref_slice %arg11[%dma_wait3A_79, %dma_wait3A_80] : memref<10016x128xf32, #tpu.memory_space<vmem_shared>> -> memref<10016x128xf32, #tpu.memory_space<vmem_shared>>
        tpu.wait_indirect_dma semaphore(%run_scoped3A : memref<!tpu.dma_semaphore, #tpu.memory_space<semaphore_mem>>) src(%arg9 : memref<128x128xf32, #tpu.memory_space<vmem>>) dst(%dma_wait3A_81 : memref<10016x128xf32, #tpu.memory_space<vmem_shared>>)
        tpu.yield
      }) : () -> ()
      %mul3A_51 = arith.constant 2 : i32
      %mul3A_52 = arith.muli %scan3A_33, %mul3A_51 : i32
      %add3A_53 = arith.constant 1 : i32
      %add3A_54 = arith.addi %mul3A_52, %add3A_53 : i32
      %dma_wait3A_55 = arith.constant 0 : i32
      %dma_wait3A_56 = tpu.memref_slice %arg7[%add3A_54, %dma_wait3A_55] : memref<40x128xi32, #tpu.memory_space<vmem>> -> memref<1x128xi32, #tpu.memory_space<vmem>>
      %dma_wait3A_57 = tpu.memref_squeeze %dma_wait3A_56 : memref<1x128xi32, #tpu.memory_space<vmem>> -> memref<128xi32, #tpu.memory_space<vmem>>
      %dma_wait3A_58 = arith.constant 0 : i32
      %dma_wait3A_59 = arith.constant 0 : i32
      %dma_wait3A_60 = tpu.memref_slice %arg2[%dma_wait3A_58, %dma_wait3A_59] : memref<10016x128xf32, #tpu.memory_space<hbm>> -> memref<10016x128xf32, #tpu.memory_space<hbm>>
      tpu.wait_indirect_dma semaphore(%arg13 : memref<!tpu.dma_semaphore, #tpu.memory_space<semaphore_mem>>) src(%dma_wait3A_60 : memref<10016x128xf32, #tpu.memory_space<hbm>>) dst(%arg10 : memref<128x128xf32, #tpu.memory_space<vmem>>)
      %add3A_61 = arith.constant 2 : i32
      %add3A_62 = arith.addi %add3A_54, %add3A_61 : i32
      %sub3A_63 = arith.constant 1 : i32
      %sub3A_64 = arith.subi %add3A_62, %sub3A_63 : i32
      %lt3A_65 = arith.constant 40 : i32
      %lt3A_66 = arith.cmpi slt, %sub3A_64, %lt3A_65 : i32
      %convert_element_type3A_67 = arith.extui %lt3A_66 : i1 to i32
      %cond3A_68 = arith.constant 0 : i32
      %cond3A_69 = arith.cmpi ne, %convert_element_type3A_67, %cond3A_68 : i32
      scf.if %cond3A_69 {
        %add3A_70 = arith.constant 2 : i32
        %add3A_71 = arith.addi %add3A_54, %add3A_70 : i32
        %sub3A_72 = arith.constant 1 : i32
        %sub3A_73 = arith.subi %add3A_71, %sub3A_72 : i32
        %dma_start3A_74 = arith.constant 0 : i32
        %dma_start3A_75 = tpu.memref_slice %arg7[%sub3A_73, %dma_start3A_74] : memref<40x128xi32, #tpu.memory_space<vmem>> -> memref<1x128xi32, #tpu.memory_space<vmem>>
        %dma_start3A_76 = tpu.memref_squeeze %dma_start3A_75 : memref<1x128xi32, #tpu.memory_space<vmem>> -> memref<128xi32, #tpu.memory_space<vmem>>
        %dma_start3A_77 = arith.constant 0 : i32
        %dma_start3A_78 = arith.constant 0 : i32
        %dma_start3A_79 = tpu.memref_slice %arg2[%dma_start3A_77, %dma_start3A_78] : memref<10016x128xf32, #tpu.memory_space<hbm>> -> memref<10016x128xf32, #tpu.memory_space<hbm>>
        tpu.enqueue_indirect_dma source(%dma_start3A_79 : memref<10016x128xf32, #tpu.memory_space<hbm>>) target(%arg9 : memref<128x128xf32, #tpu.memory_space<vmem>>) offsets(%dma_start3A_76 : memref<128xi32, #tpu.memory_space<vmem>>) semaphore(%arg12 : memref<!tpu.dma_semaphore, #tpu.memory_space<semaphore_mem>>)
      } else {
      }
      "tpu.region"() ({
        %run_scoped3A = tpu.sem_alloc : memref<!tpu.dma_semaphore, #tpu.memory_space<semaphore_mem>>
        %dma_start3A_70 = arith.constant 0 : i32
        %dma_start3A_71 = tpu.memref_slice %arg8[%add3A_54, %dma_start3A_70] : memref<40x128xi32, #tpu.memory_space<vmem>> -> memref<1x128xi32, #tpu.memory_space<vmem>>
        %dma_start3A_72 = tpu.memref_squeeze %dma_start3A_71 : memref<1x128xi32, #tpu.memory_space<vmem>> -> memref<128xi32, #tpu.memory_space<vmem>>
        %dma_start3A_73 = arith.constant 0 : i32
        %dma_start3A_74 = arith.constant 0 : i32
        %dma_start3A_75 = tpu.memref_slice %arg11[%dma_start3A_73, %dma_start3A_74] : memref<10016x128xf32, #tpu.memory_space<vmem_shared>> -> memref<10016x128xf32, #tpu.memory_space<vmem_shared>>
        tpu.enqueue_indirect_dma source(%arg10 : memref<128x128xf32, #tpu.memory_space<vmem>>) target(%dma_start3A_75 : memref<10016x128xf32, #tpu.memory_space<vmem_shared>>) offsets(%dma_start3A_72 : memref<128xi32, #tpu.memory_space<vmem>>) semaphore(%run_scoped3A : memref<!tpu.dma_semaphore, #tpu.memory_space<semaphore_mem>>) {add = true}
        %dma_wait3A_76 = arith.constant 0 : i32
        %dma_wait3A_77 = tpu.memref_slice %arg8[%add3A_54, %dma_wait3A_76] : memref<40x128xi32, #tpu.memory_space<vmem>> -> memref<1x128xi32, #tpu.memory_space<vmem>>
        %dma_wait3A_78 = tpu.memref_squeeze %dma_wait3A_77 : memref<1x128xi32, #tpu.memory_space<vmem>> -> memref<128xi32, #tpu.memory_space<vmem>>
        %dma_wait3A_79 = arith.constant 0 : i32
        %dma_wait3A_80 = arith.constant 0 : i32
        %dma_wait3A_81 = tpu.memref_slice %arg11[%dma_wait3A_79, %dma_wait3A_80] : memref<10016x128xf32, #tpu.memory_space<vmem_shared>> -> memref<10016x128xf32, #tpu.memory_space<vmem_shared>>
        tpu.wait_indirect_dma semaphore(%run_scoped3A : memref<!tpu.dma_semaphore, #tpu.memory_space<semaphore_mem>>) src(%arg10 : memref<128x128xf32, #tpu.memory_space<vmem>>) dst(%dma_wait3A_81 : memref<10016x128xf32, #tpu.memory_space<vmem_shared>>)
        tpu.yield
      }) : () -> ()
    }
    %scan3A_21 = arith.constant 20 : i32
    %barrier3A_22 = arith.constant 0 : index
    tpu.barrier barrier_id(%barrier3A_22)
    %lt3A_23 = arith.constant 15 : i32
    %lt3A_24 = arith.cmpi slt, %arg1, %lt3A_23 : i32
    %convert_element_type3A_25 = arith.extui %lt3A_24 : i1 to i32
    %cond3A_26 = arith.constant 0 : i32
    %cond3A_27 = arith.cmpi ne, %convert_element_type3A_25, %cond3A_26 : i32
    scf.if %cond3A_27 {
      %mul3A_33 = arith.constant 632 : i32
      %mul3A_34 = arith.muli %arg1, %mul3A_33 : i32
      %mul3A_35 = arith.constant 632 : i32
      %mul3A_36 = arith.muli %arg1, %mul3A_35 : i32
      "tpu.region"() ({
        %run_scoped3A = tpu.sem_alloc : memref<!tpu.dma_semaphore, #tpu.memory_space<semaphore_mem>>
        %dma_start3A_37 = arith.constant 0 : i32
        %dma_start3A_38 = arith.constant 0 : i32
        %dma_start3A_39 = tpu.memref_slice %arg6[%arg0, %dma_start3A_37, %dma_start3A_38] : memref<2x10016x128xf32, #tpu.memory_space<hbm>> -> memref<1x10016x128xf32, #tpu.memory_space<hbm>>
        %dma_start3A_40 = tpu.memref_squeeze %dma_start3A_39 : memref<1x10016x128xf32, #tpu.memory_space<hbm>> -> memref<10016x128xf32, #tpu.memory_space<hbm>>
        %dma_start3A_41 = arith.constant 0 : i32
        %dma_start3A_42 = tpu.memref_slice %dma_start3A_40[%mul3A_36, %dma_start3A_41] : memref<10016x128xf32, #tpu.memory_space<hbm>> -> memref<632x128xf32, #tpu.memory_space<hbm>>
        %dma_start3A_43 = arith.constant 0 : i32
        %dma_start3A_44 = tpu.memref_slice %arg11[%mul3A_34, %dma_start3A_43] : memref<10016x128xf32, #tpu.memory_space<vmem_shared>> -> memref<632x128xf32, #tpu.memory_space<vmem_shared>>
        tpu.enqueue_dma source(%dma_start3A_44 : memref<632x128xf32, #tpu.memory_space<vmem_shared>>) target(%dma_start3A_42 : memref<632x128xf32, #tpu.memory_space<hbm>>) target_semaphore(%run_scoped3A : memref<!tpu.dma_semaphore, #tpu.memory_space<semaphore_mem>>)
        %dma_wait3A = arith.constant 0 : i32
        %dma_wait3A_45 = arith.constant 0 : i32
        %dma_wait3A_46 = tpu.memref_slice %arg6[%arg0, %dma_wait3A, %dma_wait3A_45] : memref<2x10016x128xf32, #tpu.memory_space<hbm>> -> memref<1x10016x128xf32, #tpu.memory_space<hbm>>
        %dma_wait3A_47 = tpu.memref_squeeze %dma_wait3A_46 : memref<1x10016x128xf32, #tpu.memory_space<hbm>> -> memref<10016x128xf32, #tpu.memory_space<hbm>>
        %dma_wait3A_48 = arith.constant 0 : i32
        %dma_wait3A_49 = tpu.memref_slice %dma_wait3A_47[%mul3A_36, %dma_wait3A_48] : memref<10016x128xf32, #tpu.memory_space<hbm>> -> memref<632x128xf32, #tpu.memory_space<hbm>>
        %dma_wait3A_50 = arith.constant 0 : i32
        %dma_wait3A_51 = tpu.memref_slice %arg11[%mul3A_34, %dma_wait3A_50] : memref<10016x128xf32, #tpu.memory_space<vmem_shared>> -> memref<632x128xf32, #tpu.memory_space<vmem_shared>>
        tpu.wait_dma2 semaphore(%run_scoped3A : memref<!tpu.dma_semaphore, #tpu.memory_space<semaphore_mem>>) src(%dma_wait3A_51 : memref<632x128xf32, #tpu.memory_space<vmem_shared>>) dst(%dma_wait3A_49 : memref<632x128xf32, #tpu.memory_space<hbm>>)
        tpu.yield
      }) : () -> ()
    } else {
    }
    %eq3A_28 = arith.constant 15 : i32
    %eq3A_29 = arith.cmpi eq, %arg1, %eq3A_28 : i32
    %convert_element_type3A_30 = arith.extui %eq3A_29 : i1 to i32
    %cond3A_31 = arith.constant 0 : i32
    %cond3A_32 = arith.cmpi ne, %convert_element_type3A_30, %cond3A_31 : i32
    scf.if %cond3A_32 {
      "tpu.region"() ({
        %run_scoped3A = tpu.sem_alloc : memref<!tpu.dma_semaphore, #tpu.memory_space<semaphore_mem>>
        %dma_start3A_33 = arith.constant 0 : i32
        %dma_start3A_34 = arith.constant 0 : i32
        %dma_start3A_35 = tpu.memref_slice %arg6[%arg0, %dma_start3A_33, %dma_start3A_34] : memref<2x10016x128xf32, #tpu.memory_space<hbm>> -> memref<1x10016x128xf32, #tpu.memory_space<hbm>>
        %dma_start3A_36 = tpu.memref_squeeze %dma_start3A_35 : memref<1x10016x128xf32, #tpu.memory_space<hbm>> -> memref<10016x128xf32, #tpu.memory_space<hbm>>
        %dma_start3A_37 = arith.constant 9480 : i32
        %dma_start3A_38 = arith.constant 0 : i32
        %dma_start3A_39 = tpu.memref_slice %dma_start3A_36[%dma_start3A_37, %dma_start3A_38] : memref<10016x128xf32, #tpu.memory_space<hbm>> -> memref<536x128xf32, #tpu.memory_space<hbm>>
        %dma_start3A_40 = arith.constant 9480 : i32
        %dma_start3A_41 = arith.constant 0 : i32
        %dma_start3A_42 = tpu.memref_slice %arg11[%dma_start3A_40, %dma_start3A_41] : memref<10016x128xf32, #tpu.memory_space<vmem_shared>> -> memref<536x128xf32, #tpu.memory_space<vmem_shared>>
        tpu.enqueue_dma source(%dma_start3A_42 : memref<536x128xf32, #tpu.memory_space<vmem_shared>>) target(%dma_start3A_39 : memref<536x128xf32, #tpu.memory_space<hbm>>) target_semaphore(%run_scoped3A : memref<!tpu.dma_semaphore, #tpu.memory_space<semaphore_mem>>)
        %dma_wait3A = arith.constant 0 : i32
        %dma_wait3A_43 = arith.constant 0 : i32
        %dma_wait3A_44 = tpu.memref_slice %arg6[%arg0, %dma_wait3A, %dma_wait3A_43] : memref<2x10016x128xf32, #tpu.memory_space<hbm>> -> memref<1x10016x128xf32, #tpu.memory_space<hbm>>
        %dma_wait3A_45 = tpu.memref_squeeze %dma_wait3A_44 : memref<1x10016x128xf32, #tpu.memory_space<hbm>> -> memref<10016x128xf32, #tpu.memory_space<hbm>>
        %dma_wait3A_46 = arith.constant 9480 : i32
        %dma_wait3A_47 = arith.constant 0 : i32
        %dma_wait3A_48 = tpu.memref_slice %dma_wait3A_45[%dma_wait3A_46, %dma_wait3A_47] : memref<10016x128xf32, #tpu.memory_space<hbm>> -> memref<536x128xf32, #tpu.memory_space<hbm>>
        %dma_wait3A_49 = arith.constant 9480 : i32
        %dma_wait3A_50 = arith.constant 0 : i32
        %dma_wait3A_51 = tpu.memref_slice %arg11[%dma_wait3A_49, %dma_wait3A_50] : memref<10016x128xf32, #tpu.memory_space<vmem_shared>> -> memref<536x128xf32, #tpu.memory_space<vmem_shared>>
        tpu.wait_dma2 semaphore(%run_scoped3A : memref<!tpu.dma_semaphore, #tpu.memory_space<semaphore_mem>>) src(%dma_wait3A_51 : memref<536x128xf32, #tpu.memory_space<vmem_shared>>) dst(%dma_wait3A_48 : memref<536x128xf32, #tpu.memory_space<hbm>>)
        tpu.yield
      }) : () -> ()
    } else {
    }
    return
  }
}

module attributes {stable_mosaic.version = 14 : i64} {
  func.func @body(%arg0: i32, %arg1: memref<2000x256xf32, #tpu.memory_space<vmem>>, %arg2: memref<2000x2xf32, #tpu.memory_space<vmem>>, %arg3: memref<256x128xf32, #tpu.memory_space<vmem>>, %arg4: memref<2x128xf32, #tpu.memory_space<vmem>>, %arg5: memref<2000x128xf32, #tpu.memory_space<vmem>>) attributes {dimension_semantics = [#tpu.dimension_semantics<arbitrary>], iteration_bounds = array<i64: 5>, scalar_prefetch = 0 : i64, scratch_operands = 0 : i64, tpu.core_type = #tpu.core_type<tc>, window_params = [{transform_indices = @transform_0, window_bounds = array<i64: 2000, 256>}, {transform_indices = @transform_1, window_bounds = array<i64: 2000, 2>}, {pipeline_mode = #tpu.pipeline_mode<synchronous>, transform_indices = @transform_2, window_bounds = array<i64: 256, 128>}, {pipeline_mode = #tpu.pipeline_mode<synchronous>, transform_indices = @transform_3, window_bounds = array<i64: 2, 128>}, {transform_indices = @transform_4, window_bounds = array<i64: 2000, 128>}]} {
    %get3A = arith.constant 0 : index
    %get3A_0 = arith.constant 0 : index
    %get3A_1 = vector.load %arg1[%get3A, %get3A_0] : memref<2000x256xf32, #tpu.memory_space<vmem>>, vector<2000x256xf32>
    %get3A_2 = arith.constant 0 : index
    %get3A_3 = arith.constant 0 : index
    %get3A_4 = vector.load %arg3[%get3A_2, %get3A_3] : memref<256x128xf32, #tpu.memory_space<vmem>>, vector<256x128xf32>
    %dot_general3A = arith.constant dense<0.000000e+00> : vector<2000x128xf32>
    %dot_general3A_5 = tpu.matmul %get3A_1, %get3A_4, %dot_general3A {dimension_numbers = #tpu.dot_dimension_numbers<[1], [0], [0], [1], [0, 0, 1, 1], [], []>, transpose_lhs_hint = false} : vector<2000x256xf32>, vector<256x128xf32>, vector<2000x128xf32> -> vector<2000x128xf32>
    %get3A_6 = arith.constant 0 : index
    %get3A_7 = arith.constant 0 : index
    %get3A_8 = vector.load %arg2[%get3A_6, %get3A_7] : memref<2000x2xf32, #tpu.memory_space<vmem>>, vector<2000x2xf32>
    %get3A_9 = arith.constant 0 : index
    %get3A_10 = arith.constant 0 : index
    %get3A_11 = vector.load %arg4[%get3A_9, %get3A_10] : memref<2x128xf32, #tpu.memory_space<vmem>>, vector<2x128xf32>
    %dot_general3A_12 = arith.constant dense<0.000000e+00> : vector<2000x128xf32>
    %dot_general3A_13 = tpu.matmul %get3A_8, %get3A_11, %dot_general3A_12 {dimension_numbers = #tpu.dot_dimension_numbers<[1], [0], [0], [1], [0, 0, 1, 1], [], []>, transpose_lhs_hint = false} : vector<2000x2xf32>, vector<2x128xf32>, vector<2000x128xf32> -> vector<2000x128xf32>
    %add3A = arith.addf %dot_general3A_5, %dot_general3A_13 : vector<2000x128xf32>
    %swap3A = arith.constant 0 : index
    %swap3A_14 = arith.constant 0 : index
    %swap3A_15 = vector.load %arg5[%swap3A, %swap3A_14] : memref<2000x128xf32, #tpu.memory_space<vmem>>, vector<2000x128xf32>
    tpu.vector_store %arg5[%swap3A, %swap3A_14], %add3A {strides = array<i32>} : memref<2000x128xf32, #tpu.memory_space<vmem>>, vector<2000x128xf32>,
    return
  }
  func.func @transform_0(%arg0: i32) -> (i32, i32) {
    %c0_i32 = arith.constant 0 : i32
    %c0_i32_0 = arith.constant 0 : i32
    return %arg0, %c0_i32 : i32, i32
  }
  func.func @transform_1(%arg0: i32) -> (i32, i32) {
    %c0_i32 = arith.constant 0 : i32
    %c0_i32_0 = arith.constant 0 : i32
    return %arg0, %c0_i32 : i32, i32
  }
  func.func @transform_2(%arg0: i32) -> (i32, i32) {
    %c0_i32 = arith.constant 0 : i32
    %c0_i32_0 = arith.constant 0 : i32
    %c0_i32_1 = arith.constant 0 : i32
    return %c0_i32, %c0_i32_0 : i32, i32
  }
  func.func @transform_3(%arg0: i32) -> (i32, i32) {
    %c0_i32 = arith.constant 0 : i32
    %c0_i32_0 = arith.constant 0 : i32
    %c0_i32_1 = arith.constant 0 : i32
    return %c0_i32, %c0_i32_0 : i32, i32
  }
  func.func @transform_4(%arg0: i32) -> (i32, i32) {
    %c0_i32 = arith.constant 0 : i32
    %c0_i32_0 = arith.constant 0 : i32
    return %arg0, %c0_i32 : i32, i32
  }
}

module attributes {stable_mosaic.version = 14 : i64} {
  func.func @body(%arg0: i32, %arg1: memref<2000x128xf32, #tpu.memory_space<vmem>>, %arg2: memref<2x2000x16xf32, #tpu.memory_space<vmem>>, %arg3: memref<2000x128xf32, #tpu.memory_space<vmem>>, %arg4: memref<2000x1xf32, #tpu.memory_space<vmem>>) attributes {dimension_semantics = [#tpu.dimension_semantics<arbitrary>], iteration_bounds = array<i64: 5>, scalar_prefetch = 0 : i64, scratch_operands = 0 : i64, tpu.core_type = #tpu.core_type<tc>, window_params = [{transform_indices = @transform_0, window_bounds = array<i64: 2000, 128>}, {transform_indices = @transform_1, window_bounds = array<i64: 2, 2000, 16>}, {transform_indices = @transform_2, window_bounds = array<i64: 2000, 128>}, {transform_indices = @transform_3, window_bounds = array<i64: 2000, 1>}]} {
    %get3A = arith.constant 0 : index
    %get3A_0 = arith.constant 0 : index
    %get3A_1 = arith.constant 0 : index
    %get3A_2 = vector.load %arg2[%get3A, %get3A_0, %get3A_1] : memref<2x2000x16xf32, #tpu.memory_space<vmem>>, vector<2x2000x16xf32>
    %slice3A = vector.extract_strided_slice %get3A_2 {offsets = [0, 0, 0], sizes = [1, 2000, 1], strides = [1, 1, 1]} : vector<2x2000x16xf32> to vector<1x2000x1xf32>
    %squeeze3A = vector.shape_cast %slice3A : vector<1x2000x1xf32> to vector<2000x1xf32>
    %add3A = arith.constant 1.000000e+00 : f32
    %add3A_3 = vector.broadcast %add3A : f32 to vector<2000x1xf32>
    %add3A_4 = arith.addf %add3A_3, %squeeze3A : vector<2000x1xf32>
    %slice3A_5 = vector.extract_strided_slice %get3A_2 {offsets = [1, 0, 0], sizes = [1, 2000, 1], strides = [1, 1, 1]} : vector<2x2000x16xf32> to vector<1x2000x1xf32>
    %squeeze3A_6 = vector.shape_cast %slice3A_5 : vector<1x2000x1xf32> to vector<2000x1xf32>
    %add3A_7 = arith.addf %add3A_4, %squeeze3A_6 : vector<2000x1xf32>
    %rsqrt3A = math.rsqrt %add3A_7 : vector<2000x1xf32>
    %get3A_8 = arith.constant 0 : index
    %get3A_9 = arith.constant 0 : index
    %get3A_10 = vector.load %arg1[%get3A_8, %get3A_9] : memref<2000x128xf32, #tpu.memory_space<vmem>>, vector<2000x128xf32>
    %mul3A = vector.broadcast %rsqrt3A : vector<2000x1xf32> to vector<2000x128xf32>
    %mul3A_11 = arith.mulf %get3A_10, %mul3A : vector<2000x128xf32>
    %swap3A = arith.constant 0 : index
    %swap3A_12 = arith.constant 0 : index
    %swap3A_13 = vector.load %arg3[%swap3A, %swap3A_12] : memref<2000x128xf32, #tpu.memory_space<vmem>>, vector<2000x128xf32>
    tpu.vector_store %arg3[%swap3A, %swap3A_12], %mul3A_11 {strides = array<i32>} : memref<2000x128xf32, #tpu.memory_space<vmem>>, vector<2000x128xf32>,
    %swap3A_14 = arith.constant 0 : index
    %swap3A_15 = arith.constant 0 : index
    %swap3A_16 = vector.load %arg4[%swap3A_14, %swap3A_15] : memref<2000x1xf32, #tpu.memory_space<vmem>>, vector<2000x1xf32>
    tpu.vector_store %arg4[%swap3A_14, %swap3A_15], %rsqrt3A {strides = array<i32>} : memref<2000x1xf32, #tpu.memory_space<vmem>>, vector<2000x1xf32>,
    return
  }
  func.func @transform_0(%arg0: i32) -> (i32, i32) {
    %c0_i32 = arith.constant 0 : i32
    %c0_i32_0 = arith.constant 0 : i32
    return %arg0, %c0_i32 : i32, i32
  }
  func.func @transform_1(%arg0: i32) -> (i32, i32, i32) {
    %c0_i32 = arith.constant 0 : i32
    %c0_i32_0 = arith.constant 0 : i32
    %c0_i32_1 = arith.constant 0 : i32
    return %c0_i32, %arg0, %c0_i32_0 : i32, i32, i32
  }
  func.func @transform_2(%arg0: i32) -> (i32, i32) {
    %c0_i32 = arith.constant 0 : i32
    %c0_i32_0 = arith.constant 0 : i32
    return %arg0, %c0_i32 : i32, i32
  }
  func.func @transform_3(%arg0: i32) -> (i32, i32) {
    %c0_i32 = arith.constant 0 : i32
    %c0_i32_0 = arith.constant 0 : i32
    return %arg0, %c0_i32 : i32, i32
  }
}

module attributes {stable_mosaic.version = 14 : i64} {
  func.func @body(%arg0: i32, %arg1: memref<2x2000x128xf32, #tpu.memory_space<vmem>>, %arg2: memref<2000x128xf32, #tpu.memory_space<vmem>>, %arg3: memref<2000x1xf32, #tpu.memory_space<vmem>>, %arg4: memref<1x128xf32, #tpu.memory_space<vmem>>, %arg5: memref<128x64xf32, #tpu.memory_space<vmem>>, %arg6: memref<2000x64xf32, #tpu.memory_space<vmem>>) attributes {dimension_semantics = [#tpu.dimension_semantics<arbitrary>], iteration_bounds = array<i64: 5>, scalar_prefetch = 0 : i64, scratch_operands = 0 : i64, tpu.core_type = #tpu.core_type<tc>, window_params = [{transform_indices = @transform_0, window_bounds = array<i64: 2, 2000, 128>}, {transform_indices = @transform_1, window_bounds = array<i64: 2000, 128>}, {transform_indices = @transform_2, window_bounds = array<i64: 2000, 1>}, {pipeline_mode = #tpu.pipeline_mode<synchronous>, transform_indices = @transform_3, window_bounds = array<i64: 1, 128>}, {pipeline_mode = #tpu.pipeline_mode<synchronous>, transform_indices = @transform_4, window_bounds = array<i64: 128, 64>}, {transform_indices = @transform_5, window_bounds = array<i64: 2000, 64>}]} {
    %get3A = arith.constant 0 : index
    %get3A_0 = arith.constant 0 : index
    %get3A_1 = arith.constant 0 : index
    %get3A_2 = vector.load %arg1[%get3A, %get3A_0, %get3A_1] : memref<2x2000x128xf32, #tpu.memory_space<vmem>>, vector<2x2000x128xf32>
    %get3A_3 = arith.constant 0 : index
    %get3A_4 = arith.constant 0 : index
    %get3A_5 = vector.load %arg3[%get3A_3, %get3A_4] : memref<2000x1xf32, #tpu.memory_space<vmem>>, vector<2000x1xf32>
    %slice3A = vector.extract_strided_slice %get3A_2 {offsets = [0, 0, 0], sizes = [1, 2000, 128], strides = [1, 1, 1]} : vector<2x2000x128xf32> to vector<1x2000x128xf32>
    %squeeze3A = vector.shape_cast %slice3A : vector<1x2000x128xf32> to vector<2000x128xf32>
    %slice3A_6 = vector.extract_strided_slice %get3A_2 {offsets = [1, 0, 0], sizes = [1, 2000, 128], strides = [1, 1, 1]} : vector<2x2000x128xf32> to vector<1x2000x128xf32>
    %squeeze3A_7 = vector.shape_cast %slice3A_6 : vector<1x2000x128xf32> to vector<2000x128xf32>
    %add3A = arith.addf %squeeze3A, %squeeze3A_7 : vector<2000x128xf32>
    %get3A_8 = arith.constant 0 : index
    %get3A_9 = arith.constant 0 : index
    %get3A_10 = vector.load %arg2[%get3A_8, %get3A_9] : memref<2000x128xf32, #tpu.memory_space<vmem>>, vector<2000x128xf32>
    %add3A_11 = arith.addf %add3A, %get3A_10 : vector<2000x128xf32>
    %mul3A = vector.broadcast %get3A_5 : vector<2000x1xf32> to vector<2000x128xf32>
    %mul3A_12 = arith.mulf %add3A_11, %mul3A : vector<2000x128xf32>
    %get3A_13 = arith.constant 0 : index
    %get3A_14 = arith.constant 0 : index
    %get3A_15 = vector.load %arg4[%get3A_13, %get3A_14] : memref<1x128xf32, #tpu.memory_space<vmem>>, vector<1x128xf32>
    %add3A_16 = vector.broadcast %get3A_15 : vector<1x128xf32> to vector<2000x128xf32>
    %add3A_17 = arith.addf %mul3A_12, %add3A_16 : vector<2000x128xf32>
    %max3A = arith.constant 0.000000e+00 : f32
    %max3A_18 = vector.broadcast %max3A : f32 to vector<2000x128xf32>
    %max3A_19 = arith.maximumf %add3A_17, %max3A_18 : vector<2000x128xf32>
    %get3A_20 = arith.constant 0 : index
    %get3A_21 = arith.constant 0 : index
    %get3A_22 = vector.load %arg5[%get3A_20, %get3A_21] : memref<128x64xf32, #tpu.memory_space<vmem>>, vector<128x64xf32>
    %dot_general3A = arith.constant dense<0.000000e+00> : vector<2000x64xf32>
    %dot_general3A_23 = tpu.matmul %max3A_19, %get3A_22, %dot_general3A {dimension_numbers = #tpu.dot_dimension_numbers<[1], [0], [0], [1], [0, 0, 1, 1], [], []>, transpose_lhs_hint = false} : vector<2000x128xf32>, vector<128x64xf32>, vector<2000x64xf32> -> vector<2000x64xf32>
    %mul3A_24 = vector.broadcast %get3A_5 : vector<2000x1xf32> to vector<2000x64xf32>
    %mul3A_25 = arith.mulf %dot_general3A_23, %mul3A_24 : vector<2000x64xf32>
    %swap3A = arith.constant 0 : index
    %swap3A_26 = arith.constant 0 : index
    %swap3A_27 = vector.load %arg6[%swap3A, %swap3A_26] : memref<2000x64xf32, #tpu.memory_space<vmem>>, vector<2000x64xf32>
    tpu.vector_store %arg6[%swap3A, %swap3A_26], %mul3A_25 {strides = array<i32>} : memref<2000x64xf32, #tpu.memory_space<vmem>>, vector<2000x64xf32>,
    return
  }
  func.func @transform_0(%arg0: i32) -> (i32, i32, i32) {
    %c0_i32 = arith.constant 0 : i32
    %c0_i32_0 = arith.constant 0 : i32
    %c0_i32_1 = arith.constant 0 : i32
    return %c0_i32, %arg0, %c0_i32_0 : i32, i32, i32
  }
  func.func @transform_1(%arg0: i32) -> (i32, i32) {
    %c0_i32 = arith.constant 0 : i32
    %c0_i32_0 = arith.constant 0 : i32
    return %arg0, %c0_i32 : i32, i32
  }
  func.func @transform_2(%arg0: i32) -> (i32, i32) {
    %c0_i32 = arith.constant 0 : i32
    %c0_i32_0 = arith.constant 0 : i32
    return %arg0, %c0_i32 : i32, i32
  }
  func.func @transform_3(%arg0: i32) -> (i32, i32) {
    %c0_i32 = arith.constant 0 : i32
    %c0_i32_0 = arith.constant 0 : i32
    %c0_i32_1 = arith.constant 0 : i32
    return %c0_i32, %c0_i32_0 : i32, i32
  }
  func.func @transform_4(%arg0: i32) -> (i32, i32) {
    %c0_i32 = arith.constant 0 : i32
    %c0_i32_0 = arith.constant 0 : i32
    %c0_i32_1 = arith.constant 0 : i32
    return %c0_i32, %c0_i32_0 : i32, i32
  }
  func.func @transform_5(%arg0: i32) -> (i32, i32) {
    %c0_i32 = arith.constant 0 : i32
    %c0_i32_0 = arith.constant 0 : i32
    return %arg0, %c0_i32 : i32, i32
  }
}

module attributes {stable_mosaic.version = 14 : i64} {
  func.func @body(%arg0: i32, %arg1: memref<2x2000x64xf32, #tpu.memory_space<vmem>>, %arg2: memref<2000x64xf32, #tpu.memory_space<vmem>>, %arg3: memref<2000x1xf32, #tpu.memory_space<vmem>>, %arg4: memref<1x64xf32, #tpu.memory_space<vmem>>, %arg5: memref<64x8xf32, #tpu.memory_space<vmem>>, %arg6: memref<2000x16xf32, #tpu.memory_space<vmem>>) attributes {dimension_semantics = [#tpu.dimension_semantics<arbitrary>], iteration_bounds = array<i64: 5>, scalar_prefetch = 0 : i64, scratch_operands = 0 : i64, tpu.core_type = #tpu.core_type<tc>, window_params = [{transform_indices = @transform_0, window_bounds = array<i64: 2, 2000, 64>}, {transform_indices = @transform_1, window_bounds = array<i64: 2000, 64>}, {transform_indices = @transform_2, window_bounds = array<i64: 2000, 1>}, {pipeline_mode = #tpu.pipeline_mode<synchronous>, transform_indices = @transform_3, window_bounds = array<i64: 1, 64>}, {pipeline_mode = #tpu.pipeline_mode<synchronous>, transform_indices = @transform_4, window_bounds = array<i64: 64, 8>}, {transform_indices = @transform_5, window_bounds = array<i64: 2000, 16>}]} {
    %get3A = arith.constant 0 : index
    %get3A_0 = arith.constant 0 : index
    %get3A_1 = arith.constant 0 : index
    %get3A_2 = vector.load %arg1[%get3A, %get3A_0, %get3A_1] : memref<2x2000x64xf32, #tpu.memory_space<vmem>>, vector<2x2000x64xf32>
    %get3A_3 = arith.constant 0 : index
    %get3A_4 = arith.constant 0 : index
    %get3A_5 = vector.load %arg3[%get3A_3, %get3A_4] : memref<2000x1xf32, #tpu.memory_space<vmem>>, vector<2000x1xf32>
    %slice3A = vector.extract_strided_slice %get3A_2 {offsets = [0, 0, 0], sizes = [1, 2000, 64], strides = [1, 1, 1]} : vector<2x2000x64xf32> to vector<1x2000x64xf32>
    %squeeze3A = vector.shape_cast %slice3A : vector<1x2000x64xf32> to vector<2000x64xf32>
    %slice3A_6 = vector.extract_strided_slice %get3A_2 {offsets = [1, 0, 0], sizes = [1, 2000, 64], strides = [1, 1, 1]} : vector<2x2000x64xf32> to vector<1x2000x64xf32>
    %squeeze3A_7 = vector.shape_cast %slice3A_6 : vector<1x2000x64xf32> to vector<2000x64xf32>
    %add3A = arith.addf %squeeze3A, %squeeze3A_7 : vector<2000x64xf32>
    %get3A_8 = arith.constant 0 : index
    %get3A_9 = arith.constant 0 : index
    %get3A_10 = vector.load %arg2[%get3A_8, %get3A_9] : memref<2000x64xf32, #tpu.memory_space<vmem>>, vector<2000x64xf32>
    %add3A_11 = arith.addf %add3A, %get3A_10 : vector<2000x64xf32>
    %mul3A = vector.broadcast %get3A_5 : vector<2000x1xf32> to vector<2000x64xf32>
    %mul3A_12 = arith.mulf %add3A_11, %mul3A : vector<2000x64xf32>
    %get3A_13 = arith.constant 0 : index
    %get3A_14 = arith.constant 0 : index
    %get3A_15 = vector.load %arg4[%get3A_13, %get3A_14] : memref<1x64xf32, #tpu.memory_space<vmem>>, vector<1x64xf32>
    %add3A_16 = vector.broadcast %get3A_15 : vector<1x64xf32> to vector<2000x64xf32>
    %add3A_17 = arith.addf %mul3A_12, %add3A_16 : vector<2000x64xf32>
    %max3A = arith.constant 0.000000e+00 : f32
    %max3A_18 = vector.broadcast %max3A : f32 to vector<2000x64xf32>
    %max3A_19 = arith.maximumf %add3A_17, %max3A_18 : vector<2000x64xf32>
    %get3A_20 = arith.constant 0 : index
    %get3A_21 = arith.constant 0 : index
    %get3A_22 = vector.load %arg5[%get3A_20, %get3A_21] : memref<64x8xf32, #tpu.memory_space<vmem>>, vector<64x8xf32>
    %dot_general3A = arith.constant dense<0.000000e+00> : vector<2000x8xf32>
    %dot_general3A_23 = tpu.matmul %max3A_19, %get3A_22, %dot_general3A {dimension_numbers = #tpu.dot_dimension_numbers<[1], [0], [0], [1], [0, 0, 1, 1], [], []>, transpose_lhs_hint = false} : vector<2000x64xf32>, vector<64x8xf32>, vector<2000x8xf32> -> vector<2000x8xf32>
    %mul3A_24 = vector.broadcast %get3A_5 : vector<2000x1xf32> to vector<2000x8xf32>
    %mul3A_25 = arith.mulf %dot_general3A_23, %mul3A_24 : vector<2000x8xf32>
    %jit3A = arith.constant 0 : i32
    %convert_element_type3A = arith.sitofp %jit3A : i32 to f32
    %pad3A = vector.broadcast %convert_element_type3A : f32 to vector<2000x8xf32>
    %pad3A_26 = tpu.concatenate %mul3A_25, %pad3A in 1 : vector<2000x8xf32>, vector<2000x8xf32> -> vector<2000x16xf32>
    %swap3A = arith.constant 0 : index
    %swap3A_27 = arith.constant 0 : index
    %swap3A_28 = vector.load %arg6[%swap3A, %swap3A_27] : memref<2000x16xf32, #tpu.memory_space<vmem>>, vector<2000x16xf32>
    tpu.vector_store %arg6[%swap3A, %swap3A_27], %pad3A_26 {strides = array<i32>} : memref<2000x16xf32, #tpu.memory_space<vmem>>, vector<2000x16xf32>,
    return
  }
  func.func @transform_0(%arg0: i32) -> (i32, i32, i32) {
    %c0_i32 = arith.constant 0 : i32
    %c0_i32_0 = arith.constant 0 : i32
    %c0_i32_1 = arith.constant 0 : i32
    return %c0_i32, %arg0, %c0_i32_0 : i32, i32, i32
  }
  func.func @transform_1(%arg0: i32) -> (i32, i32) {
    %c0_i32 = arith.constant 0 : i32
    %c0_i32_0 = arith.constant 0 : i32
    return %arg0, %c0_i32 : i32, i32
  }
  func.func @transform_2(%arg0: i32) -> (i32, i32) {
    %c0_i32 = arith.constant 0 : i32
    %c0_i32_0 = arith.constant 0 : i32
    return %arg0, %c0_i32 : i32, i32
  }
  func.func @transform_3(%arg0: i32) -> (i32, i32) {
    %c0_i32 = arith.constant 0 : i32
    %c0_i32_0 = arith.constant 0 : i32
    %c0_i32_1 = arith.constant 0 : i32
    return %c0_i32, %c0_i32_0 : i32, i32
  }
  func.func @transform_4(%arg0: i32) -> (i32, i32) {
    %c0_i32 = arith.constant 0 : i32
    %c0_i32_0 = arith.constant 0 : i32
    %c0_i32_1 = arith.constant 0 : i32
    return %c0_i32, %c0_i32_0 : i32, i32
  }
  func.func @transform_5(%arg0: i32) -> (i32, i32) {
    %c0_i32 = arith.constant 0 : i32
    %c0_i32_0 = arith.constant 0 : i32
    return %arg0, %c0_i32 : i32, i32
  }
}

module attributes {stable_mosaic.version = 14 : i64} {
  func.func @body(%arg0: i32, %arg1: memref<2x2000x16xf32, #tpu.memory_space<vmem>>, %arg2: memref<2000x16xf32, #tpu.memory_space<vmem>>, %arg3: memref<2000x1xf32, #tpu.memory_space<vmem>>, %arg4: memref<1x8xf32, #tpu.memory_space<vmem>>, %arg5: memref<8x3xf32, #tpu.memory_space<vmem>>, %arg6: memref<1x3xf32, #tpu.memory_space<vmem>>, %arg7: memref<2000x3xf32, #tpu.memory_space<vmem>>) attributes {dimension_semantics = [#tpu.dimension_semantics<arbitrary>], iteration_bounds = array<i64: 5>, scalar_prefetch = 0 : i64, scratch_operands = 0 : i64, tpu.core_type = #tpu.core_type<tc>, window_params = [{transform_indices = @transform_0, window_bounds = array<i64: 2, 2000, 16>}, {transform_indices = @transform_1, window_bounds = array<i64: 2000, 16>}, {transform_indices = @transform_2, window_bounds = array<i64: 2000, 1>}, {pipeline_mode = #tpu.pipeline_mode<synchronous>, transform_indices = @transform_3, window_bounds = array<i64: 1, 8>}, {pipeline_mode = #tpu.pipeline_mode<synchronous>, transform_indices = @transform_4, window_bounds = array<i64: 8, 3>}, {pipeline_mode = #tpu.pipeline_mode<synchronous>, transform_indices = @transform_5, window_bounds = array<i64: 1, 3>}, {transform_indices = @transform_6, window_bounds = array<i64: 2000, 3>}]} {
    %get3A = arith.constant 0 : index
    %get3A_0 = arith.constant 0 : index
    %get3A_1 = arith.constant 0 : index
    %get3A_2 = vector.load %arg1[%get3A, %get3A_0, %get3A_1] : memref<2x2000x16xf32, #tpu.memory_space<vmem>>, vector<2x2000x16xf32>
    %get3A_3 = arith.constant 0 : index
    %get3A_4 = arith.constant 0 : index
    %get3A_5 = vector.load %arg3[%get3A_3, %get3A_4] : memref<2000x1xf32, #tpu.memory_space<vmem>>, vector<2000x1xf32>
    %slice3A = vector.extract_strided_slice %get3A_2 {offsets = [0, 0, 0], sizes = [1, 2000, 8], strides = [1, 1, 1]} : vector<2x2000x16xf32> to vector<1x2000x8xf32>
    %squeeze3A = vector.shape_cast %slice3A : vector<1x2000x8xf32> to vector<2000x8xf32>
    %slice3A_6 = vector.extract_strided_slice %get3A_2 {offsets = [1, 0, 0], sizes = [1, 2000, 8], strides = [1, 1, 1]} : vector<2x2000x16xf32> to vector<1x2000x8xf32>
    %squeeze3A_7 = vector.shape_cast %slice3A_6 : vector<1x2000x8xf32> to vector<2000x8xf32>
    %add3A = arith.addf %squeeze3A, %squeeze3A_7 : vector<2000x8xf32>
    %get3A_8 = arith.constant 0 : index
    %get3A_9 = arith.constant 0 : index
    %get3A_10 = vector.load %arg2[%get3A_8, %get3A_9] : memref<2000x16xf32, #tpu.memory_space<vmem>>, vector<2000x8xf32>
    %add3A_11 = arith.addf %add3A, %get3A_10 : vector<2000x8xf32>
    %mul3A = vector.broadcast %get3A_5 : vector<2000x1xf32> to vector<2000x8xf32>
    %mul3A_12 = arith.mulf %add3A_11, %mul3A : vector<2000x8xf32>
    %get3A_13 = arith.constant 0 : index
    %get3A_14 = arith.constant 0 : index
    %get3A_15 = vector.load %arg4[%get3A_13, %get3A_14] : memref<1x8xf32, #tpu.memory_space<vmem>>, vector<1x8xf32>
    %add3A_16 = vector.broadcast %get3A_15 : vector<1x8xf32> to vector<2000x8xf32>
    %add3A_17 = arith.addf %mul3A_12, %add3A_16 : vector<2000x8xf32>
    %max3A = arith.constant 0.000000e+00 : f32
    %max3A_18 = vector.broadcast %max3A : f32 to vector<2000x8xf32>
    %max3A_19 = arith.maximumf %add3A_17, %max3A_18 : vector<2000x8xf32>
    %get3A_20 = arith.constant 0 : index
    %get3A_21 = arith.constant 0 : index
    %get3A_22 = vector.load %arg5[%get3A_20, %get3A_21] : memref<8x3xf32, #tpu.memory_space<vmem>>, vector<8x3xf32>
    %dot_general3A = arith.constant dense<0.000000e+00> : vector<2000x3xf32>
    %dot_general3A_23 = tpu.matmul %max3A_19, %get3A_22, %dot_general3A {dimension_numbers = #tpu.dot_dimension_numbers<[1], [0], [0], [1], [0, 0, 1, 1], [], []>, transpose_lhs_hint = false} : vector<2000x8xf32>, vector<8x3xf32>, vector<2000x3xf32> -> vector<2000x3xf32>
    %get3A_24 = arith.constant 0 : index
    %get3A_25 = arith.constant 0 : index
    %get3A_26 = vector.load %arg6[%get3A_24, %get3A_25] : memref<1x3xf32, #tpu.memory_space<vmem>>, vector<1x3xf32>
    %add3A_27 = vector.broadcast %get3A_26 : vector<1x3xf32> to vector<2000x3xf32>
    %add3A_28 = arith.addf %dot_general3A_23, %add3A_27 : vector<2000x3xf32>
    %swap3A = arith.constant 0 : index
    %swap3A_29 = arith.constant 0 : index
    %swap3A_30 = vector.load %arg7[%swap3A, %swap3A_29] : memref<2000x3xf32, #tpu.memory_space<vmem>>, vector<2000x3xf32>
    tpu.vector_store %arg7[%swap3A, %swap3A_29], %add3A_28 {strides = array<i32>} : memref<2000x3xf32, #tpu.memory_space<vmem>>, vector<2000x3xf32>,
    return
  }
  func.func @transform_0(%arg0: i32) -> (i32, i32, i32) {
    %c0_i32 = arith.constant 0 : i32
    %c0_i32_0 = arith.constant 0 : i32
    %c0_i32_1 = arith.constant 0 : i32
    return %c0_i32, %arg0, %c0_i32_0 : i32, i32, i32
  }
  func.func @transform_1(%arg0: i32) -> (i32, i32) {
    %c0_i32 = arith.constant 0 : i32
    %c0_i32_0 = arith.constant 0 : i32
    return %arg0, %c0_i32 : i32, i32
  }
  func.func @transform_2(%arg0: i32) -> (i32, i32) {
    %c0_i32 = arith.constant 0 : i32
    %c0_i32_0 = arith.constant 0 : i32
    return %arg0, %c0_i32 : i32, i32
  }
  func.func @transform_3(%arg0: i32) -> (i32, i32) {
    %c0_i32 = arith.constant 0 : i32
    %c0_i32_0 = arith.constant 0 : i32
    %c0_i32_1 = arith.constant 0 : i32
    return %c0_i32, %c0_i32_0 : i32, i32
  }
  func.func @transform_4(%arg0: i32) -> (i32, i32) {
    %c0_i32 = arith.constant 0 : i32
    %c0_i32_0 = arith.constant 0 : i32
    %c0_i32_1 = arith.constant 0 : i32
    return %c0_i32, %c0_i32_0 : i32, i32
  }
  func.func @transform_5(%arg0: i32) -> (i32, i32) {
    %c0_i32 = arith.constant 0 : i32
    %c0_i32_0 = arith.constant 0 : i32
    %c0_i32_1 = arith.constant 0 : i32
    return %c0_i32, %c0_i32_0 : i32, i32
  }
  func.func @transform_6(%arg0: i32) -> (i32, i32) {
    %c0_i32 = arith.constant 0 : i32
    %c0_i32_0 = arith.constant 0 : i32
    return %arg0, %c0_i32 : i32, i32
  }
}

</mosaic_0001>

<sc_bundles>
// kernel: kernel.11.cloned.1.call-start
scs
__scs_entry_jumppad:
0x0: {  	(pc) =	sbr.rel $0x88, $3  }
0x1: {  	(tag) =	ssettag $0x0;
	lr =	simm.s32 $0x1  }
0x2: {  	[smem:$0x3F95] =	sst lr;
	_ =	strace $0xD0000000  }
0x3: {  	_ = 	snop  }
0x4: {  	_ = 	snop  }
0x5: {  	_ = 	snop  }
0x6: {  	_ = 	snop  }
0x7: {  	_ = 	snop  }
__scs_overlays_trampoline_lowered:
0x8: {  	[smem:$0x3FA4] =	sst s0  }
0x9: {  	[smem:$0x3FA5] =	sst s1  }
0xa: {  	[smem:$0x3FA6] =	sst s2  }
0xb: {  	[smem:$0x3FA7] =	sst s3  }
0xc: {  	[smem:$0x3FA8] =	sst s4  }
0xd: {  	[smem:$0x3FA9] =	sst s5  }
0xe: {  	[smem:$0x3FAA] =	sst s6  }
0xf: {  	[smem:$0x3FAB] =	sst s7  }
0x10: {  	[smem:$0x3FAC] =	sst s8  }
0x11: {  	[smem:$0x3FAD] =	sst s9;
	s0 =	simm.s32 @!p0 $0x0  }
0x12: {  	s1 =	sld [smem:$0x3F93];
	s0 =	simm.s32 @p0 $0x1  }
0x13: {  	[smem:$0x3FAE] =	sst s0;
	s0 =	simm.s32 @!p1 $0x0  }
0x14: {  	s2 =	sld [smem:$0x3F92];
	s0 =	simm.s32 @p1 $0x1  }
0x15: {  	[smem:$0x3FAF] =	sst s0;
	s0 =	simm.s32 @!p2 $0x0  }
0x16: {  	s3 =	sld [smem:$0x3FDB];
	s0 =	simm.s32 @p2 $0x1  }
0x17: {  	s4 =	simm.s32 $0x1BF5;
	[smem:$0x3FB1] =	sst s0  }
0x18: {  	s0 =	sld [smem:$0x3F94];
	_ =	swait.ge [sflag:s4], $0x0  }
0x19: {  	s7 =	sld [smem:$0x3F95]  }
0x1a: {  	s8 =	sadd.s32 $0xFFFFE003, lr  }
0x1b: {  	s9 =	sadd.s32 $0xFFFFFEF7, lr;
	s5 =	simm.s32 $0xFFFFFFFF;
	p2 =	slt.u32 s8, $0xFFFFF086  }
0x1c: {  	p1 =	slt.u32 s9, $0xF7A;
	s5 =	simm.s32 @!p2 $0x0  }
0x1d: {  	s5 =	simm.s32 @p1 $0x1;
	p0 =	seq.s32 s7, s2  }
0x1e: {  	s7 =	smul.u32 @!p0 $0xF7A, s2;
	p2 =	seq.s32 @!p0 s5, $0x0  }
0x1f: {  	s9 =	smul.u32 $0xF7A, s1;
	s8 =	simm.s32 @!p0 $0x1BF5;
	p2 =	por !p2, p0  }
0x20: {  	[sflag:s8] =	ssyncset.s32 @!p0 $0xFFFFF086;
	s6 =	sadd.s32 @!p0 s3, s7;
	s7 =	simm.s32 @!p0 $0x108  }
0x21: {  	s3 =	sadd.s32 s3, s9;
	s6 =	sadd.s32 @!p0 $0x88, s6;
	s7 =	simm.s32 @p2 $0x1082  }
0x22: {  	[simem:s7], [sflag:s8] =	dma.local @!p0 [hbm:s6], $0xF7A  }
0x23: {  	s9 =	sor.u32 $0xD0000000, s2;
	s6 =	simm.s32 $0x108;
	_ =	swait.ge @!p0 [sflag:s8], $0x0  }
0x24: {  	s3 =	sadd.s32 $0x88, s3;
	s6 =	simm.s32 @!p1 $0x1082;
	[sflag:s4] =	ssyncset.s32 $0xFFFFF086  }
0x25: {  	[simem:s6], [sflag:s4] =	dma.local [hbm:s3], $0xF7A  }
0x26: {  	[smem:$0x3F95] =	sst s1;
	(tag) =	ssettag s2;
	_ =	strace s9  }
0x27: {  	s1 =	sld [smem:$0x3FA5]  }
0x28: {  	s2 =	sld [smem:$0x3FA6]  }
0x29: {  	s4 =	sld [smem:$0x3FA8]  }
0x2a: {  	p0 =	seq.s32 s5, $0x0;
	s5 =	sld [smem:$0x3FA9]  }
0x2b: {  	s6 =	sld [smem:$0x3FAA]  }
0x2c: {  	s7 =	sld [smem:$0x3FAB]  }
0x2d: {  	s3 =	simm.s32 $0x108;
	s8 =	sld [smem:$0x3FAC]  }
0x2e: {  	s3 =	simm.s32 @!p0 $0x1082;
	s9 =	sld [smem:$0x3FAD]  }
0x2f: {  	lr =	sadd.s32 s0, s3;
	s0 =	sld [smem:$0x3FA4]  }
0x30: {  	s3 =	sld [smem:$0x3FA7]  }
0x31: {  	[smem:$0x3FB0] =	sst s10  }
0x32: {  	s10 =	sld [smem:$0x3FAE];
	_ =	sdelay $0x3  }
0x33: {  	p0 =	seq.s32 s10, $0x1;
	s10 =	sld [smem:$0x3FB0];
	_ =	sdelay $0x3  }
0x34: {  	[smem:$0x3FB0] =	sst s10  }
0x35: {  	s10 =	sld [smem:$0x3FAF];
	_ =	sdelay $0x3  }
0x36: {  	p1 =	seq.s32 s10, $0x1;
	s10 =	sld [smem:$0x3FB0];
	_ =	sdelay $0x3  }
0x37: {  	[smem:$0x3FB0] =	sst s10  }
0x38: {  	s10 =	sld [smem:$0x3FB1]  }
0x39: {  	_ = 	snop;
	(pc) =	sbr.ind lr, $3  }
0x3a: {  	_ = 	snop  }
0x3b: {  	_ = 	snop  }
0x3c: {  	p2 =	seq.s32 s10, $0x1;
	s10 =	sld [smem:$0x3FB0]  }
0x3d: {  	_ =	shalt  }
0x3e: {  	_ =	shalt  }
0x3f: {  	_ =	shalt  }
0x40: {  	_ =	shalt  }
0x41: {  	_ =	shalt  }
0x42: {  	_ =	shalt  }
0x43: {  	_ =	shalt  }
0x44: {  	_ =	shalt  }
0x45: {  	_ =	shalt  }
0x46: {  	_ =	shalt  }
0x47: {  	_ =	shalt  }
0x48: {  	_ =	shalt  }
0x49: {  	_ =	shalt  }
0x4a: {  	_ =	shalt  }
0x4b: {  	_ =	shalt  }
0x4c: {  	_ =	shalt  }
0x4d: {  	_ =	shalt  }
0x4e: {  	_ =	shalt  }
0x4f: {  	_ =	shalt  }
0x50: {  	_ =	shalt  }
0x51: {  	_ =	shalt  }
0x52: {  	_ =	shalt  }
0x53: {  	_ =	shalt  }
0x54: {  	_ =	shalt  }
0x55: {  	_ =	shalt  }
0x56: {  	_ =	shalt  }
0x57: {  	_ =	shalt  }
0x58: {  	_ =	shalt  }
0x59: {  	_ =	shalt  }
0x5a: {  	_ =	shalt  }
0x5b: {  	_ =	shalt  }
0x5c: {  	_ =	shalt  }
0x5d: {  	_ =	shalt  }
0x5e: {  	_ =	shalt  }
0x5f: {  	_ =	shalt  }
0x60: {  	_ =	shalt  }
0x61: {  	_ =	shalt  }
0x62: {  	_ =	shalt  }
0x63: {  	_ =	shalt  }
0x64: {  	_ =	shalt  }
0x65: {  	_ =	shalt  }
0x66: {  	_ =	shalt  }
0x67: {  	_ =	shalt  }
0x68: {  	_ =	shalt  }
0x69: {  	_ =	shalt  }
0x6a: {  	_ =	shalt  }
0x6b: {  	_ =	shalt  }
0x6c: {  	_ =	shalt  }
0x6d: {  	_ =	shalt  }
0x6e: {  	_ =	shalt  }
0x6f: {  	_ =	shalt  }
0x70: {  	_ =	shalt  }
0x71: {  	_ =	shalt  }
0x72: {  	_ =	shalt  }
0x73: {  	_ =	shalt  }
0x74: {  	_ =	shalt  }
0x75: {  	_ =	shalt  }
0x76: {  	_ =	shalt  }
0x77: {  	_ =	shalt  }
0x78: {  	_ =	shalt  }
0x79: {  	_ =	shalt  }
0x7a: {  	_ =	shalt  }
0x7b: {  	_ =	shalt  }
0x7c: {  	_ =	shalt  }
0x7d: {  	_ =	shalt  }
0x7e: {  	_ =	shalt  }
0x7f: {  	_ =	shalt  }
0x80: {  	_ =	shalt  }
0x81: {  	_ =	shalt  }
0x82: {  	_ =	shalt  }
0x83: {  	_ =	shalt  }
0x84: {  	_ =	shalt  }
0x85: {  	_ =	shalt  }
0x86: {  	_ =	shalt  }
0x87: {  	_ =	shalt  }
.Lfunc_end0:
.L_simem_size_0:
called_computation_lowered:
.L_overlay_start_0:
0x88: {  	s2 =	sld [smem:$0x3FD9]  }
0x89: {  	s3 =	sld [smem:$0x3FFE];
	_ =	sdelay $0x1  }
0x8a: {  	s1 =	srdreg.scid  }
0x8b: {  	s0 =	sand.u32 $0x1, s1  }
0x8c: {  	s17 =	sshll.u32 s0, $0xA;
	s2 =	sadd.s32 s3, s2  }
0x8d: {  	s2 =	sadd.s32 s2, s17  }
0x8e: {  	[smem:$0x3FBC] =	sst s2  }
0x8f: {  	_ = 	snop  }
0x90: {  	s2 =	sld [smem:$0x3FD0];
	(tm) =	ssettm $0x1  }
0x91: {  	s18 =	sld [smem:$0x3FFB];
	_ =	sdelay $0x3  }
0x92: {  	_ =	strace s18  }
0x93: {  	s3 =	sld [smem:$0x3FFC];
	_ =	sdelay $0x3  }
0x94: {  	_ =	strace s3  }
0x95: {  	s3 =	sld [smem:$0x3FFD];
	_ =	sdelay $0x3  }
0x96: {  	_ =	strace s3  }
0x97: {  	_ =	strace $0x8FFFFFFF  }
0x98: {  	s19 =	sld [smem:$0x3FDB];
	_ =	sdelay $0x1  }
0x99: {  	s4 =	simm.s32 $_scs_section_size  }
0x9a: {  	s5 =	simm.s32 $_size__tile_overlayer_lowered;
	s6 =	simm.s32 $_tile_overlayer_lowered  }
0x9b: {  	s22 =	simm.s32 $0x1BFF;
	s21 =	sshll.u32 s6, $0x1;
	s3 =	sadd.s32 s4, s19  }
0x9c: {  	s7 =	simm.s32 $0x0;
	s20 =	sshll.u32 s5, $0x1;
	s5 =	sadd.s32 s21, s3  }
0x9d: {  	[timem:s7], [sflag:s22] =	dma.local [hbm:s5], s20  }
0x9e: {  	_ =	swait.ge [sflag:s22], s20  }
0x9f: {  	s4 =	ssub.s32 $0x0, s20;
	[sflag:s22] =	ssyncset.done $0x0  }
0xa0: {  	[sflag:s22] =	ssyncadd.s32 s4;
	_ =	sdelay $0x1  }
0xa1: {  	s23 =	simm.s32 $0x1B8B  }
0xa2: {  	_ =	swait.ge [sflag:s23], $0x1  }
0xa3: {  	[sflag:s23] =	ssyncset.done $0x0  }
0xa4: {  	s25 =	simm.s32 $0x1B8E;
	s24 =	sld [smem:$0x3FFE];
	[sflag:s23] =	ssyncadd.s32 $0xFFFFFFFF  }
0xa5: {  	s26 =	simm.s32 $execute0_lowered;
	[smem:$0x3FD2] =	sst s25  }
0xa6: {  	s5 =	sshll.u32 s26, $0x1;
	_ =	strace $0x80000046;
	[dreg:$0x1] =	wrdreg $0xFFFFFFFF  }
0xa7: {  	s28 =	simm.s32 $_size_execute0_lowered;
	s3 =	sadd.s32 s3, s5;
	[dreg:$0x0] =	wrdreg $0x0  }
0xa8: {  	s5 =	sshll.u32 s28, $0x1;
	[dreg:$0x2] =	wrdreg s3  }
0xa9: {  	[dreg:$0x3] =	wrdreg s5  }
0xaa: {  	[dreg:$0x4] =	wrdreg $0xC0  }
0xab: {  	_ =	task [dreg:s7], $0x5FFFF  }
0xac: {  	[dreg:$0x1] =	wrdreg $0xFFFFFFFF  }
0xad: {  	[dreg:$0x0] =	wrdreg $0x60  }
0xae: {  	[dreg:$0x2] =	wrdreg s24  }
0xaf: {  	[dreg:$0x3] =	wrdreg s2  }
0xb0: {  	[dreg:$0x4] =	wrdreg $0x1C000  }
0xb1: {  	[dreg:$0x5] =	wrdreg $0x9  }
0xb2: {  	_ =	task.clear_ibuf [dreg:s7], $0x6FFFF;
	_ =	strace $0x90000046  }
0xb3: {  	s29 =	simm.s32 $0x9;
	_ =	strace $0x80000048  }
0xb4: {  	_ =	swait.ge [sflag:s29], $0x1  }
0xb5: {  	[sflag:s29] =	ssyncadd.s32 $0xFFFFFFFF  }
0xb6: {  	_ =	strace $0x90000048  }
0xb7: {  	_ =	sfence  }
0xb8: {  	s30 =	sld [smem:$0x0];
	_ =	sdelay $0x2  }
0xb9: {  	s31 =	sshll.u32 s1, $0xD;
	s1 =	sshrl.u32 s1, $0x2  }
0xba: {  	s3 =	sand.u32 $0x4000, s31;
	s1 =	sadd.s32 s1, s30  }
0xbb: {  	s0 =	sor.u32 s3, s0;
	s1 =	sshll.u32 s1, $0x11  }
0xbc: {  	s0 =	sor.u32 s1, s0  }
0xbd: {  	s0 =	sadd.s32 $0x8F2B, s0  }
0xbe: {  	[sflag:s0] =	ssyncadd.remote.s32 $0x1  }
0xbf: {  	_ =	sfence.sel $0xFFFF  }
0xc0: {  	[dreg:$0x0] =	wrdreg $0xFFFFFFFF;
	(pc) =	sbr.abs _section_cstart, $3  }
0xc1: {  	[dreg:$0x1] =	wrdreg $0xFFFFFFFF  }
0xc2: {  	_ =	task.clear_ibuf [dreg:s7], $0x2FFFF;
	_ =	strace $0x9FFFFFFF  }
0xc3: {  	(tm) =	ssettm $0x7FFFFFFF  }
tec
execute0_lowered:
.L_overlay_start_1:
0x0: {  	(tag) =	ssettag $0x1  }
0x1: {  	s7 =	rddreg [dreg:$0x0]  }
0x2: {  	s2 =	rddreg [dreg:$0x1]  }
0x3: {  	s0 =	srdreg.scid;
	s3 =	rddreg [dreg:$0x2]  }
0x4: {  	s4 =	simm.s32 $0x0;
	s5 =	sand.u32 $0x1, s0;
	s0 =	stileid.u32  }
0x5: {  	s14 =	simm.s32 $0x80;
	[smem:$0x7FF] =	sst s4;
	s8 =	smul.u32 $0x2780, s0  }
0x6: {  	s1 =	sshll.u32 s5, $0x4;
	s9 =	smul.u32 $0x4E40, s5;
	s5 =	ssub.s32 $0x2, s5  }
0x7: {  	p0 =	seq.s32 s0, $0xF;
	s6 =	sor.u32 s0, s1;
	s1 =	rddreg [dreg:$0x3]  }
0x8: {  	_ =	strace $0x80000047;
	s10 =	sshrl.u32 s5, $0x1;
	s12 =	sshll.u32 @!p0 s0, $0x6  }
0x9: {  	s6 =	smul.u32 $0x280, s6;
	s16 =	sshrl.u32 s8, $0x3;
	s9 =	sadd.s32 s9, s7  }
0xa: {  	s10 =	ssub.s32 s5, s10;
	s13 =	sadd.s32 s8, s3;
	s12 =	sor.u32 @!p0 $0x1C01, s12  }
0xb: {  	s11 =	sadd.s32 s16, s7;
	s17 =	sadd.s32 $0x65800, s9;
	s8 =	smax.u32 s10, $0x1  }
0xc: {  	s9 =	simm.s32 $0x1400;
	s10 =	simm.s32 $0x1;
	s13 =	sshrl.u32 @!p0 s13, $0x3  }
0xd: {  	s6 =	sadd.s32 s6, s7;
	s7 =	sadd.s32 $0x65210, s7;
	s15 =	sadd.s32 @p0 $0x4A10, s17  }
0xe: {  	s5 =	sadd.s32 $0x3400, s6;
	s6 =	sadd.s32 $0x60800, s11;
	s11 =	sadd.s32 $0x25080, s3  }
0xf: {  	s16 =	sadd.s32 @!p0 s16, s17;
	s17 =	simm.s32 $0x0;
	s11 =	sshrl.u32 @p0 s11, $0x3  }
.LBB2_1:
0x10: {  	[tilespmem:s9], [sflag:$0x1] =	stream.linear.gather [hbm4b:s2+s4], $0x800, $0x38;
	[tilespmem:$0x4320] =	vst v63  }
0x11: {  	_ =	swait.ge [sflag:s10], $0x800  }
0x12: {  	[sflag:s10] =	ssyncset.done $0x0  }
0x13: {  	[sflag:s10] =	ssyncadd.s32 $0xFFFFF800  }
0x14: {  	[tilespmem:s4], [sflag:$0x1] =	stream.linear.gather [hbm4b:s5+s4], $0x1400, $0x38;
	[tilespmem:$0x4320] =	vst v63  }
0x15: {  	_ =	swait.ge [sflag:s10], $0x1400  }
0x16: {  	[sflag:s10] =	ssyncset.done $0x0  }
0x17: {  	s18 =	simm.s32 @p0 $0x1FC1;
	[sflag:s10] =	ssyncadd.s32 $0xFFFFEC00  }
0x18: {  	[spmem:s11], [sflag:s18] =	dma.local @p0 [hbm:s7], $0x410  }
0x19: {  	s18 =	simm.s32 @p0 $0x1  }
0x1a: {  	_ =	swait.ge @p0 [sflag:s18], $0x410  }
0x1b: {  	[sflag:s18] =	ssyncset.done @p0 $0x0  }
0x1c: {  	[sflag:s18] =	ssyncadd.s32 @p0 $0xFFFFFBF0;
	s18 =	simm.s32 @!p0 $0x1  }
0x1d: {  	[spmem:s13], [sflag:s12] =	dma.local @!p0 [hbm:s6], $0x4F0  }
0x1e: {  	_ =	swait.ge @!p0 [sflag:s18], $0x4F0  }
0x1f: {  	[sflag:s18] =	ssyncset.done @!p0 $0x0  }
0x20: {  	[sflag:s18] =	ssyncadd.s32 @!p0 $0xFFFFFB10  }
0x21: {  	s31 =	simm.s32 $0x0;
	[bflag:$0x0] =	sbarrier.arrive $0xFFFF  }
0x22: {  	[spmem:s3] =	stream.indirect.scatter.add.f32 [tilespmem:s9], [sflag:$0x1], $0x10, s31, s14, $0xb8;
	[tilespmem:$0x4320] =	vst v63  }
0x23: {  	_ =	swait.ge [sflag:s10], $0x800  }
0x24: {  	s18 =	simm.s32 $0x200;
	[sflag:s10] =	ssyncset.done $0x0  }
.LBB2_2:
0x25: {  	s19 =	sshra.s32 s18, $0x2;
	[sflag:s10] =	ssyncadd.s32 $0xFFFFF800;
	p1 =	sne.s32 s18, $0x4E00  }
0x26: {  	[spmem:s3] =	stream.indirect.scatter.add.f32 [tilespmem:s9], [sflag:$0x1], $0x10, s19, s14, $0xb8;
	[tilespmem:$0x4320] =	vst v63  }
.Ltmp0:
0x27: {  	_ = 	snop;
	(pc) =	sbr.rel @p1 .LBB2_2-.Ltmp0, $4  }
0x28: {  	_ = 	snop  }
0x29: {  	s18 =	sadd.s32 $0x200, s18  }
0x2a: {  	_ =	swait.ge [sflag:s10], $0x800  }
0x2b: {  	[sflag:s10] =	ssyncset.done $0x0  }
0x2c: {  	[sflag:s10] =	ssyncadd.s32 $0xFFFFF800  }
0x2d: {  	s18 =	simm.s32 @p0 $0x1FC1;
	[bflag:$0x0] =	sbarrier.arrive $0xFFFF  }
0x2e: {  	[hbm:s15], [sflag:s18] =	dma.local @p0 [spmem:s11], $0x430  }
0x2f: {  	s18 =	simm.s32 @p0 $0x1  }
0x30: {  	s17 =	sadd.s32 $0x1, s17;
	_ =	swait.ge @p0 [sflag:s18], $0x430  }
0x31: {  	p1 =	sne.s32 s17, s8;
	[sflag:s18] =	ssyncset.done @p0 $0x0  }
.Ltmp1:
0x32: {  	[sflag:s18] =	ssyncadd.s32 @p0 $0xFFFFFBD0;
	s18 =	simm.s32 @!p0 $0x1;
	(pc) =	sbr.rel @p1 .LBB2_1-.Ltmp1, $4  }
0x33: {  	[hbm:s16], [sflag:s12] =	dma.local @!p0 [spmem:s13], $0x4F0  }
0x34: {  	_ =	swait.ge @!p0 [sflag:s18], $0x4F0  }
0x35: {  	[sflag:s18] =	ssyncset.done @!p0 $0x0  }
0x36: {  	[sflag:s18] =	ssyncadd.s32 @!p0 $0xFFFFFB10  }
0x37: {  	_ =	sfence.sel $0x180000  }
0x38: {  	[bflag:$0x0] =	sbarrier.arrive $0xFFFF  }
0x39: {  	p0 =	sne.s32 s0, $0x0;
	_ =	strace $0x90000047  }
0x3a: {  	s0 =	sadd.s32 @!p0 $0x100000, s1;
	[bflag:$0x2] =	sbarrier.arrive $0xFFFF  }
0x3b: {  	[sflag:s0] =	ssyncadd.tile.s32 @!p0 $0x1;
	_ =	shalt  }
.Lfunc_end2:
_tile_overlayer_lowered:
.L_overlay_start_2:
0x3c: {  	(tag) =	ssettag $0x2  }
0x3d: {  	s0 =	rddreg [dreg:$0x0];
	s2 =	stileid.u32  }
0x3e: {  	s1 =	rddreg [dreg:$0x1];
	p0 =	sne.s32 s2, $0x0  }
0x3f: {  	s3 =	rddreg [dreg:$0x2];
	[bflag:$0x3] =	sbarrier.arrive $0xFFFF;
	s2 =	simm.s32 @!p0 $0x1C01  }
0x40: {  	[timem:s3], [sflag:s2] =	dma.local @!p0 [hbm:s0], s1  }
0x41: {  	s0 =	simm.s32 @!p0 $0x1  }
0x42: {  	_ =	swait.ge @!p0 [sflag:s0], s1  }
0x43: {  	s1 =	ssub.s32 @!p0 $0x0, s1;
	[sflag:s0] =	ssyncset.done @!p0 $0x0  }
0x44: {  	[sflag:s0] =	ssyncadd.s32 @!p0 s1  }
0x45: {  	[bflag:$0x3] =	sbarrier.arrive $0xFFFF  }
0x46: {  	_ =	shalt  }

// kernel: kernel.14.cloned.1.call-start
scs
__scs_entry_jumppad:
0x0: {  	(pc) =	sbr.rel $0x88, $3  }
0x1: {  	(tag) =	ssettag $0x0;
	lr =	simm.s32 $0x1  }
0x2: {  	[smem:$0x3F95] =	sst lr;
	_ =	strace $0xD0000000  }
0x3: {  	_ = 	snop  }
0x4: {  	_ = 	snop  }
0x5: {  	_ = 	snop  }
0x6: {  	_ = 	snop  }
0x7: {  	_ = 	snop  }
__scs_overlays_trampoline_lowered:
0x8: {  	[smem:$0x3FA4] =	sst s0  }
0x9: {  	[smem:$0x3FA5] =	sst s1  }
0xa: {  	[smem:$0x3FA6] =	sst s2  }
0xb: {  	[smem:$0x3FA7] =	sst s3  }
0xc: {  	[smem:$0x3FA8] =	sst s4  }
0xd: {  	[smem:$0x3FA9] =	sst s5  }
0xe: {  	[smem:$0x3FAA] =	sst s6  }
0xf: {  	[smem:$0x3FAB] =	sst s7  }
0x10: {  	[smem:$0x3FAC] =	sst s8  }
0x11: {  	[smem:$0x3FAD] =	sst s9;
	s0 =	simm.s32 @!p0 $0x0  }
0x12: {  	s1 =	sld [smem:$0x3F93];
	s0 =	simm.s32 @p0 $0x1  }
0x13: {  	[smem:$0x3FAE] =	sst s0;
	s0 =	simm.s32 @!p1 $0x0  }
0x14: {  	s2 =	sld [smem:$0x3F92];
	s0 =	simm.s32 @p1 $0x1  }
0x15: {  	[smem:$0x3FAF] =	sst s0;
	s0 =	simm.s32 @!p2 $0x0  }
0x16: {  	s3 =	sld [smem:$0x3FDB];
	s0 =	simm.s32 @p2 $0x1  }
0x17: {  	s4 =	simm.s32 $0x1BF5;
	[smem:$0x3FB1] =	sst s0  }
0x18: {  	s0 =	sld [smem:$0x3F94];
	_ =	swait.ge [sflag:s4], $0x0  }
0x19: {  	s7 =	sld [smem:$0x3F95]  }
0x1a: {  	s8 =	sadd.s32 $0xFFFFE003, lr  }
0x1b: {  	s9 =	sadd.s32 $0xFFFFFEF7, lr;
	s5 =	simm.s32 $0xFFFFFFFF;
	p2 =	slt.u32 s8, $0xFFFFF086  }
0x1c: {  	p1 =	slt.u32 s9, $0xF7A;
	s5 =	simm.s32 @!p2 $0x0  }
0x1d: {  	s5 =	simm.s32 @p1 $0x1;
	p0 =	seq.s32 s7, s2  }
0x1e: {  	s7 =	smul.u32 @!p0 $0xF7A, s2;
	p2 =	seq.s32 @!p0 s5, $0x0  }
0x1f: {  	s9 =	smul.u32 $0xF7A, s1;
	s8 =	simm.s32 @!p0 $0x1BF5;
	p2 =	por !p2, p0  }
0x20: {  	[sflag:s8] =	ssyncset.s32 @!p0 $0xFFFFF086;
	s6 =	sadd.s32 @!p0 s3, s7;
	s7 =	simm.s32 @!p0 $0x108  }
0x21: {  	s3 =	sadd.s32 s3, s9;
	s6 =	sadd.s32 @!p0 $0x88, s6;
	s7 =	simm.s32 @p2 $0x1082  }
0x22: {  	[simem:s7], [sflag:s8] =	dma.local @!p0 [hbm:s6], $0xF7A  }
0x23: {  	s9 =	sor.u32 $0xD0000000, s2;
	s6 =	simm.s32 $0x108;
	_ =	swait.ge @!p0 [sflag:s8], $0x0  }
0x24: {  	s3 =	sadd.s32 $0x88, s3;
	s6 =	simm.s32 @!p1 $0x1082;
	[sflag:s4] =	ssyncset.s32 $0xFFFFF086  }
0x25: {  	[simem:s6], [sflag:s4] =	dma.local [hbm:s3], $0xF7A  }
0x26: {  	[smem:$0x3F95] =	sst s1;
	(tag) =	ssettag s2;
	_ =	strace s9  }
0x27: {  	s1 =	sld [smem:$0x3FA5]  }
0x28: {  	s2 =	sld [smem:$0x3FA6]  }
0x29: {  	s4 =	sld [smem:$0x3FA8]  }
0x2a: {  	p0 =	seq.s32 s5, $0x0;
	s5 =	sld [smem:$0x3FA9]  }
0x2b: {  	s6 =	sld [smem:$0x3FAA]  }
0x2c: {  	s7 =	sld [smem:$0x3FAB]  }
0x2d: {  	s3 =	simm.s32 $0x108;
	s8 =	sld [smem:$0x3FAC]  }
0x2e: {  	s3 =	simm.s32 @!p0 $0x1082;
	s9 =	sld [smem:$0x3FAD]  }
0x2f: {  	lr =	sadd.s32 s0, s3;
	s0 =	sld [smem:$0x3FA4]  }
0x30: {  	s3 =	sld [smem:$0x3FA7]  }
0x31: {  	[smem:$0x3FB0] =	sst s10  }
0x32: {  	s10 =	sld [smem:$0x3FAE];
	_ =	sdelay $0x3  }
0x33: {  	p0 =	seq.s32 s10, $0x1;
	s10 =	sld [smem:$0x3FB0];
	_ =	sdelay $0x3  }
0x34: {  	[smem:$0x3FB0] =	sst s10  }
0x35: {  	s10 =	sld [smem:$0x3FAF];
	_ =	sdelay $0x3  }
0x36: {  	p1 =	seq.s32 s10, $0x1;
	s10 =	sld [smem:$0x3FB0];
	_ =	sdelay $0x3  }
0x37: {  	[smem:$0x3FB0] =	sst s10  }
0x38: {  	s10 =	sld [smem:$0x3FB1]  }
0x39: {  	_ = 	snop;
	(pc) =	sbr.ind lr, $3  }
0x3a: {  	_ = 	snop  }
0x3b: {  	_ = 	snop  }
0x3c: {  	p2 =	seq.s32 s10, $0x1;
	s10 =	sld [smem:$0x3FB0]  }
0x3d: {  	_ =	shalt  }
0x3e: {  	_ =	shalt  }
0x3f: {  	_ =	shalt  }
0x40: {  	_ =	shalt  }
0x41: {  	_ =	shalt  }
0x42: {  	_ =	shalt  }
0x43: {  	_ =	shalt  }
0x44: {  	_ =	shalt  }
0x45: {  	_ =	shalt  }
0x46: {  	_ =	shalt  }
0x47: {  	_ =	shalt  }
0x48: {  	_ =	shalt  }
0x49: {  	_ =	shalt  }
0x4a: {  	_ =	shalt  }
0x4b: {  	_ =	shalt  }
0x4c: {  	_ =	shalt  }
0x4d: {  	_ =	shalt  }
0x4e: {  	_ =	shalt  }
0x4f: {  	_ =	shalt  }
0x50: {  	_ =	shalt  }
0x51: {  	_ =	shalt  }
0x52: {  	_ =	shalt  }
0x53: {  	_ =	shalt  }
0x54: {  	_ =	shalt  }
0x55: {  	_ =	shalt  }
0x56: {  	_ =	shalt  }
0x57: {  	_ =	shalt  }
0x58: {  	_ =	shalt  }
0x59: {  	_ =	shalt  }
0x5a: {  	_ =	shalt  }
0x5b: {  	_ =	shalt  }
0x5c: {  	_ =	shalt  }
0x5d: {  	_ =	shalt  }
0x5e: {  	_ =	shalt  }
0x5f: {  	_ =	shalt  }
0x60: {  	_ =	shalt  }
0x61: {  	_ =	shalt  }
0x62: {  	_ =	shalt  }
0x63: {  	_ =	shalt  }
0x64: {  	_ =	shalt  }
0x65: {  	_ =	shalt  }
0x66: {  	_ =	shalt  }
0x67: {  	_ =	shalt  }
0x68: {  	_ =	shalt  }
0x69: {  	_ =	shalt  }
0x6a: {  	_ =	shalt  }
0x6b: {  	_ =	shalt  }
0x6c: {  	_ =	shalt  }
0x6d: {  	_ =	shalt  }
0x6e: {  	_ =	shalt  }
0x6f: {  	_ =	shalt  }
0x70: {  	_ =	shalt  }
0x71: {  	_ =	shalt  }
0x72: {  	_ =	shalt  }
0x73: {  	_ =	shalt  }
0x74: {  	_ =	shalt  }
0x75: {  	_ =	shalt  }
0x76: {  	_ =	shalt  }
0x77: {  	_ =	shalt  }
0x78: {  	_ =	shalt  }
0x79: {  	_ =	shalt  }
0x7a: {  	_ =	shalt  }
0x7b: {  	_ =	shalt  }
0x7c: {  	_ =	shalt  }
0x7d: {  	_ =	shalt  }
0x7e: {  	_ =	shalt  }
0x7f: {  	_ =	shalt  }
0x80: {  	_ =	shalt  }
0x81: {  	_ =	shalt  }
0x82: {  	_ =	shalt  }
0x83: {  	_ =	shalt  }
0x84: {  	_ =	shalt  }
0x85: {  	_ =	shalt  }
0x86: {  	_ =	shalt  }
0x87: {  	_ =	shalt  }
.Lfunc_end0:
.L_simem_size_0:
called_computation.1_lowered:
.L_overlay_start_0:
0x88: {  	s2 =	sld [smem:$0x3FD9]  }
0x89: {  	s3 =	sld [smem:$0x3FFE];
	_ =	sdelay $0x1  }
0x8a: {  	s1 =	srdreg.scid  }
0x8b: {  	s0 =	sand.u32 $0x1, s1  }
0x8c: {  	s16 =	sshll.u32 s0, $0xA;
	s2 =	sadd.s32 s3, s2  }
0x8d: {  	s2 =	sadd.s32 s2, s16  }
0x8e: {  	[smem:$0x3FBC] =	sst s2  }
0x8f: {  	_ = 	snop  }
0x90: {  	(tm) =	ssettm $0x1  }
0x91: {  	s17 =	sld [smem:$0x3FFB];
	_ =	sdelay $0x3  }
0x92: {  	_ =	strace s17  }
0x93: {  	s2 =	sld [smem:$0x3FFC];
	_ =	sdelay $0x3  }
0x94: {  	_ =	strace s2  }
0x95: {  	s2 =	sld [smem:$0x3FFD];
	_ =	sdelay $0x3  }
0x96: {  	_ =	strace s2  }
0x97: {  	_ =	strace $0x8FFFFFFF  }
0x98: {  	s18 =	sld [smem:$0x3FDB];
	_ =	sdelay $0x1  }
0x99: {  	s19 =	simm.s32 $_scs_section_size  }
0x9a: {  	s4 =	simm.s32 $_size__tile_overlayer_lowered;
	s5 =	simm.s32 $_tile_overlayer_lowered  }
0x9b: {  	s22 =	simm.s32 $0x1BFF;
	s21 =	sshll.u32 s5, $0x1;
	s2 =	sadd.s32 s19, s18  }
0x9c: {  	s6 =	simm.s32 $0x0;
	s20 =	sshll.u32 s4, $0x1;
	s4 =	sadd.s32 s21, s2  }
0x9d: {  	[timem:s6], [sflag:s22] =	dma.local [hbm:s4], s20  }
0x9e: {  	_ =	swait.ge [sflag:s22], s20  }
0x9f: {  	s3 =	ssub.s32 $0x0, s20;
	[sflag:s22] =	ssyncset.done $0x0  }
0xa0: {  	[sflag:s22] =	ssyncadd.s32 s3;
	_ =	sdelay $0x1  }
0xa1: {  	s23 =	simm.s32 $0x1B8B  }
0xa2: {  	_ =	swait.ge [sflag:s23], $0x1  }
0xa3: {  	[sflag:s23] =	ssyncset.done $0x0  }
0xa4: {  	s25 =	simm.s32 $0x1B8E;
	s24 =	sld [smem:$0x3FFE];
	[sflag:s23] =	ssyncadd.s32 $0xFFFFFFFF  }
0xa5: {  	s26 =	simm.s32 $execute0_lowered;
	[smem:$0x3FD2] =	sst s25  }
0xa6: {  	s4 =	sshll.u32 s26, $0x1;
	_ =	strace $0x80000049;
	[dreg:$0x1] =	wrdreg $0xFFFFFFFF  }
0xa7: {  	s28 =	simm.s32 $_size_execute0_lowered;
	s2 =	sadd.s32 s2, s4;
	[dreg:$0x0] =	wrdreg $0x0  }
0xa8: {  	s4 =	sshll.u32 s28, $0x1;
	[dreg:$0x2] =	wrdreg s2  }
0xa9: {  	[dreg:$0x3] =	wrdreg s4  }
0xaa: {  	[dreg:$0x4] =	wrdreg $0xC0  }
0xab: {  	_ =	task [dreg:s6], $0x5FFFF  }
0xac: {  	[dreg:$0x1] =	wrdreg $0xFFFFFFFF  }
0xad: {  	[dreg:$0x0] =	wrdreg $0x60  }
0xae: {  	[dreg:$0x2] =	wrdreg s24  }
0xaf: {  	[dreg:$0x3] =	wrdreg $0xA8000  }
0xb0: {  	[dreg:$0x4] =	wrdreg $0x9  }
0xb1: {  	_ =	task.clear_ibuf [dreg:s6], $0x5FFFF;
	_ =	strace $0x90000049  }
0xb2: {  	s29 =	simm.s32 $0x9;
	_ =	strace $0x8000004B  }
0xb3: {  	_ =	swait.ge [sflag:s29], $0x1  }
0xb4: {  	[sflag:s29] =	ssyncadd.s32 $0xFFFFFFFF  }
0xb5: {  	_ =	strace $0x9000004B  }
0xb6: {  	_ =	sfence  }
0xb7: {  	s30 =	sld [smem:$0x0];
	_ =	sdelay $0x2  }
0xb8: {  	s31 =	sshll.u32 s1, $0xD;
	s1 =	sshrl.u32 s1, $0x2  }
0xb9: {  	s3 =	sand.u32 $0x4000, s31;
	s1 =	sadd.s32 s1, s30  }
0xba: {  	s0 =	sor.u32 s3, s0;
	s1 =	sshll.u32 s1, $0x11  }
0xbb: {  	s0 =	sor.u32 s1, s0  }
0xbc: {  	s0 =	sadd.s32 $0x8F2B, s0  }
0xbd: {  	[sflag:s0] =	ssyncadd.remote.s32 $0x1  }
0xbe: {  	_ =	sfence.sel $0xFFFF  }
0xbf: {  	[dreg:$0x0] =	wrdreg $0xFFFFFFFF;
	(pc) =	sbr.abs _section_cstart, $3  }
0xc0: {  	[dreg:$0x1] =	wrdreg $0xFFFFFFFF  }
0xc1: {  	_ =	task.clear_ibuf [dreg:s6], $0x2FFFF;
	_ =	strace $0x9FFFFFFF  }
0xc2: {  	(tm) =	ssettm $0x7FFFFFFF  }
0xc3: {  	_ =	shalt  }
tec
execute0_lowered:
.L_overlay_start_1:
0x0: {  	(tag) =	ssettag $0x1  }
0x1: {  	s0 =	srdreg.scid;
	s9 =	rddreg [dreg:$0x0]  }
0x2: {  	s2 =	rddreg [dreg:$0x1];
	s1 =	stileid.u32  }
0x3: {  	s3 =	simm.s32 $0x0;
	s18 =	simm.s32 $0x2800;
	s19 =	simm.s32 $0x1  }
0x4: {  	s20 =	simm.s32 $0x6800;
	s21 =	simm.s32 $0x2;
	s22 =	simm.s32 $0x1380  }
0x5: {  	s23 =	simm.s32 $0x2700;
	s5 =	sand.u32 $0x1, s0;
	s0 =	rddreg [dreg:$0x2]  }
0x6: {  	s24 =	simm.s32 $0x2780;
	s25 =	simm.s32 $0x0;
	[smem:$0x7FF] =	sst s3  }
0x7: {  	s8 =	smul.u32 $0x13C00, s1;
	s15 =	sadd.s32 $0x128400, s2;
	p0 =	seq.s32 s1, $0xF  }
0x8: {  	s4 =	sshll.u32 s5, $0x4;
	_ =	strace $0x8000004A;
	s7 =	smul.u32 $0x27200, s5  }
0x9: {  	s10 =	ssub.s32 $0x2, s5;
	s17 =	sshll.u32 @!p0 s1, $0x6;
	s4 =	sor.u32 s1, s4  }
0xa: {  	s5 =	sshrl.u32 s8, $0x3;
	s31 =	sshrl.u32 s10, $0x1;
	s16 =	sadd.s32 s8, s2  }
0xb: {  	s6 =	smul.u32 $0x280, s4;
	s4 =	sadd.s32 $0x65800, s9;
	s12 =	sadd.s32 s5, s9  }
0xc: {  	s13 =	sadd.s32 s7, s9;
	s14 =	ssub.s32 s10, s31;
	s16 =	sshrl.u32 @!p0 s16, $0x3  }
0xd: {  	s8 =	sadd.s32 $0x12400, s12;
	s10 =	sadd.s32 $0x8CA00, s13;
	s12 =	simm.s32 $0x3  }
0xe: {  	s13 =	simm.s32 $0x1400;
	s11 =	sadd.s32 s6, s9;
	s9 =	sadd.s32 $0x37480, s9  }
0xf: {  	s6 =	sadd.s32 $0xD400, s11;
	s7 =	sadd.s32 $0x8400, s11;
	s11 =	smax.u32 s14, $0x1  }
0x10: {  	s14 =	sshrl.u32 @p0 s15, $0x3;
	s15 =	sor.u32 @!p0 $0x1C03, s17;
	s17 =	simm.s32 $0x80  }
.LBB2_1:
0x11: {  	[tilespmem:s3], [sflag:$0x3] =	stream.linear.gather [hbm4b:s6+s3], $0x1400, $0x38;
	[tilespmem:$0x1E100] =	vst v63  }
0x12: {  	_ =	swait.ge [sflag:s12], $0x1400  }
0x13: {  	[sflag:s12] =	ssyncset.done $0x0  }
0x14: {  	[sflag:s12] =	ssyncadd.s32 $0xFFFFEC00  }
0x15: {  	[tilespmem:s13], [sflag:$0x3] =	stream.linear.gather [hbm4b:s7+s3], $0x1400, $0x38;
	[tilespmem:$0x1E100] =	vst v63  }
0x16: {  	_ =	swait.ge [sflag:s12], $0x1400  }
0x17: {  	[sflag:s12] =	ssyncset.done $0x0  }
0x18: {  	s26 =	simm.s32 @p0 $0x1FC3;
	[sflag:s12] =	ssyncadd.s32 $0xFFFFEC00  }
0x19: {  	[spmem:s14], [sflag:s26] =	dma.local @p0 [hbm:s9], $0x2080  }
0x1a: {  	s26 =	simm.s32 @p0 $0x3  }
0x1b: {  	_ =	swait.ge @p0 [sflag:s26], $0x2080  }
0x1c: {  	[sflag:s26] =	ssyncset.done @p0 $0x0  }
0x1d: {  	[sflag:s26] =	ssyncadd.s32 @p0 $0xFFFFDF80;
	s26 =	simm.s32 @!p0 $0x3  }
0x1e: {  	[spmem:s16], [sflag:s15] =	dma.local @!p0 [hbm:s8], $0x2780  }
0x1f: {  	_ =	swait.ge @!p0 [sflag:s26], $0x2780  }
0x20: {  	[sflag:s26] =	ssyncset.done @!p0 $0x0  }
0x21: {  	[sflag:s26] =	ssyncadd.s32 @!p0 $0xFFFFD880  }
0x22: {  	[bflag:$0x0] =	sbarrier.arrive $0xFFFF  }
0x23: {  	[tilespmem:s18], [sflag:$0x1] =	stream.indirect.gather [hbm4b:s4+s17], $0x80, s3, s17, $0xb8;
	[tilespmem:$0x1E100] =	vst v63  }
0x24: {  	_ =	swait.ge [sflag:s19], $0x4000  }
0x25: {  	[sflag:s19] =	ssyncset.done $0x0  }
0x26: {  	s28 =	simm.s32 $0x80;
	[sflag:s19] =	ssyncadd.s32 $0xFFFFC000  }
0x27: {  	[tilespmem:s20], [sflag:$0x2] =	stream.indirect.gather [hbm4b:s4+s17], $0x80, s28, s17, $0xb8;
	[tilespmem:$0x1E100] =	vst v63  }
0x28: {  	s29 =	simm.s32 $0x1400  }
0x29: {  	[spmem:s2] =	stream.indirect.scatter.add.f32 [tilespmem:s18], [sflag:$0x3], $0x80, s29, s17, $0xb8;
	[tilespmem:$0x1E100] =	vst v63  }
0x2a: {  	_ =	swait.ge [sflag:s12], $0x4000  }
0x2b: {  	[sflag:s12] =	ssyncset.done $0x0  }
0x2c: {  	[sflag:s12] =	ssyncadd.s32 $0xFFFFC000  }
0x2d: {  	_ =	swait.ge [sflag:s21], $0x4000  }
0x2e: {  	[sflag:s21] =	ssyncset.done $0x0  }
0x2f: {  	s30 =	simm.s32 $0x100;
	[sflag:s21] =	ssyncadd.s32 $0xFFFFC000  }
0x30: {  	[tilespmem:s18], [sflag:$0x1] =	stream.indirect.gather [hbm4b:s4+s17], $0x80, s30, s17, $0xb8;
	[tilespmem:$0x1E100] =	vst v63  }
0x31: {  	s31 =	simm.s32 $0x1480  }
0x32: {  	[spmem:s2] =	stream.indirect.scatter.add.f32 [tilespmem:s20], [sflag:$0x3], $0x80, s31, s17, $0xb8;
	[tilespmem:$0x1E100] =	vst v63  }
0x33: {  	_ =	swait.ge [sflag:s12], $0x4000  }
0x34: {  	s26 =	simm.s32 $0x400;
	[sflag:s12] =	ssyncset.done $0x0  }
.LBB2_2:
0x35: {  	p1 =	sne.s32 s26, $0x4800  }
0x36: {  	[sflag:s12] =	ssyncadd.s32 $0xFFFFC000;
	s28 =	smov.u32 s26;
	s26 =	sadd.s32 $0x400, s26  }
0x37: {  	_ = 	snop  }
0x38: {  	_ =	swait.ge [sflag:s19], $0x4000  }
0x39: {  	s28 =	sshra.s32 s28, $0x2;
	[sflag:s19] =	ssyncset.done $0x0  }
0x3a: {  	s29 =	sadd.s32 $0x80, s28;
	[sflag:s19] =	ssyncadd.s32 $0xFFFFC000  }
0x3b: {  	[tilespmem:s20], [sflag:$0x2] =	stream.indirect.gather [hbm4b:s4+s17], $0x80, s29, s17, $0xb8;
	[tilespmem:$0x1E100] =	vst v63  }
0x3c: {  	s29 =	sadd.s32 $0x1400, s28  }
0x3d: {  	[spmem:s2] =	stream.indirect.scatter.add.f32 [tilespmem:s18], [sflag:$0x3], $0x80, s29, s17, $0xb8;
	[tilespmem:$0x1E100] =	vst v63  }
0x3e: {  	_ =	swait.ge [sflag:s12], $0x4000  }
0x3f: {  	[sflag:s12] =	ssyncset.done $0x0  }
0x40: {  	[sflag:s12] =	ssyncadd.s32 $0xFFFFC000  }
0x41: {  	_ =	swait.ge [sflag:s21], $0x4000  }
0x42: {  	[sflag:s21] =	ssyncset.done $0x0  }
0x43: {  	s29 =	sadd.s32 $0x100, s28;
	[sflag:s21] =	ssyncadd.s32 $0xFFFFC000  }
0x44: {  	[tilespmem:s18], [sflag:$0x1] =	stream.indirect.gather [hbm4b:s4+s17], $0x80, s29, s17, $0xb8;
	[tilespmem:$0x1E100] =	vst v63  }
.Ltmp0:
0x45: {  	_ = 	snop;
	(pc) =	sbr.rel @p1 .LBB2_2-.Ltmp0, $4  }
0x46: {  	s28 =	sadd.s32 $0x1480, s28  }
0x47: {  	[spmem:s2] =	stream.indirect.scatter.add.f32 [tilespmem:s20], [sflag:$0x3], $0x80, s28, s17, $0xb8;
	[tilespmem:$0x1E100] =	vst v63  }
0x48: {  	_ =	swait.ge [sflag:s12], $0x4000  }
0x49: {  	[sflag:s12] =	ssyncset.done $0x0  }
0x4a: {  	[sflag:s12] =	ssyncadd.s32 $0xFFFFC000  }
0x4b: {  	_ =	swait.ge [sflag:s19], $0x4000  }
0x4c: {  	[sflag:s19] =	ssyncset.done $0x0  }
0x4d: {  	[sflag:s19] =	ssyncadd.s32 $0xFFFFC000  }
0x4e: {  	[tilespmem:s20], [sflag:$0x2] =	stream.indirect.gather [hbm4b:s4+s17], $0x80, s22, s17, $0xb8;
	[tilespmem:$0x1E100] =	vst v63  }
0x4f: {  	_ = 	snop  }
0x50: {  	[spmem:s2] =	stream.indirect.scatter.add.f32 [tilespmem:s18], [sflag:$0x3], $0x80, s23, s17, $0xb8;
	[tilespmem:$0x1E100] =	vst v63  }
0x51: {  	_ =	swait.ge [sflag:s12], $0x4000  }
0x52: {  	[sflag:s12] =	ssyncset.done $0x0  }
0x53: {  	[sflag:s12] =	ssyncadd.s32 $0xFFFFC000  }
0x54: {  	_ =	swait.ge [sflag:s21], $0x4000  }
0x55: {  	[sflag:s21] =	ssyncset.done $0x0  }
0x56: {  	[sflag:s21] =	ssyncadd.s32 $0xFFFFC000  }
0x57: {  	[spmem:s2] =	stream.indirect.scatter.add.f32 [tilespmem:s20], [sflag:$0x3], $0x80, s24, s17, $0xb8;
	[tilespmem:$0x1E100] =	vst v63  }
0x58: {  	_ =	swait.ge [sflag:s12], $0x4000  }
0x59: {  	[sflag:s12] =	ssyncset.done $0x0  }
0x5a: {  	[sflag:s12] =	ssyncadd.s32 $0xFFFFC000  }
0x5b: {  	s26 =	sadd.s32 @p0 $0x25080, s10;
	s28 =	simm.s32 @p0 $0x1FC3;
	[bflag:$0x0] =	sbarrier.arrive $0xFFFF  }
0x5c: {  	[hbm:s26], [sflag:s28] =	dma.local @p0 [spmem:s14], $0x2180  }
0x5d: {  	s26 =	simm.s32 @p0 $0x3  }
0x5e: {  	_ =	swait.ge @p0 [sflag:s26], $0x2180  }
0x5f: {  	s25 =	sadd.s32 $0x1, s25;
	[sflag:s26] =	ssyncset.done @p0 $0x0  }
0x60: {  	p1 =	sne.s32 s25, s11;
	[sflag:s26] =	ssyncadd.s32 @p0 $0xFFFFDE80;
	s26 =	sadd.s32 @!p0 s5, s10  }
0x61: {  	[hbm:s26], [sflag:s15] =	dma.local @!p0 [spmem:s16], $0x2780  }
.Ltmp1:
0x62: {  	_ = 	snop;
	(pc) =	sbr.rel @p1 .LBB2_1-.Ltmp1, $4  }
0x63: {  	s26 =	simm.s32 @!p0 $0x3  }
0x64: {  	_ =	swait.ge @!p0 [sflag:s26], $0x2780  }
0x65: {  	[sflag:s26] =	ssyncset.done @!p0 $0x0  }
0x66: {  	[sflag:s26] =	ssyncadd.s32 @!p0 $0xFFFFD880  }
0x67: {  	_ =	sfence.sel $0x180000  }
0x68: {  	[bflag:$0x0] =	sbarrier.arrive $0xFFFF  }
0x69: {  	p0 =	sne.s32 s1, $0x0;
	_ =	strace $0x9000004A  }
0x6a: {  	s0 =	sadd.s32 @!p0 $0x100000, s0;
	[bflag:$0x2] =	sbarrier.arrive $0xFFFF  }
0x6b: {  	[sflag:s0] =	ssyncadd.tile.s32 @!p0 $0x1;
	_ =	shalt  }
.Lfunc_end2:
_tile_overlayer_lowered:
.L_overlay_start_2:
0x6c: {  	(tag) =	ssettag $0x2  }
0x6d: {  	s0 =	rddreg [dreg:$0x0];
	s2 =	stileid.u32  }
0x6e: {  	s1 =	rddreg [dreg:$0x1];
	p0 =	sne.s32 s2, $0x0  }
0x6f: {  	s3 =	rddreg [dreg:$0x2];
	[bflag:$0x3] =	sbarrier.arrive $0xFFFF;
	s2 =	simm.s32 @!p0 $0x1C03  }
0x70: {  	[timem:s3], [sflag:s2] =	dma.local @!p0 [hbm:s0], s1  }
0x71: {  	s0 =	simm.s32 @!p0 $0x3  }
0x72: {  	_ =	swait.ge @!p0 [sflag:s0], s1  }
0x73: {  	s1 =	ssub.s32 @!p0 $0x0, s1;
	[sflag:s0] =	ssyncset.done @!p0 $0x0  }
0x74: {  	[sflag:s0] =	ssyncadd.s32 @!p0 s1  }
0x75: {  	[bflag:$0x3] =	sbarrier.arrive $0xFFFF  }
0x76: {  	_ =	shalt  }

// kernel: kernel.17.cloned.1.call-start
scs
__scs_entry_jumppad:
0x0: {  	(pc) =	sbr.rel $0x88, $3  }
0x1: {  	(tag) =	ssettag $0x0;
	lr =	simm.s32 $0x1  }
0x2: {  	[smem:$0x3F95] =	sst lr;
	_ =	strace $0xD0000000  }
0x3: {  	_ = 	snop  }
0x4: {  	_ = 	snop  }
0x5: {  	_ = 	snop  }
0x6: {  	_ = 	snop  }
0x7: {  	_ = 	snop  }
__scs_overlays_trampoline_lowered:
0x8: {  	[smem:$0x3FA4] =	sst s0  }
0x9: {  	[smem:$0x3FA5] =	sst s1  }
0xa: {  	[smem:$0x3FA6] =	sst s2  }
0xb: {  	[smem:$0x3FA7] =	sst s3  }
0xc: {  	[smem:$0x3FA8] =	sst s4  }
0xd: {  	[smem:$0x3FA9] =	sst s5  }
0xe: {  	[smem:$0x3FAA] =	sst s6  }
0xf: {  	[smem:$0x3FAB] =	sst s7  }
0x10: {  	[smem:$0x3FAC] =	sst s8  }
0x11: {  	[smem:$0x3FAD] =	sst s9;
	s0 =	simm.s32 @!p0 $0x0  }
0x12: {  	s1 =	sld [smem:$0x3F93];
	s0 =	simm.s32 @p0 $0x1  }
0x13: {  	[smem:$0x3FAE] =	sst s0;
	s0 =	simm.s32 @!p1 $0x0  }
0x14: {  	s2 =	sld [smem:$0x3F92];
	s0 =	simm.s32 @p1 $0x1  }
0x15: {  	[smem:$0x3FAF] =	sst s0;
	s0 =	simm.s32 @!p2 $0x0  }
0x16: {  	s3 =	sld [smem:$0x3FDB];
	s0 =	simm.s32 @p2 $0x1  }
0x17: {  	s4 =	simm.s32 $0x1BF5;
	[smem:$0x3FB1] =	sst s0  }
0x18: {  	s0 =	sld [smem:$0x3F94];
	_ =	swait.ge [sflag:s4], $0x0  }
0x19: {  	s7 =	sld [smem:$0x3F95]  }
0x1a: {  	s8 =	sadd.s32 $0xFFFFE003, lr  }
0x1b: {  	s9 =	sadd.s32 $0xFFFFFEF7, lr;
	s5 =	simm.s32 $0xFFFFFFFF;
	p2 =	slt.u32 s8, $0xFFFFF086  }
0x1c: {  	p1 =	slt.u32 s9, $0xF7A;
	s5 =	simm.s32 @!p2 $0x0  }
0x1d: {  	s5 =	simm.s32 @p1 $0x1;
	p0 =	seq.s32 s7, s2  }
0x1e: {  	s7 =	smul.u32 @!p0 $0xF7A, s2;
	p2 =	seq.s32 @!p0 s5, $0x0  }
0x1f: {  	s9 =	smul.u32 $0xF7A, s1;
	s8 =	simm.s32 @!p0 $0x1BF5;
	p2 =	por !p2, p0  }
0x20: {  	[sflag:s8] =	ssyncset.s32 @!p0 $0xFFFFF086;
	s6 =	sadd.s32 @!p0 s3, s7;
	s7 =	simm.s32 @!p0 $0x108  }
0x21: {  	s3 =	sadd.s32 s3, s9;
	s6 =	sadd.s32 @!p0 $0x88, s6;
	s7 =	simm.s32 @p2 $0x1082  }
0x22: {  	[simem:s7], [sflag:s8] =	dma.local @!p0 [hbm:s6], $0xF7A  }
0x23: {  	s9 =	sor.u32 $0xD0000000, s2;
	s6 =	simm.s32 $0x108;
	_ =	swait.ge @!p0 [sflag:s8], $0x0  }
0x24: {  	s3 =	sadd.s32 $0x88, s3;
	s6 =	simm.s32 @!p1 $0x1082;
	[sflag:s4] =	ssyncset.s32 $0xFFFFF086  }
0x25: {  	[simem:s6], [sflag:s4] =	dma.local [hbm:s3], $0xF7A  }
0x26: {  	[smem:$0x3F95] =	sst s1;
	(tag) =	ssettag s2;
	_ =	strace s9  }
0x27: {  	s1 =	sld [smem:$0x3FA5]  }
0x28: {  	s2 =	sld [smem:$0x3FA6]  }
0x29: {  	s4 =	sld [smem:$0x3FA8]  }
0x2a: {  	p0 =	seq.s32 s5, $0x0;
	s5 =	sld [smem:$0x3FA9]  }
0x2b: {  	s6 =	sld [smem:$0x3FAA]  }
0x2c: {  	s7 =	sld [smem:$0x3FAB]  }
0x2d: {  	s3 =	simm.s32 $0x108;
	s8 =	sld [smem:$0x3FAC]  }
0x2e: {  	s3 =	simm.s32 @!p0 $0x1082;
	s9 =	sld [smem:$0x3FAD]  }
0x2f: {  	lr =	sadd.s32 s0, s3;
	s0 =	sld [smem:$0x3FA4]  }
0x30: {  	s3 =	sld [smem:$0x3FA7]  }
0x31: {  	[smem:$0x3FB0] =	sst s10  }
0x32: {  	s10 =	sld [smem:$0x3FAE];
	_ =	sdelay $0x3  }
0x33: {  	p0 =	seq.s32 s10, $0x1;
	s10 =	sld [smem:$0x3FB0];
	_ =	sdelay $0x3  }
0x34: {  	[smem:$0x3FB0] =	sst s10  }
0x35: {  	s10 =	sld [smem:$0x3FAF];
	_ =	sdelay $0x3  }
0x36: {  	p1 =	seq.s32 s10, $0x1;
	s10 =	sld [smem:$0x3FB0];
	_ =	sdelay $0x3  }
0x37: {  	[smem:$0x3FB0] =	sst s10  }
0x38: {  	s10 =	sld [smem:$0x3FB1]  }
0x39: {  	_ = 	snop;
	(pc) =	sbr.ind lr, $3  }
0x3a: {  	_ = 	snop  }
0x3b: {  	_ = 	snop  }
0x3c: {  	p2 =	seq.s32 s10, $0x1;
	s10 =	sld [smem:$0x3FB0]  }
0x3d: {  	_ =	shalt  }
0x3e: {  	_ =	shalt  }
0x3f: {  	_ =	shalt  }
0x40: {  	_ =	shalt  }
0x41: {  	_ =	shalt  }
0x42: {  	_ =	shalt  }
0x43: {  	_ =	shalt  }
0x44: {  	_ =	shalt  }
0x45: {  	_ =	shalt  }
0x46: {  	_ =	shalt  }
0x47: {  	_ =	shalt  }
0x48: {  	_ =	shalt  }
0x49: {  	_ =	shalt  }
0x4a: {  	_ =	shalt  }
0x4b: {  	_ =	shalt  }
0x4c: {  	_ =	shalt  }
0x4d: {  	_ =	shalt  }
0x4e: {  	_ =	shalt  }
0x4f: {  	_ =	shalt  }
0x50: {  	_ =	shalt  }
0x51: {  	_ =	shalt  }
0x52: {  	_ =	shalt  }
0x53: {  	_ =	shalt  }
0x54: {  	_ =	shalt  }
0x55: {  	_ =	shalt  }
0x56: {  	_ =	shalt  }
0x57: {  	_ =	shalt  }
0x58: {  	_ =	shalt  }
0x59: {  	_ =	shalt  }
0x5a: {  	_ =	shalt  }
0x5b: {  	_ =	shalt  }
0x5c: {  	_ =	shalt  }
0x5d: {  	_ =	shalt  }
0x5e: {  	_ =	shalt  }
0x5f: {  	_ =	shalt  }
0x60: {  	_ =	shalt  }
0x61: {  	_ =	shalt  }
0x62: {  	_ =	shalt  }
0x63: {  	_ =	shalt  }
0x64: {  	_ =	shalt  }
0x65: {  	_ =	shalt  }
0x66: {  	_ =	shalt  }
0x67: {  	_ =	shalt  }
0x68: {  	_ =	shalt  }
0x69: {  	_ =	shalt  }
0x6a: {  	_ =	shalt  }
0x6b: {  	_ =	shalt  }
0x6c: {  	_ =	shalt  }
0x6d: {  	_ =	shalt  }
0x6e: {  	_ =	shalt  }
0x6f: {  	_ =	shalt  }
0x70: {  	_ =	shalt  }
0x71: {  	_ =	shalt  }
0x72: {  	_ =	shalt  }
0x73: {  	_ =	shalt  }
0x74: {  	_ =	shalt  }
0x75: {  	_ =	shalt  }
0x76: {  	_ =	shalt  }
0x77: {  	_ =	shalt  }
0x78: {  	_ =	shalt  }
0x79: {  	_ =	shalt  }
0x7a: {  	_ =	shalt  }
0x7b: {  	_ =	shalt  }
0x7c: {  	_ =	shalt  }
0x7d: {  	_ =	shalt  }
0x7e: {  	_ =	shalt  }
0x7f: {  	_ =	shalt  }
0x80: {  	_ =	shalt  }
0x81: {  	_ =	shalt  }
0x82: {  	_ =	shalt  }
0x83: {  	_ =	shalt  }
0x84: {  	_ =	shalt  }
0x85: {  	_ =	shalt  }
0x86: {  	_ =	shalt  }
0x87: {  	_ =	shalt  }
.Lfunc_end0:
.L_simem_size_0:
called_computation.2_lowered:
.L_overlay_start_0:
0x88: {  	s2 =	sld [smem:$0x3FD9]  }
0x89: {  	s3 =	sld [smem:$0x3FFE];
	_ =	sdelay $0x1  }
0x8a: {  	s1 =	srdreg.scid  }
0x8b: {  	s0 =	sand.u32 $0x1, s1  }
0x8c: {  	s16 =	sshll.u32 s0, $0xA;
	s2 =	sadd.s32 s3, s2  }
0x8d: {  	s2 =	sadd.s32 s2, s16  }
0x8e: {  	[smem:$0x3FBC] =	sst s2  }
0x8f: {  	_ = 	snop  }
0x90: {  	(tm) =	ssettm $0x1  }
0x91: {  	s17 =	sld [smem:$0x3FFB];
	_ =	sdelay $0x3  }
0x92: {  	_ =	strace s17  }
0x93: {  	s2 =	sld [smem:$0x3FFC];
	_ =	sdelay $0x3  }
0x94: {  	_ =	strace s2  }
0x95: {  	s2 =	sld [smem:$0x3FFD];
	_ =	sdelay $0x3  }
0x96: {  	_ =	strace s2  }
0x97: {  	_ =	strace $0x8FFFFFFF  }
0x98: {  	s18 =	sld [smem:$0x3FDB];
	_ =	sdelay $0x1  }
0x99: {  	s19 =	simm.s32 $_scs_section_size  }
0x9a: {  	s4 =	simm.s32 $_size__tile_overlayer_lowered;
	s5 =	simm.s32 $_tile_overlayer_lowered  }
0x9b: {  	s22 =	simm.s32 $0x1BFF;
	s21 =	sshll.u32 s5, $0x1;
	s2 =	sadd.s32 s19, s18  }
0x9c: {  	s6 =	simm.s32 $0x0;
	s20 =	sshll.u32 s4, $0x1;
	s4 =	sadd.s32 s21, s2  }
0x9d: {  	[timem:s6], [sflag:s22] =	dma.local [hbm:s4], s20  }
0x9e: {  	_ =	swait.ge [sflag:s22], s20  }
0x9f: {  	s3 =	ssub.s32 $0x0, s20;
	[sflag:s22] =	ssyncset.done $0x0  }
0xa0: {  	[sflag:s22] =	ssyncadd.s32 s3;
	_ =	sdelay $0x1  }
0xa1: {  	s23 =	simm.s32 $0x1B8B  }
0xa2: {  	_ =	swait.ge [sflag:s23], $0x1  }
0xa3: {  	[sflag:s23] =	ssyncset.done $0x0  }
0xa4: {  	s25 =	simm.s32 $0x1B8E;
	s24 =	sld [smem:$0x3FFE];
	[sflag:s23] =	ssyncadd.s32 $0xFFFFFFFF  }
0xa5: {  	s26 =	simm.s32 $execute0_lowered;
	[smem:$0x3FD2] =	sst s25  }
0xa6: {  	s4 =	sshll.u32 s26, $0x1;
	_ =	strace $0x8000004C;
	[dreg:$0x1] =	wrdreg $0xFFFFFFFF  }
0xa7: {  	s28 =	simm.s32 $_size_execute0_lowered;
	s2 =	sadd.s32 s2, s4;
	[dreg:$0x0] =	wrdreg $0x0  }
0xa8: {  	s4 =	sshll.u32 s28, $0x1;
	[dreg:$0x2] =	wrdreg s2  }
0xa9: {  	[dreg:$0x3] =	wrdreg s4  }
0xaa: {  	[dreg:$0x4] =	wrdreg $0xC0  }
0xab: {  	_ =	task [dreg:s6], $0x5FFFF  }
0xac: {  	[dreg:$0x1] =	wrdreg $0xFFFFFFFF  }
0xad: {  	[dreg:$0x0] =	wrdreg $0x60  }
0xae: {  	[dreg:$0x2] =	wrdreg s24  }
0xaf: {  	[dreg:$0x3] =	wrdreg $0xA8000  }
0xb0: {  	[dreg:$0x4] =	wrdreg $0x9  }
0xb1: {  	_ =	task.clear_ibuf [dreg:s6], $0x5FFFF;
	_ =	strace $0x9000004C  }
0xb2: {  	s29 =	simm.s32 $0x9;
	_ =	strace $0x8000004E  }
0xb3: {  	_ =	swait.ge [sflag:s29], $0x1  }
0xb4: {  	[sflag:s29] =	ssyncadd.s32 $0xFFFFFFFF  }
0xb5: {  	_ =	strace $0x9000004E  }
0xb6: {  	_ =	sfence  }
0xb7: {  	s30 =	sld [smem:$0x0];
	_ =	sdelay $0x2  }
0xb8: {  	s31 =	sshll.u32 s1, $0xD;
	s1 =	sshrl.u32 s1, $0x2  }
0xb9: {  	s3 =	sand.u32 $0x4000, s31;
	s1 =	sadd.s32 s1, s30  }
0xba: {  	s0 =	sor.u32 s3, s0;
	s1 =	sshll.u32 s1, $0x11  }
0xbb: {  	s0 =	sor.u32 s1, s0  }
0xbc: {  	s0 =	sadd.s32 $0x8F2B, s0  }
0xbd: {  	[sflag:s0] =	ssyncadd.remote.s32 $0x1  }
0xbe: {  	_ =	sfence.sel $0xFFFF  }
0xbf: {  	[dreg:$0x0] =	wrdreg $0xFFFFFFFF;
	(pc) =	sbr.abs _section_cstart, $3  }
0xc0: {  	[dreg:$0x1] =	wrdreg $0xFFFFFFFF  }
0xc1: {  	_ =	task.clear_ibuf [dreg:s6], $0x2FFFF;
	_ =	strace $0x9FFFFFFF  }
0xc2: {  	(tm) =	ssettm $0x7FFFFFFF  }
0xc3: {  	_ =	shalt  }
tec
execute0_lowered:
.L_overlay_start_1:
0x0: {  	(tag) =	ssettag $0x1  }
0x1: {  	s0 =	rddreg [dreg:$0x0]  }
0x2: {  	s1 =	rddreg [dreg:$0x1];
	s2 =	srdreg.scid;
	s3 =	simm.s32 $0x0  }
0x3: {  	s15 =	stileid.u32;
	s12 =	simm.s32 $0x5;
	s17 =	simm.s32 $0x80  }
0x4: {  	s18 =	simm.s32 $0x2800;
	s19 =	simm.s32 $0x4800;
	s21 =	simm.s32 $0x6800  }
0x5: {  	s22 =	simm.s32 $0x1;
	s23 =	simm.s32 $0x8800;
	s24 =	simm.s32 $0x2  }
0x6: {  	s25 =	simm.s32 $0x3;
	s26 =	simm.s32 $0x4;
	s29 =	simm.s32 $0x2600  }
0x7: {  	s30 =	simm.s32 $0x2680;
	s31 =	simm.s32 $0x2700;
	s2 =	sand.u32 $0x1, s2  }
0x8: {  	[smem:$0x7FF] =	sst s3;
	s8 =	smul.u32 $0x9E00, s15;
	s14 =	sadd.s32 $0x94200, s1  }
0x9: {  	p0 =	seq.s32 s15, $0xF;
	s4 =	sshll.u32 s2, $0x4;
	_ =	strace $0x8000004D  }
0xa: {  	s7 =	smul.u32 $0x13900, s2;
	s2 =	ssub.s32 $0x2, s2;
	s14 =	sshrl.u32 @p0 s14, $0x3  }
0xb: {  	s5 =	sor.u32 s15, s4;
	s4 =	sadd.s32 $0x12400, s0;
	s28 =	sshrl.u32 s2, $0x1  }
0xc: {  	s13 =	sadd.s32 s8, s1;
	s6 =	smul.u32 $0x280, s5;
	s5 =	sshrl.u32 s8, $0x3  }
0xd: {  	s11 =	sadd.s32 s7, s0;
	s2 =	ssub.s32 s2, s28;
	s10 =	sadd.s32 s5, s0  }
0xe: {  	s16 =	sshrl.u32 @!p0 s13, $0x3;
	s9 =	sadd.s32 s6, s0;
	s8 =	sadd.s32 $0x39600, s10  }
0xf: {  	s10 =	sadd.s32 $0x65800, s11;
	s11 =	smax.u32 s2, $0x1;
	s6 =	sadd.s32 $0xD400, s9  }
0x10: {  	s7 =	sadd.s32 $0x8400, s9;
	s9 =	sadd.s32 $0x4BE40, s0;
	s0 =	sshll.u32 @!p0 s15, $0x6  }
0x11: {  	s2 =	simm.s32 $0x0;
	s15 =	sor.u32 @!p0 $0x1C05, s0;
	s0 =	simm.s32 $0x2780  }
.LBB2_1:
0x12: {  	[tilespmem:s3], [sflag:$0x5] =	stream.linear.gather [hbm4b:s6+s3], $0x1400, $0x38;
	[tilespmem:$0x14480] =	vst v63  }
0x13: {  	_ =	swait.ge [sflag:s12], $0x1400  }
0x14: {  	[sflag:s12] =	ssyncset.done $0x0  }
0x15: {  	s13 =	simm.s32 $0x1400;
	[sflag:s12] =	ssyncadd.s32 $0xFFFFEC00  }
0x16: {  	[tilespmem:s13], [sflag:$0x5] =	stream.linear.gather [hbm4b:s7+s3], $0x1400, $0x38;
	[tilespmem:$0x14480] =	vst v63  }
0x17: {  	_ =	swait.ge [sflag:s12], $0x1400  }
0x18: {  	[sflag:s12] =	ssyncset.done $0x0  }
0x19: {  	s13 =	simm.s32 @p0 $0x1FC5;
	[sflag:s12] =	ssyncadd.s32 $0xFFFFEC00  }
0x1a: {  	[spmem:s14], [sflag:s13] =	dma.local @p0 [hbm:s9], $0x1040  }
0x1b: {  	s13 =	simm.s32 @p0 $0x5  }
0x1c: {  	_ =	swait.ge @p0 [sflag:s13], $0x1040  }
0x1d: {  	[sflag:s13] =	ssyncset.done @p0 $0x0  }
0x1e: {  	[sflag:s13] =	ssyncadd.s32 @p0 $0xFFFFEFC0;
	s13 =	simm.s32 @!p0 $0x5  }
0x1f: {  	[spmem:s16], [sflag:s15] =	dma.local @!p0 [hbm:s8], $0x13C0  }
0x20: {  	_ =	swait.ge @!p0 [sflag:s13], $0x13C0  }
0x21: {  	[sflag:s13] =	ssyncset.done @!p0 $0x0  }
0x22: {  	[sflag:s13] =	ssyncadd.s32 @!p0 $0xFFFFEC40  }
0x23: {  	[bflag:$0x0] =	sbarrier.arrive $0xFFFF  }
0x24: {  	[tilespmem:s18], [sflag:$0x1] =	stream.indirect.gather [hbm4b:s4+s17], $0x40, s3, s17, $0xb8;
	[tilespmem:$0x14480] =	vst v63  }
0x25: {  	_ = 	snop  }
0x26: {  	[tilespmem:s19], [sflag:$0x2] =	stream.indirect.gather [hbm4b:s4+s17], $0x40, s17, s17, $0xb8;
	[tilespmem:$0x14480] =	vst v63  }
0x27: {  	s28 =	simm.s32 $0x100  }
0x28: {  	[tilespmem:s21], [sflag:$0x3] =	stream.indirect.gather [hbm4b:s4+s17], $0x40, s28, s17, $0xb8;
	[tilespmem:$0x14480] =	vst v63  }
0x29: {  	_ =	swait.ge [sflag:s22], $0x2000  }
0x2a: {  	[sflag:s22] =	ssyncset.done $0x0  }
0x2b: {  	s20 =	simm.s32 $0x180;
	[sflag:s22] =	ssyncadd.s32 $0xFFFFE000  }
0x2c: {  	[tilespmem:s23], [sflag:$0x4] =	stream.indirect.gather [hbm4b:s4+s17], $0x40, s20, s17, $0xb8;
	[tilespmem:$0x14480] =	vst v63  }
0x2d: {  	s28 =	simm.s32 $0x1400  }
0x2e: {  	[spmem:s1] =	stream.indirect.scatter.add.f32 [tilespmem:s18], [sflag:$0x5], $0x40, s28, s17, $0xb8;
	[tilespmem:$0x14480] =	vst v63  }
0x2f: {  	_ =	swait.ge [sflag:s12], $0x2000  }
0x30: {  	[sflag:s12] =	ssyncset.done $0x0  }
0x31: {  	[sflag:s12] =	ssyncadd.s32 $0xFFFFE000  }
0x32: {  	_ =	swait.ge [sflag:s24], $0x2000  }
0x33: {  	[sflag:s24] =	ssyncset.done $0x0  }
0x34: {  	s20 =	simm.s32 $0x200;
	[sflag:s24] =	ssyncadd.s32 $0xFFFFE000  }
0x35: {  	[tilespmem:s18], [sflag:$0x1] =	stream.indirect.gather [hbm4b:s4+s17], $0x40, s20, s17, $0xb8;
	[tilespmem:$0x14480] =	vst v63  }
0x36: {  	s28 =	simm.s32 $0x1480  }
0x37: {  	[spmem:s1] =	stream.indirect.scatter.add.f32 [tilespmem:s19], [sflag:$0x5], $0x40, s28, s17, $0xb8;
	[tilespmem:$0x14480] =	vst v63  }
0x38: {  	_ =	swait.ge [sflag:s12], $0x2000  }
0x39: {  	[sflag:s12] =	ssyncset.done $0x0  }
0x3a: {  	[sflag:s12] =	ssyncadd.s32 $0xFFFFE000  }
0x3b: {  	_ =	swait.ge [sflag:s25], $0x2000  }
0x3c: {  	[sflag:s25] =	ssyncset.done $0x0  }
0x3d: {  	s20 =	simm.s32 $0x280;
	[sflag:s25] =	ssyncadd.s32 $0xFFFFE000  }
0x3e: {  	[tilespmem:s19], [sflag:$0x2] =	stream.indirect.gather [hbm4b:s4+s17], $0x40, s20, s17, $0xb8;
	[tilespmem:$0x14480] =	vst v63  }
0x3f: {  	s28 =	simm.s32 $0x1500  }
0x40: {  	[spmem:s1] =	stream.indirect.scatter.add.f32 [tilespmem:s21], [sflag:$0x5], $0x40, s28, s17, $0xb8;
	[tilespmem:$0x14480] =	vst v63  }
0x41: {  	_ =	swait.ge [sflag:s12], $0x2000  }
0x42: {  	[sflag:s12] =	ssyncset.done $0x0  }
0x43: {  	[sflag:s12] =	ssyncadd.s32 $0xFFFFE000  }
0x44: {  	_ =	swait.ge [sflag:s26], $0x2000  }
0x45: {  	[sflag:s26] =	ssyncset.done $0x0  }
0x46: {  	s20 =	simm.s32 $0x300;
	[sflag:s26] =	ssyncadd.s32 $0xFFFFE000  }
0x47: {  	[tilespmem:s21], [sflag:$0x3] =	stream.indirect.gather [hbm4b:s4+s17], $0x40, s20, s17, $0xb8;
	[tilespmem:$0x14480] =	vst v63  }
0x48: {  	s28 =	simm.s32 $0x1580  }
0x49: {  	[spmem:s1] =	stream.indirect.scatter.add.f32 [tilespmem:s23], [sflag:$0x5], $0x40, s28, s17, $0xb8;
	[tilespmem:$0x14480] =	vst v63  }
0x4a: {  	_ =	swait.ge [sflag:s12], $0x2000  }
0x4b: {  	s13 =	simm.s32 $0x800;
	[sflag:s12] =	ssyncset.done $0x0  }
.LBB2_2:
0x4c: {  	p1 =	sne.s32 s13, $0x4000  }
0x4d: {  	[sflag:s12] =	ssyncadd.s32 $0xFFFFE000;
	s20 =	smov.u32 s13;
	s13 =	sadd.s32 $0x800, s13  }
0x4e: {  	_ = 	snop  }
0x4f: {  	_ =	swait.ge [sflag:s22], $0x2000  }
0x50: {  	s20 =	sshra.s32 s20, $0x2;
	[sflag:s22] =	ssyncset.done $0x0  }
0x51: {  	s28 =	sadd.s32 $0x180, s20;
	[sflag:s22] =	ssyncadd.s32 $0xFFFFE000  }
0x52: {  	[tilespmem:s23], [sflag:$0x4] =	stream.indirect.gather [hbm4b:s4+s17], $0x40, s28, s17, $0xb8;
	[tilespmem:$0x14480] =	vst v63  }
0x53: {  	s28 =	sadd.s32 $0x1400, s20  }
0x54: {  	[spmem:s1] =	stream.indirect.scatter.add.f32 [tilespmem:s18], [sflag:$0x5], $0x40, s28, s17, $0xb8;
	[tilespmem:$0x14480] =	vst v63  }
0x55: {  	_ =	swait.ge [sflag:s12], $0x2000  }
0x56: {  	[sflag:s12] =	ssyncset.done $0x0  }
0x57: {  	[sflag:s12] =	ssyncadd.s32 $0xFFFFE000  }
0x58: {  	_ =	swait.ge [sflag:s24], $0x2000  }
0x59: {  	[sflag:s24] =	ssyncset.done $0x0  }
0x5a: {  	s28 =	sadd.s32 $0x200, s20;
	[sflag:s24] =	ssyncadd.s32 $0xFFFFE000  }
0x5b: {  	[tilespmem:s18], [sflag:$0x1] =	stream.indirect.gather [hbm4b:s4+s17], $0x40, s28, s17, $0xb8;
	[tilespmem:$0x14480] =	vst v63  }
0x5c: {  	s28 =	sadd.s32 $0x1480, s20  }
0x5d: {  	[spmem:s1] =	stream.indirect.scatter.add.f32 [tilespmem:s19], [sflag:$0x5], $0x40, s28, s17, $0xb8;
	[tilespmem:$0x14480] =	vst v63  }
0x5e: {  	_ =	swait.ge [sflag:s12], $0x2000  }
0x5f: {  	[sflag:s12] =	ssyncset.done $0x0  }
0x60: {  	[sflag:s12] =	ssyncadd.s32 $0xFFFFE000  }
0x61: {  	_ =	swait.ge [sflag:s25], $0x2000  }
0x62: {  	[sflag:s25] =	ssyncset.done $0x0  }
0x63: {  	s28 =	sadd.s32 $0x280, s20;
	[sflag:s25] =	ssyncadd.s32 $0xFFFFE000  }
0x64: {  	[tilespmem:s19], [sflag:$0x2] =	stream.indirect.gather [hbm4b:s4+s17], $0x40, s28, s17, $0xb8;
	[tilespmem:$0x14480] =	vst v63  }
0x65: {  	s28 =	sadd.s32 $0x1500, s20  }
0x66: {  	[spmem:s1] =	stream.indirect.scatter.add.f32 [tilespmem:s21], [sflag:$0x5], $0x40, s28, s17, $0xb8;
	[tilespmem:$0x14480] =	vst v63  }
0x67: {  	_ =	swait.ge [sflag:s12], $0x2000  }
0x68: {  	[sflag:s12] =	ssyncset.done $0x0  }
0x69: {  	[sflag:s12] =	ssyncadd.s32 $0xFFFFE000  }
0x6a: {  	_ =	swait.ge [sflag:s26], $0x2000  }
0x6b: {  	[sflag:s26] =	ssyncset.done $0x0  }
0x6c: {  	s28 =	sadd.s32 $0x300, s20;
	[sflag:s26] =	ssyncadd.s32 $0xFFFFE000  }
0x6d: {  	[tilespmem:s21], [sflag:$0x3] =	stream.indirect.gather [hbm4b:s4+s17], $0x40, s28, s17, $0xb8;
	[tilespmem:$0x14480] =	vst v63  }
.Ltmp0:
0x6e: {  	_ = 	snop;
	(pc) =	sbr.rel @p1 .LBB2_2-.Ltmp0, $4  }
0x6f: {  	s20 =	sadd.s32 $0x1580, s20  }
0x70: {  	[spmem:s1] =	stream.indirect.scatter.add.f32 [tilespmem:s23], [sflag:$0x5], $0x40, s20, s17, $0xb8;
	[tilespmem:$0x14480] =	vst v63  }
0x71: {  	_ =	swait.ge [sflag:s12], $0x2000  }
0x72: {  	[sflag:s12] =	ssyncset.done $0x0  }
0x73: {  	[sflag:s12] =	ssyncadd.s32 $0xFFFFE000  }
0x74: {  	_ =	swait.ge [sflag:s22], $0x2000  }
0x75: {  	[sflag:s22] =	ssyncset.done $0x0  }
0x76: {  	s13 =	simm.s32 $0x1380;
	[sflag:s22] =	ssyncadd.s32 $0xFFFFE000  }
0x77: {  	[tilespmem:s23], [sflag:$0x4] =	stream.indirect.gather [hbm4b:s4+s17], $0x40, s13, s17, $0xb8;
	[tilespmem:$0x14480] =	vst v63  }
0x78: {  	_ = 	snop  }
0x79: {  	[spmem:s1] =	stream.indirect.scatter.add.f32 [tilespmem:s18], [sflag:$0x5], $0x40, s29, s17, $0xb8;
	[tilespmem:$0x14480] =	vst v63  }
0x7a: {  	_ =	swait.ge [sflag:s12], $0x2000  }
0x7b: {  	[sflag:s12] =	ssyncset.done $0x0  }
0x7c: {  	[sflag:s12] =	ssyncadd.s32 $0xFFFFE000  }
0x7d: {  	_ =	swait.ge [sflag:s24], $0x2000  }
0x7e: {  	[sflag:s24] =	ssyncset.done $0x0  }
0x7f: {  	[sflag:s24] =	ssyncadd.s32 $0xFFFFE000  }
0x80: {  	[spmem:s1] =	stream.indirect.scatter.add.f32 [tilespmem:s19], [sflag:$0x5], $0x40, s30, s17, $0xb8;
	[tilespmem:$0x14480] =	vst v63  }
0x81: {  	_ =	swait.ge [sflag:s12], $0x2000  }
0x82: {  	[sflag:s12] =	ssyncset.done $0x0  }
0x83: {  	[sflag:s12] =	ssyncadd.s32 $0xFFFFE000  }
0x84: {  	_ =	swait.ge [sflag:s25], $0x2000  }
0x85: {  	[sflag:s25] =	ssyncset.done $0x0  }
0x86: {  	[sflag:s25] =	ssyncadd.s32 $0xFFFFE000  }
0x87: {  	[spmem:s1] =	stream.indirect.scatter.add.f32 [tilespmem:s21], [sflag:$0x5], $0x40, s31, s17, $0xb8;
	[tilespmem:$0x14480] =	vst v63  }
0x88: {  	_ =	swait.ge [sflag:s12], $0x2000  }
0x89: {  	[sflag:s12] =	ssyncset.done $0x0  }
0x8a: {  	[sflag:s12] =	ssyncadd.s32 $0xFFFFE000  }
0x8b: {  	_ =	swait.ge [sflag:s26], $0x2000  }
0x8c: {  	[sflag:s26] =	ssyncset.done $0x0  }
0x8d: {  	[sflag:s26] =	ssyncadd.s32 $0xFFFFE000  }
0x8e: {  	[spmem:s1] =	stream.indirect.scatter.add.f32 [tilespmem:s23], [sflag:$0x5], $0x40, s0, s17, $0xb8;
	[tilespmem:$0x14480] =	vst v63  }
0x8f: {  	_ =	swait.ge [sflag:s12], $0x2000  }
0x90: {  	[sflag:s12] =	ssyncset.done $0x0  }
0x91: {  	[sflag:s12] =	ssyncadd.s32 $0xFFFFE000  }
0x92: {  	s20 =	simm.s32 @p0 $0x1FC5;
	s13 =	sadd.s32 @p0 $0x12840, s10;
	[bflag:$0x0] =	sbarrier.arrive $0xFFFF  }
0x93: {  	[hbm:s13], [sflag:s20] =	dma.local @p0 [spmem:s14], $0x10C0  }
0x94: {  	s13 =	simm.s32 @p0 $0x5  }
0x95: {  	_ =	swait.ge @p0 [sflag:s13], $0x10C0  }
0x96: {  	s2 =	sadd.s32 $0x1, s2;
	[sflag:s13] =	ssyncset.done @p0 $0x0  }
0x97: {  	p1 =	sne.s32 s2, s11;
	[sflag:s13] =	ssyncadd.s32 @p0 $0xFFFFEF40;
	s13 =	sadd.s32 @!p0 s5, s10  }
0x98: {  	[hbm:s13], [sflag:s15] =	dma.local @!p0 [spmem:s16], $0x13C0  }
.Ltmp1:
0x99: {  	_ = 	snop;
	(pc) =	sbr.rel @p1 .LBB2_1-.Ltmp1, $4  }
0x9a: {  	s13 =	simm.s32 @!p0 $0x5  }
0x9b: {  	_ =	swait.ge @!p0 [sflag:s13], $0x13C0  }
0x9c: {  	[sflag:s13] =	ssyncset.done @!p0 $0x0  }
0x9d: {  	[sflag:s13] =	ssyncadd.s32 @!p0 $0xFFFFEC40  }
0x9e: {  	_ =	sfence.sel $0x180000  }
0x9f: {  	[bflag:$0x0] =	sbarrier.arrive $0xFFFF  }
0xa0: {  	_ =	strace $0x9000004D  }
0xa1: {  	s0 =	stileid.u32;
	[bflag:$0x2] =	sbarrier.arrive $0xFFFF  }
0xa2: {  	p0 =	sne.s32 s0, $0x0;
	s0 =	rddreg [dreg:$0x2]  }
0xa3: {  	s0 =	sadd.s32 @!p0 $0x100000, s0  }
0xa4: {  	[sflag:s0] =	ssyncadd.tile.s32 @!p0 $0x1;
	_ =	shalt  }
.Lfunc_end2:
_tile_overlayer_lowered:
.L_overlay_start_2:
0xa5: {  	(tag) =	ssettag $0x2  }
0xa6: {  	s0 =	rddreg [dreg:$0x0];
	s2 =	stileid.u32  }
0xa7: {  	s1 =	rddreg [dreg:$0x1];
	p0 =	sne.s32 s2, $0x0  }
0xa8: {  	s3 =	rddreg [dreg:$0x2];
	[bflag:$0x3] =	sbarrier.arrive $0xFFFF;
	s2 =	simm.s32 @!p0 $0x1C05  }
0xa9: {  	[timem:s3], [sflag:s2] =	dma.local @!p0 [hbm:s0], s1  }
0xaa: {  	s0 =	simm.s32 @!p0 $0x5  }
0xab: {  	_ =	swait.ge @!p0 [sflag:s0], s1  }
0xac: {  	s1 =	ssub.s32 @!p0 $0x0, s1;
	[sflag:s0] =	ssyncset.done @!p0 $0x0  }
0xad: {  	[sflag:s0] =	ssyncadd.s32 @!p0 s1  }
0xae: {  	[bflag:$0x3] =	sbarrier.arrive $0xFFFF  }
0xaf: {  	_ =	shalt  }

// kernel: kernel.20.cloned.1.call-start
scs
__scs_entry_jumppad:
0x0: {  	(pc) =	sbr.rel $0x88, $3  }
0x1: {  	(tag) =	ssettag $0x0;
	lr =	simm.s32 $0x1  }
0x2: {  	[smem:$0x3F95] =	sst lr;
	_ =	strace $0xD0000000  }
0x3: {  	_ = 	snop  }
0x4: {  	_ = 	snop  }
0x5: {  	_ = 	snop  }
0x6: {  	_ = 	snop  }
0x7: {  	_ = 	snop  }
__scs_overlays_trampoline_lowered:
0x8: {  	[smem:$0x3FA4] =	sst s0  }
0x9: {  	[smem:$0x3FA5] =	sst s1  }
0xa: {  	[smem:$0x3FA6] =	sst s2  }
0xb: {  	[smem:$0x3FA7] =	sst s3  }
0xc: {  	[smem:$0x3FA8] =	sst s4  }
0xd: {  	[smem:$0x3FA9] =	sst s5  }
0xe: {  	[smem:$0x3FAA] =	sst s6  }
0xf: {  	[smem:$0x3FAB] =	sst s7  }
0x10: {  	[smem:$0x3FAC] =	sst s8  }
0x11: {  	[smem:$0x3FAD] =	sst s9;
	s0 =	simm.s32 @!p0 $0x0  }
0x12: {  	s1 =	sld [smem:$0x3F93];
	s0 =	simm.s32 @p0 $0x1  }
0x13: {  	[smem:$0x3FAE] =	sst s0;
	s0 =	simm.s32 @!p1 $0x0  }
0x14: {  	s2 =	sld [smem:$0x3F92];
	s0 =	simm.s32 @p1 $0x1  }
0x15: {  	[smem:$0x3FAF] =	sst s0;
	s0 =	simm.s32 @!p2 $0x0  }
0x16: {  	s3 =	sld [smem:$0x3FDB];
	s0 =	simm.s32 @p2 $0x1  }
0x17: {  	s4 =	simm.s32 $0x1BF5;
	[smem:$0x3FB1] =	sst s0  }
0x18: {  	s0 =	sld [smem:$0x3F94];
	_ =	swait.ge [sflag:s4], $0x0  }
0x19: {  	s7 =	sld [smem:$0x3F95]  }
0x1a: {  	s8 =	sadd.s32 $0xFFFFE003, lr  }
0x1b: {  	s9 =	sadd.s32 $0xFFFFFEF7, lr;
	s5 =	simm.s32 $0xFFFFFFFF;
	p2 =	slt.u32 s8, $0xFFFFF086  }
0x1c: {  	p1 =	slt.u32 s9, $0xF7A;
	s5 =	simm.s32 @!p2 $0x0  }
0x1d: {  	s5 =	simm.s32 @p1 $0x1;
	p0 =	seq.s32 s7, s2  }
0x1e: {  	s7 =	smul.u32 @!p0 $0xF7A, s2;
	p2 =	seq.s32 @!p0 s5, $0x0  }
0x1f: {  	s9 =	smul.u32 $0xF7A, s1;
	s8 =	simm.s32 @!p0 $0x1BF5;
	p2 =	por !p2, p0  }
0x20: {  	[sflag:s8] =	ssyncset.s32 @!p0 $0xFFFFF086;
	s6 =	sadd.s32 @!p0 s3, s7;
	s7 =	simm.s32 @!p0 $0x108  }
0x21: {  	s3 =	sadd.s32 s3, s9;
	s6 =	sadd.s32 @!p0 $0x88, s6;
	s7 =	simm.s32 @p2 $0x1082  }
0x22: {  	[simem:s7], [sflag:s8] =	dma.local @!p0 [hbm:s6], $0xF7A  }
0x23: {  	s9 =	sor.u32 $0xD0000000, s2;
	s6 =	simm.s32 $0x108;
	_ =	swait.ge @!p0 [sflag:s8], $0x0  }
0x24: {  	s3 =	sadd.s32 $0x88, s3;
	s6 =	simm.s32 @!p1 $0x1082;
	[sflag:s4] =	ssyncset.s32 $0xFFFFF086  }
0x25: {  	[simem:s6], [sflag:s4] =	dma.local [hbm:s3], $0xF7A  }
0x26: {  	[smem:$0x3F95] =	sst s1;
	(tag) =	ssettag s2;
	_ =	strace s9  }
0x27: {  	s1 =	sld [smem:$0x3FA5]  }
0x28: {  	s2 =	sld [smem:$0x3FA6]  }
0x29: {  	s4 =	sld [smem:$0x3FA8]  }
0x2a: {  	p0 =	seq.s32 s5, $0x0;
	s5 =	sld [smem:$0x3FA9]  }
0x2b: {  	s6 =	sld [smem:$0x3FAA]  }
0x2c: {  	s7 =	sld [smem:$0x3FAB]  }
0x2d: {  	s3 =	simm.s32 $0x108;
	s8 =	sld [smem:$0x3FAC]  }
0x2e: {  	s3 =	simm.s32 @!p0 $0x1082;
	s9 =	sld [smem:$0x3FAD]  }
0x2f: {  	lr =	sadd.s32 s0, s3;
	s0 =	sld [smem:$0x3FA4]  }
0x30: {  	s3 =	sld [smem:$0x3FA7]  }
0x31: {  	[smem:$0x3FB0] =	sst s10  }
0x32: {  	s10 =	sld [smem:$0x3FAE];
	_ =	sdelay $0x3  }
0x33: {  	p0 =	seq.s32 s10, $0x1;
	s10 =	sld [smem:$0x3FB0];
	_ =	sdelay $0x3  }
0x34: {  	[smem:$0x3FB0] =	sst s10  }
0x35: {  	s10 =	sld [smem:$0x3FAF];
	_ =	sdelay $0x3  }
0x36: {  	p1 =	seq.s32 s10, $0x1;
	s10 =	sld [smem:$0x3FB0];
	_ =	sdelay $0x3  }
0x37: {  	[smem:$0x3FB0] =	sst s10  }
0x38: {  	s10 =	sld [smem:$0x3FB1]  }
0x39: {  	_ = 	snop;
	(pc) =	sbr.ind lr, $3  }
0x3a: {  	_ = 	snop  }
0x3b: {  	_ = 	snop  }
0x3c: {  	p2 =	seq.s32 s10, $0x1;
	s10 =	sld [smem:$0x3FB0]  }
0x3d: {  	_ =	shalt  }
0x3e: {  	_ =	shalt  }
0x3f: {  	_ =	shalt  }
0x40: {  	_ =	shalt  }
0x41: {  	_ =	shalt  }
0x42: {  	_ =	shalt  }
0x43: {  	_ =	shalt  }
0x44: {  	_ =	shalt  }
0x45: {  	_ =	shalt  }
0x46: {  	_ =	shalt  }
0x47: {  	_ =	shalt  }
0x48: {  	_ =	shalt  }
0x49: {  	_ =	shalt  }
0x4a: {  	_ =	shalt  }
0x4b: {  	_ =	shalt  }
0x4c: {  	_ =	shalt  }
0x4d: {  	_ =	shalt  }
0x4e: {  	_ =	shalt  }
0x4f: {  	_ =	shalt  }
0x50: {  	_ =	shalt  }
0x51: {  	_ =	shalt  }
0x52: {  	_ =	shalt  }
0x53: {  	_ =	shalt  }
0x54: {  	_ =	shalt  }
0x55: {  	_ =	shalt  }
0x56: {  	_ =	shalt  }
0x57: {  	_ =	shalt  }
0x58: {  	_ =	shalt  }
0x59: {  	_ =	shalt  }
0x5a: {  	_ =	shalt  }
0x5b: {  	_ =	shalt  }
0x5c: {  	_ =	shalt  }
0x5d: {  	_ =	shalt  }
0x5e: {  	_ =	shalt  }
0x5f: {  	_ =	shalt  }
0x60: {  	_ =	shalt  }
0x61: {  	_ =	shalt  }
0x62: {  	_ =	shalt  }
0x63: {  	_ =	shalt  }
0x64: {  	_ =	shalt  }
0x65: {  	_ =	shalt  }
0x66: {  	_ =	shalt  }
0x67: {  	_ =	shalt  }
0x68: {  	_ =	shalt  }
0x69: {  	_ =	shalt  }
0x6a: {  	_ =	shalt  }
0x6b: {  	_ =	shalt  }
0x6c: {  	_ =	shalt  }
0x6d: {  	_ =	shalt  }
0x6e: {  	_ =	shalt  }
0x6f: {  	_ =	shalt  }
0x70: {  	_ =	shalt  }
0x71: {  	_ =	shalt  }
0x72: {  	_ =	shalt  }
0x73: {  	_ =	shalt  }
0x74: {  	_ =	shalt  }
0x75: {  	_ =	shalt  }
0x76: {  	_ =	shalt  }
0x77: {  	_ =	shalt  }
0x78: {  	_ =	shalt  }
0x79: {  	_ =	shalt  }
0x7a: {  	_ =	shalt  }
0x7b: {  	_ =	shalt  }
0x7c: {  	_ =	shalt  }
0x7d: {  	_ =	shalt  }
0x7e: {  	_ =	shalt  }
0x7f: {  	_ =	shalt  }
0x80: {  	_ =	shalt  }
0x81: {  	_ =	shalt  }
0x82: {  	_ =	shalt  }
0x83: {  	_ =	shalt  }
0x84: {  	_ =	shalt  }
0x85: {  	_ =	shalt  }
0x86: {  	_ =	shalt  }
0x87: {  	_ =	shalt  }
.Lfunc_end0:
.L_simem_size_0:
called_computation.3_lowered:
.L_overlay_start_0:
0x88: {  	s2 =	sld [smem:$0x3FD9]  }
0x89: {  	s3 =	sld [smem:$0x3FFE];
	_ =	sdelay $0x1  }
0x8a: {  	s1 =	srdreg.scid  }
0x8b: {  	s0 =	sand.u32 $0x1, s1  }
0x8c: {  	s16 =	sshll.u32 s0, $0xA;
	s2 =	sadd.s32 s3, s2  }
0x8d: {  	s2 =	sadd.s32 s2, s16  }
0x8e: {  	[smem:$0x3FBC] =	sst s2  }
0x8f: {  	_ = 	snop  }
0x90: {  	(tm) =	ssettm $0x1  }
0x91: {  	s17 =	sld [smem:$0x3FFB];
	_ =	sdelay $0x3  }
0x92: {  	_ =	strace s17  }
0x93: {  	s2 =	sld [smem:$0x3FFC];
	_ =	sdelay $0x3  }
0x94: {  	_ =	strace s2  }
0x95: {  	s2 =	sld [smem:$0x3FFD];
	_ =	sdelay $0x3  }
0x96: {  	_ =	strace s2  }
0x97: {  	_ =	strace $0x8FFFFFFF  }
0x98: {  	s18 =	sld [smem:$0x3FDB];
	_ =	sdelay $0x1  }
0x99: {  	s19 =	simm.s32 $_scs_section_size  }
0x9a: {  	s4 =	simm.s32 $_size__tile_overlayer_lowered;
	s5 =	simm.s32 $_tile_overlayer_lowered  }
0x9b: {  	s22 =	simm.s32 $0x1BFF;
	s21 =	sshll.u32 s5, $0x1;
	s2 =	sadd.s32 s19, s18  }
0x9c: {  	s6 =	simm.s32 $0x0;
	s20 =	sshll.u32 s4, $0x1;
	s4 =	sadd.s32 s21, s2  }
0x9d: {  	[timem:s6], [sflag:s22] =	dma.local [hbm:s4], s20  }
0x9e: {  	_ =	swait.ge [sflag:s22], s20  }
0x9f: {  	s3 =	ssub.s32 $0x0, s20;
	[sflag:s22] =	ssyncset.done $0x0  }
0xa0: {  	[sflag:s22] =	ssyncadd.s32 s3;
	_ =	sdelay $0x1  }
0xa1: {  	s23 =	simm.s32 $0x1B8B  }
0xa2: {  	_ =	swait.ge [sflag:s23], $0x1  }
0xa3: {  	[sflag:s23] =	ssyncset.done $0x0  }
0xa4: {  	s25 =	simm.s32 $0x1B8E;
	s24 =	sld [smem:$0x3FFE];
	[sflag:s23] =	ssyncadd.s32 $0xFFFFFFFF  }
0xa5: {  	s26 =	simm.s32 $execute0_lowered;
	[smem:$0x3FD2] =	sst s25  }
0xa6: {  	s4 =	sshll.u32 s26, $0x1;
	_ =	strace $0x8000004F;
	[dreg:$0x1] =	wrdreg $0xFFFFFFFF  }
0xa7: {  	s28 =	simm.s32 $_size_execute0_lowered;
	s2 =	sadd.s32 s2, s4;
	[dreg:$0x0] =	wrdreg $0x0  }
0xa8: {  	s4 =	sshll.u32 s28, $0x1;
	[dreg:$0x2] =	wrdreg s2  }
0xa9: {  	[dreg:$0x3] =	wrdreg s4  }
0xaa: {  	[dreg:$0x4] =	wrdreg $0xC0  }
0xab: {  	_ =	task [dreg:s6], $0x5FFFF  }
0xac: {  	[dreg:$0x1] =	wrdreg $0xFFFFFFFF  }
0xad: {  	[dreg:$0x0] =	wrdreg $0x60  }
0xae: {  	[dreg:$0x2] =	wrdreg s24  }
0xaf: {  	[dreg:$0x3] =	wrdreg $0x48000  }
0xb0: {  	[dreg:$0x4] =	wrdreg $0x9  }
0xb1: {  	_ =	task.clear_ibuf [dreg:s6], $0x5FFFF;
	_ =	strace $0x9000004F  }
0xb2: {  	s29 =	simm.s32 $0x9;
	_ =	strace $0x80000051  }
0xb3: {  	_ =	swait.ge [sflag:s29], $0x1  }
0xb4: {  	[sflag:s29] =	ssyncadd.s32 $0xFFFFFFFF  }
0xb5: {  	_ =	strace $0x90000051  }
0xb6: {  	_ =	sfence  }
0xb7: {  	s30 =	sld [smem:$0x0];
	_ =	sdelay $0x2  }
0xb8: {  	s31 =	sshll.u32 s1, $0xD;
	s1 =	sshrl.u32 s1, $0x2  }
0xb9: {  	s3 =	sand.u32 $0x4000, s31;
	s1 =	sadd.s32 s1, s30  }
0xba: {  	s0 =	sor.u32 s3, s0;
	s1 =	sshll.u32 s1, $0x11  }
0xbb: {  	s0 =	sor.u32 s1, s0  }
0xbc: {  	s0 =	sadd.s32 $0x8F2B, s0  }
0xbd: {  	[sflag:s0] =	ssyncadd.remote.s32 $0x1  }
0xbe: {  	_ =	sfence.sel $0xFFFF  }
0xbf: {  	[dreg:$0x0] =	wrdreg $0xFFFFFFFF;
	(pc) =	sbr.abs _section_cstart, $3  }
0xc0: {  	[dreg:$0x1] =	wrdreg $0xFFFFFFFF  }
0xc1: {  	_ =	task.clear_ibuf [dreg:s6], $0x2FFFF;
	_ =	strace $0x9FFFFFFF  }
0xc2: {  	(tm) =	ssettm $0x7FFFFFFF  }
0xc3: {  	_ =	shalt  }
tec
execute0_lowered:
.L_overlay_start_1:
0x0: {  	(tag) =	ssettag $0x1  }
0x1: {  	s0 =	rddreg [dreg:$0x0]  }
0x2: {  	s1 =	rddreg [dreg:$0x1];
	s2 =	srdreg.scid;
	s3 =	simm.s32 $0x0  }
0x3: {  	s15 =	stileid.u32;
	s12 =	simm.s32 $0x5;
	s17 =	simm.s32 $0x80  }
0x4: {  	s18 =	simm.s32 $0x2800;
	s19 =	simm.s32 $0x3000;
	s21 =	simm.s32 $0x3800  }
0x5: {  	s22 =	simm.s32 $0x1;
	s23 =	simm.s32 $0x4000;
	s24 =	simm.s32 $0x2  }
0x6: {  	s25 =	simm.s32 $0x3;
	s26 =	simm.s32 $0x4;
	s29 =	simm.s32 $0x2600  }
0x7: {  	s30 =	simm.s32 $0x2680;
	s31 =	simm.s32 $0x2700;
	s2 =	sand.u32 $0x1, s2  }
0x8: {  	[smem:$0x7FF] =	sst s3;
	s8 =	smul.u32 $0x2780, s15;
	s14 =	sadd.s32 $0x25080, s1  }
0x9: {  	p0 =	seq.s32 s15, $0xF;
	s4 =	sshll.u32 s2, $0x4;
	_ =	strace $0x80000050  }
0xa: {  	s7 =	smul.u32 $0x4E40, s2;
	s2 =	ssub.s32 $0x2, s2;
	s14 =	sshrl.u32 @p0 s14, $0x3  }
0xb: {  	s5 =	sor.u32 s15, s4;
	s4 =	sadd.s32 $0x3400, s0;
	s28 =	sshrl.u32 s2, $0x1  }
0xc: {  	s13 =	sadd.s32 s8, s1;
	s6 =	smul.u32 $0x280, s5;
	s5 =	sshrl.u32 s8, $0x3  }
0xd: {  	s11 =	sadd.s32 s7, s0;
	s2 =	ssub.s32 s2, s28;
	s10 =	sadd.s32 s5, s0  }
0xe: {  	s16 =	sshrl.u32 @!p0 s13, $0x3;
	s9 =	sadd.s32 s6, s0;
	s8 =	sadd.s32 $0x60800, s10  }
0xf: {  	s10 =	sadd.s32 $0x12400, s11;
	s11 =	smax.u32 s2, $0x1;
	s6 =	sadd.s32 $0xD400, s9  }
0x10: {  	s7 =	sadd.s32 $0x8400, s9;
	s9 =	sadd.s32 $0x65210, s0;
	s0 =	sshll.u32 @!p0 s15, $0x6  }
0x11: {  	s2 =	simm.s32 $0x0;
	s15 =	sor.u32 @!p0 $0x1C05, s0;
	s0 =	simm.s32 $0x2780  }
.LBB2_1:
0x12: {  	[tilespmem:s3], [sflag:$0x5] =	stream.linear.gather [hbm4b:s6+s3], $0x1400, $0x38;
	[tilespmem:$0x6F20] =	vst v63  }
0x13: {  	_ =	swait.ge [sflag:s12], $0x1400  }
0x14: {  	[sflag:s12] =	ssyncset.done $0x0  }
0x15: {  	s13 =	simm.s32 $0x1400;
	[sflag:s12] =	ssyncadd.s32 $0xFFFFEC00  }
0x16: {  	[tilespmem:s13], [sflag:$0x5] =	stream.linear.gather [hbm4b:s7+s3], $0x1400, $0x38;
	[tilespmem:$0x6F20] =	vst v63  }
0x17: {  	_ =	swait.ge [sflag:s12], $0x1400  }
0x18: {  	[sflag:s12] =	ssyncset.done $0x0  }
0x19: {  	s13 =	simm.s32 @p0 $0x1FC5;
	[sflag:s12] =	ssyncadd.s32 $0xFFFFEC00  }
0x1a: {  	[spmem:s14], [sflag:s13] =	dma.local @p0 [hbm:s9], $0x410  }
0x1b: {  	s13 =	simm.s32 @p0 $0x5  }
0x1c: {  	_ =	swait.ge @p0 [sflag:s13], $0x410  }
0x1d: {  	[sflag:s13] =	ssyncset.done @p0 $0x0  }
0x1e: {  	[sflag:s13] =	ssyncadd.s32 @p0 $0xFFFFFBF0;
	s13 =	simm.s32 @!p0 $0x5  }
0x1f: {  	[spmem:s16], [sflag:s15] =	dma.local @!p0 [hbm:s8], $0x4F0  }
0x20: {  	_ =	swait.ge @!p0 [sflag:s13], $0x4F0  }
0x21: {  	[sflag:s13] =	ssyncset.done @!p0 $0x0  }
0x22: {  	[sflag:s13] =	ssyncadd.s32 @!p0 $0xFFFFFB10  }
0x23: {  	[bflag:$0x0] =	sbarrier.arrive $0xFFFF  }
0x24: {  	[tilespmem:s18], [sflag:$0x1] =	stream.indirect.gather [hbm4b:s4+s17], $0x10, s3, s17, $0xb8;
	[tilespmem:$0x6F20] =	vst v63  }
0x25: {  	_ = 	snop  }
0x26: {  	[tilespmem:s19], [sflag:$0x2] =	stream.indirect.gather [hbm4b:s4+s17], $0x10, s17, s17, $0xb8;
	[tilespmem:$0x6F20] =	vst v63  }
0x27: {  	s28 =	simm.s32 $0x100  }
0x28: {  	[tilespmem:s21], [sflag:$0x3] =	stream.indirect.gather [hbm4b:s4+s17], $0x10, s28, s17, $0xb8;
	[tilespmem:$0x6F20] =	vst v63  }
0x29: {  	_ =	swait.ge [sflag:s22], $0x800  }
0x2a: {  	[sflag:s22] =	ssyncset.done $0x0  }
0x2b: {  	s20 =	simm.s32 $0x180;
	[sflag:s22] =	ssyncadd.s32 $0xFFFFF800  }
0x2c: {  	[tilespmem:s23], [sflag:$0x4] =	stream.indirect.gather [hbm4b:s4+s17], $0x10, s20, s17, $0xb8;
	[tilespmem:$0x6F20] =	vst v63  }
0x2d: {  	s28 =	simm.s32 $0x1400  }
0x2e: {  	[spmem:s1] =	stream.indirect.scatter.add.f32 [tilespmem:s18], [sflag:$0x5], $0x10, s28, s17, $0xb8;
	[tilespmem:$0x6F20] =	vst v63  }
0x2f: {  	_ =	swait.ge [sflag:s12], $0x800  }
0x30: {  	[sflag:s12] =	ssyncset.done $0x0  }
0x31: {  	[sflag:s12] =	ssyncadd.s32 $0xFFFFF800  }
0x32: {  	_ =	swait.ge [sflag:s24], $0x800  }
0x33: {  	[sflag:s24] =	ssyncset.done $0x0  }
0x34: {  	s20 =	simm.s32 $0x200;
	[sflag:s24] =	ssyncadd.s32 $0xFFFFF800  }
0x35: {  	[tilespmem:s18], [sflag:$0x1] =	stream.indirect.gather [hbm4b:s4+s17], $0x10, s20, s17, $0xb8;
	[tilespmem:$0x6F20] =	vst v63  }
0x36: {  	s28 =	simm.s32 $0x1480  }
0x37: {  	[spmem:s1] =	stream.indirect.scatter.add.f32 [tilespmem:s19], [sflag:$0x5], $0x10, s28, s17, $0xb8;
	[tilespmem:$0x6F20] =	vst v63  }
0x38: {  	_ =	swait.ge [sflag:s12], $0x800  }
0x39: {  	[sflag:s12] =	ssyncset.done $0x0  }
0x3a: {  	[sflag:s12] =	ssyncadd.s32 $0xFFFFF800  }
0x3b: {  	_ =	swait.ge [sflag:s25], $0x800  }
0x3c: {  	[sflag:s25] =	ssyncset.done $0x0  }
0x3d: {  	s20 =	simm.s32 $0x280;
	[sflag:s25] =	ssyncadd.s32 $0xFFFFF800  }
0x3e: {  	[tilespmem:s19], [sflag:$0x2] =	stream.indirect.gather [hbm4b:s4+s17], $0x10, s20, s17, $0xb8;
	[tilespmem:$0x6F20] =	vst v63  }
0x3f: {  	s28 =	simm.s32 $0x1500  }
0x40: {  	[spmem:s1] =	stream.indirect.scatter.add.f32 [tilespmem:s21], [sflag:$0x5], $0x10, s28, s17, $0xb8;
	[tilespmem:$0x6F20] =	vst v63  }
0x41: {  	_ =	swait.ge [sflag:s12], $0x800  }
0x42: {  	[sflag:s12] =	ssyncset.done $0x0  }
0x43: {  	[sflag:s12] =	ssyncadd.s32 $0xFFFFF800  }
0x44: {  	_ =	swait.ge [sflag:s26], $0x800  }
0x45: {  	[sflag:s26] =	ssyncset.done $0x0  }
0x46: {  	s20 =	simm.s32 $0x300;
	[sflag:s26] =	ssyncadd.s32 $0xFFFFF800  }
0x47: {  	[tilespmem:s21], [sflag:$0x3] =	stream.indirect.gather [hbm4b:s4+s17], $0x10, s20, s17, $0xb8;
	[tilespmem:$0x6F20] =	vst v63  }
0x48: {  	s28 =	simm.s32 $0x1580  }
0x49: {  	[spmem:s1] =	stream.indirect.scatter.add.f32 [tilespmem:s23], [sflag:$0x5], $0x10, s28, s17, $0xb8;
	[tilespmem:$0x6F20] =	vst v63  }
0x4a: {  	_ =	swait.ge [sflag:s12], $0x800  }
0x4b: {  	s13 =	simm.s32 $0x800;
	[sflag:s12] =	ssyncset.done $0x0  }
.LBB2_2:
0x4c: {  	p1 =	sne.s32 s13, $0x4000  }
0x4d: {  	[sflag:s12] =	ssyncadd.s32 $0xFFFFF800;
	s20 =	smov.u32 s13;
	s13 =	sadd.s32 $0x800, s13  }
0x4e: {  	_ = 	snop  }
0x4f: {  	_ =	swait.ge [sflag:s22], $0x800  }
0x50: {  	s20 =	sshra.s32 s20, $0x2;
	[sflag:s22] =	ssyncset.done $0x0  }
0x51: {  	s28 =	sadd.s32 $0x180, s20;
	[sflag:s22] =	ssyncadd.s32 $0xFFFFF800  }
0x52: {  	[tilespmem:s23], [sflag:$0x4] =	stream.indirect.gather [hbm4b:s4+s17], $0x10, s28, s17, $0xb8;
	[tilespmem:$0x6F20] =	vst v63  }
0x53: {  	s28 =	sadd.s32 $0x1400, s20  }
0x54: {  	[spmem:s1] =	stream.indirect.scatter.add.f32 [tilespmem:s18], [sflag:$0x5], $0x10, s28, s17, $0xb8;
	[tilespmem:$0x6F20] =	vst v63  }
0x55: {  	_ =	swait.ge [sflag:s12], $0x800  }
0x56: {  	[sflag:s12] =	ssyncset.done $0x0  }
0x57: {  	[sflag:s12] =	ssyncadd.s32 $0xFFFFF800  }
0x58: {  	_ =	swait.ge [sflag:s24], $0x800  }
0x59: {  	[sflag:s24] =	ssyncset.done $0x0  }
0x5a: {  	s28 =	sadd.s32 $0x200, s20;
	[sflag:s24] =	ssyncadd.s32 $0xFFFFF800  }
0x5b: {  	[tilespmem:s18], [sflag:$0x1] =	stream.indirect.gather [hbm4b:s4+s17], $0x10, s28, s17, $0xb8;
	[tilespmem:$0x6F20] =	vst v63  }
0x5c: {  	s28 =	sadd.s32 $0x1480, s20  }
0x5d: {  	[spmem:s1] =	stream.indirect.scatter.add.f32 [tilespmem:s19], [sflag:$0x5], $0x10, s28, s17, $0xb8;
	[tilespmem:$0x6F20] =	vst v63  }
0x5e: {  	_ =	swait.ge [sflag:s12], $0x800  }
0x5f: {  	[sflag:s12] =	ssyncset.done $0x0  }
0x60: {  	[sflag:s12] =	ssyncadd.s32 $0xFFFFF800  }
0x61: {  	_ =	swait.ge [sflag:s25], $0x800  }
0x62: {  	[sflag:s25] =	ssyncset.done $0x0  }
0x63: {  	s28 =	sadd.s32 $0x280, s20;
	[sflag:s25] =	ssyncadd.s32 $0xFFFFF800  }
0x64: {  	[tilespmem:s19], [sflag:$0x2] =	stream.indirect.gather [hbm4b:s4+s17], $0x10, s28, s17, $0xb8;
	[tilespmem:$0x6F20] =	vst v63  }
0x65: {  	s28 =	sadd.s32 $0x1500, s20  }
0x66: {  	[spmem:s1] =	stream.indirect.scatter.add.f32 [tilespmem:s21], [sflag:$0x5], $0x10, s28, s17, $0xb8;
	[tilespmem:$0x6F20] =	vst v63  }
0x67: {  	_ =	swait.ge [sflag:s12], $0x800  }
0x68: {  	[sflag:s12] =	ssyncset.done $0x0  }
0x69: {  	[sflag:s12] =	ssyncadd.s32 $0xFFFFF800  }
0x6a: {  	_ =	swait.ge [sflag:s26], $0x800  }
0x6b: {  	[sflag:s26] =	ssyncset.done $0x0  }
0x6c: {  	s28 =	sadd.s32 $0x300, s20;
	[sflag:s26] =	ssyncadd.s32 $0xFFFFF800  }
0x6d: {  	[tilespmem:s21], [sflag:$0x3] =	stream.indirect.gather [hbm4b:s4+s17], $0x10, s28, s17, $0xb8;
	[tilespmem:$0x6F20] =	vst v63  }
.Ltmp0:
0x6e: {  	_ = 	snop;
	(pc) =	sbr.rel @p1 .LBB2_2-.Ltmp0, $4  }
0x6f: {  	s20 =	sadd.s32 $0x1580, s20  }
0x70: {  	[spmem:s1] =	stream.indirect.scatter.add.f32 [tilespmem:s23], [sflag:$0x5], $0x10, s20, s17, $0xb8;
	[tilespmem:$0x6F20] =	vst v63  }
0x71: {  	_ =	swait.ge [sflag:s12], $0x800  }
0x72: {  	[sflag:s12] =	ssyncset.done $0x0  }
0x73: {  	[sflag:s12] =	ssyncadd.s32 $0xFFFFF800  }
0x74: {  	_ =	swait.ge [sflag:s22], $0x800  }
0x75: {  	[sflag:s22] =	ssyncset.done $0x0  }
0x76: {  	s13 =	simm.s32 $0x1380;
	[sflag:s22] =	ssyncadd.s32 $0xFFFFF800  }
0x77: {  	[tilespmem:s23], [sflag:$0x4] =	stream.indirect.gather [hbm4b:s4+s17], $0x10, s13, s17, $0xb8;
	[tilespmem:$0x6F20] =	vst v63  }
0x78: {  	_ = 	snop  }
0x79: {  	[spmem:s1] =	stream.indirect.scatter.add.f32 [tilespmem:s18], [sflag:$0x5], $0x10, s29, s17, $0xb8;
	[tilespmem:$0x6F20] =	vst v63  }
0x7a: {  	_ =	swait.ge [sflag:s12], $0x800  }
0x7b: {  	[sflag:s12] =	ssyncset.done $0x0  }
0x7c: {  	[sflag:s12] =	ssyncadd.s32 $0xFFFFF800  }
0x7d: {  	_ =	swait.ge [sflag:s24], $0x800  }
0x7e: {  	[sflag:s24] =	ssyncset.done $0x0  }
0x7f: {  	[sflag:s24] =	ssyncadd.s32 $0xFFFFF800  }
0x80: {  	[spmem:s1] =	stream.indirect.scatter.add.f32 [tilespmem:s19], [sflag:$0x5], $0x10, s30, s17, $0xb8;
	[tilespmem:$0x6F20] =	vst v63  }
0x81: {  	_ =	swait.ge [sflag:s12], $0x800  }
0x82: {  	[sflag:s12] =	ssyncset.done $0x0  }
0x83: {  	[sflag:s12] =	ssyncadd.s32 $0xFFFFF800  }
0x84: {  	_ =	swait.ge [sflag:s25], $0x800  }
0x85: {  	[sflag:s25] =	ssyncset.done $0x0  }
0x86: {  	[sflag:s25] =	ssyncadd.s32 $0xFFFFF800  }
0x87: {  	[spmem:s1] =	stream.indirect.scatter.add.f32 [tilespmem:s21], [sflag:$0x5], $0x10, s31, s17, $0xb8;
	[tilespmem:$0x6F20] =	vst v63  }
0x88: {  	_ =	swait.ge [sflag:s12], $0x800  }
0x89: {  	[sflag:s12] =	ssyncset.done $0x0  }
0x8a: {  	[sflag:s12] =	ssyncadd.s32 $0xFFFFF800  }
0x8b: {  	_ =	swait.ge [sflag:s26], $0x800  }
0x8c: {  	[sflag:s26] =	ssyncset.done $0x0  }
0x8d: {  	[sflag:s26] =	ssyncadd.s32 $0xFFFFF800  }
0x8e: {  	[spmem:s1] =	stream.indirect.scatter.add.f32 [tilespmem:s23], [sflag:$0x5], $0x10, s0, s17, $0xb8;
	[tilespmem:$0x6F20] =	vst v63  }
0x8f: {  	_ =	swait.ge [sflag:s12], $0x800  }
0x90: {  	[sflag:s12] =	ssyncset.done $0x0  }
0x91: {  	[sflag:s12] =	ssyncadd.s32 $0xFFFFF800  }
0x92: {  	s20 =	simm.s32 @p0 $0x1FC5;
	s13 =	sadd.s32 @p0 $0x4A10, s10;
	[bflag:$0x0] =	sbarrier.arrive $0xFFFF  }
0x93: {  	[hbm:s13], [sflag:s20] =	dma.local @p0 [spmem:s14], $0x430  }
0x94: {  	s13 =	simm.s32 @p0 $0x5  }
0x95: {  	_ =	swait.ge @p0 [sflag:s13], $0x430  }
0x96: {  	s2 =	sadd.s32 $0x1, s2;
	[sflag:s13] =	ssyncset.done @p0 $0x0  }
0x97: {  	p1 =	sne.s32 s2, s11;
	[sflag:s13] =	ssyncadd.s32 @p0 $0xFFFFFBD0;
	s13 =	sadd.s32 @!p0 s5, s10  }
0x98: {  	[hbm:s13], [sflag:s15] =	dma.local @!p0 [spmem:s16], $0x4F0  }
.Ltmp1:
0x99: {  	_ = 	snop;
	(pc) =	sbr.rel @p1 .LBB2_1-.Ltmp1, $4  }
0x9a: {  	s13 =	simm.s32 @!p0 $0x5  }
0x9b: {  	_ =	swait.ge @!p0 [sflag:s13], $0x4F0  }
0x9c: {  	[sflag:s13] =	ssyncset.done @!p0 $0x0  }
0x9d: {  	[sflag:s13] =	ssyncadd.s32 @!p0 $0xFFFFFB10  }
0x9e: {  	_ =	sfence.sel $0x180000  }
0x9f: {  	[bflag:$0x0] =	sbarrier.arrive $0xFFFF  }
0xa0: {  	_ =	strace $0x90000050  }
0xa1: {  	s0 =	stileid.u32;
	[bflag:$0x2] =	sbarrier.arrive $0xFFFF  }
0xa2: {  	p0 =	sne.s32 s0, $0x0;
	s0 =	rddreg [dreg:$0x2]  }
0xa3: {  	s0 =	sadd.s32 @!p0 $0x100000, s0  }
0xa4: {  	[sflag:s0] =	ssyncadd.tile.s32 @!p0 $0x1;
	_ =	shalt  }
.Lfunc_end2:
_tile_overlayer_lowered:
.L_overlay_start_2:
0xa5: {  	(tag) =	ssettag $0x2  }
0xa6: {  	s0 =	rddreg [dreg:$0x0];
	s2 =	stileid.u32  }
0xa7: {  	s1 =	rddreg [dreg:$0x1];
	p0 =	sne.s32 s2, $0x0  }
0xa8: {  	s3 =	rddreg [dreg:$0x2];
	[bflag:$0x3] =	sbarrier.arrive $0xFFFF;
	s2 =	simm.s32 @!p0 $0x1C05  }
0xa9: {  	[timem:s3], [sflag:s2] =	dma.local @!p0 [hbm:s0], s1  }
0xaa: {  	s0 =	simm.s32 @!p0 $0x5  }
0xab: {  	_ =	swait.ge @!p0 [sflag:s0], s1  }
0xac: {  	s1 =	ssub.s32 @!p0 $0x0, s1;
	[sflag:s0] =	ssyncset.done @!p0 $0x0  }
0xad: {  	[sflag:s0] =	ssyncadd.s32 @!p0 s1  }
0xae: {  	[bflag:$0x3] =	sbarrier.arrive $0xFFFF  }
0xaf: {  	_ =	shalt  }

</sc_bundles>
